<compile_context>
chip_gen: v7x
topology: tpu7x:2x2x1
jax: 0.10.2.dev20260603
libtpu: 0.0.44.dev20260713+nightly
codegen_flags: <defaults>
</compile_context>

<pallas_src>
import functools

import jax
import jax.numpy as jnp
from jax import lax
from jax.experimental import pallas as pl
from jax.experimental.pallas import tpu as pltpu
from jax.experimental.pallas import tpu_sc as plsc

_B, _C, _H, _W, _K = 8, 3, 512, 512, 21
_BETA = 1.0
_HW = _H * _W
_NC, _NS, _L = 2, 16, 16
_NW = _NC * _NS
_KP = 24
_ACC_ROWS = 2 * _KP
_ACC_N = _ACC_ROWS * _L
_RT = 128
_RCH = 16
_CH = _RCH * _W
_RSUB = (_H - _RT) // 4
_NCHUNK = _RSUB // _RCH
_JGRP = _W // _L
_NSLOT = 2
_BH = 64


def _sc_body(inp_hbm, tgt_hbm, msk_hbm, out_hbm,
             i0, i1, t0, t1, m0, m1, acc, sem):
    ibufs = (i0, i1)
    tbufs = (t0, t1)
    mbufs = (m0, m1)

    cc = lax.axis_index("c")
    ss = lax.axis_index("s")
    wid = cc * _NS + ss
    b = wid // 4
    r0 = _RT + (wid % 4) * _RSUB

    zero = jnp.zeros((_L,), jnp.float32)
    for k in range(_ACC_ROWS):
        acc[pl.ds(k * _L, _L)] = zero

    def _copies(g, sl):
        h0 = pl.multiple_of(r0 + g * _RCH, _RCH)
        return [
            pltpu.make_async_copy(
                inp_hbm.at[b, :, pl.ds(h0, _RCH), :], ibufs[sl], sem),
            pltpu.make_async_copy(
                tgt_hbm.at[b, :, pl.ds(h0, _RCH), :], tbufs[sl], sem),
            pltpu.make_async_copy(
                msk_hbm.at[b, pl.ds(h0, _RCH), :], mbufs[sl], sem),
        ]

    def _start(g, sl):
        for cp in _copies(g, sl):
            cp.start()

    def _wait(g, sl):
        for cp in _copies(g, sl):
            cp.wait()

    lanes = lax.broadcasted_iota(jnp.int32, (_L,), 0)
    ones = jnp.ones((_L,), jnp.float32)

    _start(0, 0)
    for g in range(_NCHUNK):
        sl = g % _NSLOT
        if g + 1 < _NCHUNK:
            _start(g + 1, 1 - sl)
        _wait(g, sl)

        ibc, tbc, mbc = ibufs[sl], tbufs[sl], mbufs[sl]

        @plsc.parallel_loop(0, _RCH * _JGRP, unroll=8)
        def _it(t):
            i = lax.shift_right_logical(t, 5)
            j = lax.shift_left(lax.bitwise_and(t, _JGRP - 1), 4)
            d = (jnp.abs(ibc[0, i, pl.ds(j, _L)] - tbc[0, i, pl.ds(j, _L)])
                 + jnp.abs(ibc[1, i, pl.ds(j, _L)] - tbc[1, i, pl.ds(j, _L)])
                 + jnp.abs(ibc[2, i, pl.ds(j, _L)] - tbc[2, i, pl.ds(j, _L)]))
            mv = mbc[i, pl.ds(j, _L)]
            idx = mv * _L + lanes
            plsc.addupdate_scatter(acc, [idx], d)
            plsc.addupdate_scatter(acc, [idx + _KP * _L], ones)

    pltpu.sync_copy(acc, out_hbm.at[pl.ds(wid * _ACC_N, _ACC_N)])


_sc_segment_sums = functools.partial(
    pl.kernel,
    mesh=plsc.VectorSubcoreMesh(core_axis_name="c", subcore_axis_name="s"),
    out_type=jax.ShapeDtypeStruct((_NW * _ACC_N,), jnp.float32),
    compiler_params=pltpu.CompilerParams(needs_layout_passes=False),
    scratch_types=(
        [pltpu.VMEM((_C, _RCH, _W), jnp.float32) for _ in range(2 * _NSLOT)]
        + [pltpu.VMEM((_RCH, _W), jnp.int32) for _ in range(_NSLOT)]
        + [pltpu.VMEM((_ACC_N,), jnp.float32), pltpu.SemaphoreType.DMA]
    ),
)(_sc_body)


def _tc_body(inp_ref, tgt_ref, msk_ref, sums_ref, cnts_ref):
    bi = pl.program_id(0)
    hi = pl.program_id(1)

    @pl.when(jnp.logical_and(bi == 0, hi == 0))
    def _():
        sums_ref[...] = jnp.zeros_like(sums_ref)
        cnts_ref[...] = jnp.zeros_like(cnts_ref)

    d = jnp.sum(jnp.abs(inp_ref[0] - tgt_ref[0]), axis=0)
    m = msk_ref[0]
    svals, cvals = [], []
    for k in range(_K):
        sel = m == k
        svals.append(jnp.sum(jnp.where(sel, d, 0.0)))
        cvals.append(jnp.sum(sel.astype(jnp.float32)))
    pad = jnp.zeros((128 - _K,), jnp.float32)
    svec = jnp.concatenate([jnp.stack(svals), pad]).reshape(1, 128)
    cvec = jnp.concatenate([jnp.stack(cvals), pad]).reshape(1, 128)
    row = (lax.broadcasted_iota(jnp.int32, (_B, 1), 0) == bi).astype(
        jnp.float32)
    sums_ref[...] += row * svec
    cnts_ref[...] += row * cvec


_tc_partial = pl.pallas_call(
    _tc_body,
    grid=(_B, _RT // _BH),
    in_specs=[
        pl.BlockSpec((1, _C, _BH, _W), lambda b, h: (b, 0, h, 0)),
        pl.BlockSpec((1, _C, _BH, _W), lambda b, h: (b, 0, h, 0)),
        pl.BlockSpec((1, _BH, _W), lambda b, h: (b, h, 0)),
    ],
    out_specs=[
        pl.BlockSpec((_B, 128), lambda b, h: (0, 0)),
        pl.BlockSpec((_B, 128), lambda b, h: (0, 0)),
    ],
    out_shape=[
        jax.ShapeDtypeStruct((_B, 128), jnp.float32),
        jax.ShapeDtypeStruct((_B, 128), jnp.float32),
    ],
    compiler_params=pltpu.CompilerParams(
        dimension_semantics=("arbitrary", "arbitrary")),
)


def kernel(input, target, mask):
    part = _sc_segment_sums(input, target, mask)
    tc_sums, tc_cnts = _tc_partial(input, target, mask)
    part = part.reshape(_B, _NW // _B, _ACC_ROWS, _L).sum(axis=(1, 3))
    sums = part[:, :_K] + tc_sums[:, :_K]
    cnts = part[:, _KP:_KP + _K] + tc_cnts[:, :_K]
    avg = sums / jnp.maximum(cnts * _C, 1.0)
    m = avg.max()
    t = (avg * sums).sum()
    total = sums.sum()
    n = _B * _C * _H * _W
    return (total + _BETA * (t / m)) / n

# --- scband reference (transcript-rebuilt; emitter-appended) ---
"""Pipeline reference for scband-focal-region-loss-67869073211922 (READ-ONLY COPY).

The authoritative reference and input builder live on the scoring server;
editing this copy changes nothing except your own understanding.
"""

import jax, jax.numpy as jnp
import numpy as np

B, C, H, W, K = 8, 3, 512, 512, 21
BETA = 1.0

def setup_inputs(seed: int = 0) -> dict:
    key = jax.random.key(seed)
    k1, k2, k3 = jax.random.split(key, 3)
    inp = jax.random.normal(k1, (B, C, H, W), dtype=jnp.float32)
    tgt = jax.random.normal(k2, (B, C, H, W), dtype=jnp.float32)
    mask = jax.random.randint(k3, (B, H, W), 0, K, dtype=jnp.int32)
    return {"input": inp, "target": tgt, "mask": mask}

def reference(input, target, mask):
    # elementwise L1 loss (reduce=False)
    loss_metric = jnp.abs(input - target)
    # weight = loss_metric.clone().detach()
    weight = jax.lax.stop_gradient(loss_metric)
    HW = H * W
    mask_flat = mask.reshape(B, HW)
    # global segment id per (batch, class)
    seg = (mask_flat + jnp.arange(B, dtype=mask_flat.dtype)[:, None] * K).reshape(-1)
    # per-pixel sum over channels; per-(batch,class) mean over C * area elements
    sum_c = weight.sum(axis=1).reshape(B * HW)
    sums = jax.ops.segment_sum(sum_c, seg, num_segments=B * K)
    counts = jax.ops.segment_sum(jnp.ones(B * HW, dtype=jnp.float32), seg, num_segments=B * K) * C
    avg = sums / jnp.maximum(counts, 1.0)
    # scatter the per-region average back to every pixel (same across channels)
    w = avg[seg].reshape(B, 1, H, W)
    w = w / w.max()
    w = jnp.clip(w, 0.0, 1.0)
    return jnp.mean(loss_metric * (w * BETA + 1.0))

if __name__ == "__main__":
    import jax
    _d = setup_inputs()
    print(jax.jit(kernel)(*tuple(_d.values())))

</pallas_src>

<mosaic_0001>
#map = affine_map<(d0, d1) -> (0, 0, 0, 0)>
#map1 = affine_map<(d0, d1) -> (0, 0, 0)>
#map2 = affine_map<(d0, d1) -> (0)>
module attributes {stable_mosaic.version = 14 : i64} {
  func.func @_sc_body(%arg0: i32, %arg1: i32, %arg2: memref<8x3x512x512xf32, #tpu.memory_space<hbm>>, %arg3: memref<8x3x512x512xf32, #tpu.memory_space<hbm>>, %arg4: memref<8x512x512xi32, #tpu.memory_space<hbm>>, %arg5: memref<24576xf32, #tpu.memory_space<hbm>>, %arg6: memref<3x16x512xf32, #tpu.memory_space<vmem>>, %arg7: memref<3x16x512xf32, #tpu.memory_space<vmem>>, %arg8: memref<3x16x512xf32, #tpu.memory_space<vmem>>, %arg9: memref<3x16x512xf32, #tpu.memory_space<vmem>>, %arg10: memref<16x512xi32, #tpu.memory_space<vmem>>, %arg11: memref<16x512xi32, #tpu.memory_space<vmem>>, %arg12: memref<768xf32, #tpu.memory_space<vmem>>, %arg13: memref<!tpu.dma_semaphore, #tpu.memory_space<semaphore_mem>>) attributes {dimension_semantics = [#tpu.dimension_semantics<core_parallel>, #tpu.dimension_semantics<subcore_parallel>], iteration_bounds = array<i64: 2, 16>, scalar_prefetch = 0 : i64, scratch_operands = 8 : i64, tpu.core_type = #tpu.core_type<sc_vector_subcore>, window_params = [{transform_indices = #map}, {transform_indices = #map}, {transform_indices = #map1}, {transform_indices = #map2}]} {
    %mul3A = arith.constant 16 : i32
    %mul3A_0 = arith.muli %arg0, %mul3A : i32
    %add3A = arith.addi %mul3A_0, %arg1 : i32
    %jit3A = arith.constant 4 : i32
    %div3A = arith.divsi %add3A, %jit3A : i32
    %sign3A = arith.constant 0 : i32
    %sign3A_1 = arith.cmpi sgt, %add3A, %sign3A : i32
    %sign3A_2 = arith.extui %sign3A_1 : i1 to i32
    %sign3A_3 = arith.constant 0 : i32
    %sign3A_4 = arith.cmpi slt, %add3A, %sign3A_3 : i32
    %sign3A_5 = arith.extui %sign3A_4 : i1 to i32
    %sign3A_6 = arith.subi %sign3A_2, %sign3A_5 : i32
    %sign3A_7 = arith.constant 0 : i32
    %sign3A_8 = arith.cmpi sgt, %jit3A, %sign3A_7 : i32
    %sign3A_9 = arith.extui %sign3A_8 : i1 to i32
    %sign3A_10 = arith.constant 0 : i32
    %sign3A_11 = arith.cmpi slt, %jit3A, %sign3A_10 : i32
    %sign3A_12 = arith.extui %sign3A_11 : i1 to i32
    %sign3A_13 = arith.subi %sign3A_9, %sign3A_12 : i32
    %ne3A = arith.cmpi ne, %sign3A_6, %sign3A_13 : i32
    %rem3A = arith.remsi %add3A, %jit3A : i32
    %ne3A_14 = arith.constant 0 : i32
    %ne3A_15 = arith.cmpi ne, %rem3A, %ne3A_14 : i32
    %and3A = arith.andi %ne3A, %ne3A_15 : i1
    %sub3A = arith.constant 1 : i32
    %sub3A_16 = arith.subi %div3A, %sub3A : i32
    %select_n3A = arith.select %and3A, %sub3A_16, %div3A : i32
    %jit3A_17 = arith.constant 4 : i32
    %eq3A = arith.constant 0 : i32
    %eq3A_18 = arith.cmpi eq, %jit3A_17, %eq3A : i32
    %jit3A_19 = arith.constant 1 : i32
    %select_n3A_20 = arith.select %eq3A_18, %jit3A_19, %jit3A_17 : i32
    %rem3A_21 = arith.remsi %add3A, %select_n3A_20 : i32
    %ne3A_22 = arith.constant 0 : i32
    %ne3A_23 = arith.cmpi ne, %rem3A_21, %ne3A_22 : i32
    %lt3A = arith.constant 0 : i32
    %lt3A_24 = arith.cmpi slt, %rem3A_21, %lt3A : i32
    %lt3A_25 = arith.constant 0 : i32
    %lt3A_26 = arith.cmpi slt, %select_n3A_20, %lt3A_25 : i32
    %ne3A_27 = arith.xori %lt3A_24, %lt3A_26 : i1
    %and3A_28 = arith.andi %ne3A_27, %ne3A_23 : i1
    %add3A_29 = arith.addi %rem3A_21, %select_n3A_20 : i32
    %select_n3A_30 = arith.select %and3A_28, %add3A_29, %rem3A_21 : i32
    %mul3A_31 = arith.constant 96 : i32
    %mul3A_32 = arith.muli %select_n3A_30, %mul3A_31 : i32
    %add3A_33 = arith.constant 128 : i32
    %add3A_34 = arith.addi %add3A_33, %mul3A_32 : i32
    %broadcast_in_dim3A = arith.constant 0.000000e+00 : f32
    %broadcast_in_dim3A_35 = vector.broadcast %broadcast_in_dim3A : f32 to vector<16xf32>
    %swap3A = arith.constant 0 : index
    %swap3A_36 = tpu.vector_load %arg12[%swap3A] {strides = array<i32>} : memref<768xf32, #tpu.memory_space<vmem>>, vector<16xf32>,
    tpu.vector_store %arg12[%swap3A], %broadcast_in_dim3A_35 {strides = array<i32>} : memref<768xf32, #tpu.memory_space<vmem>>, vector<16xf32>,
    %swap3A_37 = arith.constant 16 : index
    %swap3A_38 = tpu.vector_load %arg12[%swap3A_37] {strides = array<i32>} : memref<768xf32, #tpu.memory_space<vmem>>, vector<16xf32>,
    tpu.vector_store %arg12[%swap3A_37], %broadcast_in_dim3A_35 {strides = array<i32>} : memref<768xf32, #tpu.memory_space<vmem>>, vector<16xf32>,
    %swap3A_39 = arith.constant 32 : index
    %swap3A_40 = tpu.vector_load %arg12[%swap3A_39] {strides = array<i32>} : memref<768xf32, #tpu.memory_space<vmem>>, vector<16xf32>,
    tpu.vector_store %arg12[%swap3A_39], %broadcast_in_dim3A_35 {strides = array<i32>} : memref<768xf32, #tpu.memory_space<vmem>>, vector<16xf32>,
    %swap3A_41 = arith.constant 48 : index
    %swap3A_42 = tpu.vector_load %arg12[%swap3A_41] {strides = array<i32>} : memref<768xf32, #tpu.memory_space<vmem>>, vector<16xf32>,
    tpu.vector_store %arg12[%swap3A_41], %broadcast_in_dim3A_35 {strides = array<i32>} : memref<768xf32, #tpu.memory_space<vmem>>, vector<16xf32>,
    %swap3A_43 = arith.constant 64 : index
    %swap3A_44 = tpu.vector_load %arg12[%swap3A_43] {strides = array<i32>} : memref<768xf32, #tpu.memory_space<vmem>>, vector<16xf32>,
    tpu.vector_store %arg12[%swap3A_43], %broadcast_in_dim3A_35 {strides = array<i32>} : memref<768xf32, #tpu.memory_space<vmem>>, vector<16xf32>,
    %swap3A_45 = arith.constant 80 : index
    %swap3A_46 = tpu.vector_load %arg12[%swap3A_45] {strides = array<i32>} : memref<768xf32, #tpu.memory_space<vmem>>, vector<16xf32>,
    tpu.vector_store %arg12[%swap3A_45], %broadcast_in_dim3A_35 {strides = array<i32>} : memref<768xf32, #tpu.memory_space<vmem>>, vector<16xf32>,
    %swap3A_47 = arith.constant 96 : index
    %swap3A_48 = tpu.vector_load %arg12[%swap3A_47] {strides = array<i32>} : memref<768xf32, #tpu.memory_space<vmem>>, vector<16xf32>,
    tpu.vector_store %arg12[%swap3A_47], %broadcast_in_dim3A_35 {strides = array<i32>} : memref<768xf32, #tpu.memory_space<vmem>>, vector<16xf32>,
    %swap3A_49 = arith.constant 112 : index
    %swap3A_50 = tpu.vector_load %arg12[%swap3A_49] {strides = array<i32>} : memref<768xf32, #tpu.memory_space<vmem>>, vector<16xf32>,
    tpu.vector_store %arg12[%swap3A_49], %broadcast_in_dim3A_35 {strides = array<i32>} : memref<768xf32, #tpu.memory_space<vmem>>, vector<16xf32>,
    %swap3A_51 = arith.constant 128 : index
    %swap3A_52 = tpu.vector_load %arg12[%swap3A_51] {strides = array<i32>} : memref<768xf32, #tpu.memory_space<vmem>>, vector<16xf32>,
    tpu.vector_store %arg12[%swap3A_51], %broadcast_in_dim3A_35 {strides = array<i32>} : memref<768xf32, #tpu.memory_space<vmem>>, vector<16xf32>,
    %swap3A_53 = arith.constant 144 : index
    %swap3A_54 = tpu.vector_load %arg12[%swap3A_53] {strides = array<i32>} : memref<768xf32, #tpu.memory_space<vmem>>, vector<16xf32>,
    tpu.vector_store %arg12[%swap3A_53], %broadcast_in_dim3A_35 {strides = array<i32>} : memref<768xf32, #tpu.memory_space<vmem>>, vector<16xf32>,
    %swap3A_55 = arith.constant 160 : index
    %swap3A_56 = tpu.vector_load %arg12[%swap3A_55] {strides = array<i32>} : memref<768xf32, #tpu.memory_space<vmem>>, vector<16xf32>,
    tpu.vector_store %arg12[%swap3A_55], %broadcast_in_dim3A_35 {strides = array<i32>} : memref<768xf32, #tpu.memory_space<vmem>>, vector<16xf32>,
    %swap3A_57 = arith.constant 176 : index
    %swap3A_58 = tpu.vector_load %arg12[%swap3A_57] {strides = array<i32>} : memref<768xf32, #tpu.memory_space<vmem>>, vector<16xf32>,
    tpu.vector_store %arg12[%swap3A_57], %broadcast_in_dim3A_35 {strides = array<i32>} : memref<768xf32, #tpu.memory_space<vmem>>, vector<16xf32>,
    %swap3A_59 = arith.constant 192 : index
    %swap3A_60 = tpu.vector_load %arg12[%swap3A_59] {strides = array<i32>} : memref<768xf32, #tpu.memory_space<vmem>>, vector<16xf32>,
    tpu.vector_store %arg12[%swap3A_59], %broadcast_in_dim3A_35 {strides = array<i32>} : memref<768xf32, #tpu.memory_space<vmem>>, vector<16xf32>,
    %swap3A_61 = arith.constant 208 : index
    %swap3A_62 = tpu.vector_load %arg12[%swap3A_61] {strides = array<i32>} : memref<768xf32, #tpu.memory_space<vmem>>, vector<16xf32>,
    tpu.vector_store %arg12[%swap3A_61], %broadcast_in_dim3A_35 {strides = array<i32>} : memref<768xf32, #tpu.memory_space<vmem>>, vector<16xf32>,
    %swap3A_63 = arith.constant 224 : index
    %swap3A_64 = tpu.vector_load %arg12[%swap3A_63] {strides = array<i32>} : memref<768xf32, #tpu.memory_space<vmem>>, vector<16xf32>,
    tpu.vector_store %arg12[%swap3A_63], %broadcast_in_dim3A_35 {strides = array<i32>} : memref<768xf32, #tpu.memory_space<vmem>>, vector<16xf32>,
    %swap3A_65 = arith.constant 240 : index
    %swap3A_66 = tpu.vector_load %arg12[%swap3A_65] {strides = array<i32>} : memref<768xf32, #tpu.memory_space<vmem>>, vector<16xf32>,
    tpu.vector_store %arg12[%swap3A_65], %broadcast_in_dim3A_35 {strides = array<i32>} : memref<768xf32, #tpu.memory_space<vmem>>, vector<16xf32>,
    %swap3A_67 = arith.constant 256 : index
    %swap3A_68 = tpu.vector_load %arg12[%swap3A_67] {strides = array<i32>} : memref<768xf32, #tpu.memory_space<vmem>>, vector<16xf32>,
    tpu.vector_store %arg12[%swap3A_67], %broadcast_in_dim3A_35 {strides = array<i32>} : memref<768xf32, #tpu.memory_space<vmem>>, vector<16xf32>,
    %swap3A_69 = arith.constant 272 : index
    %swap3A_70 = tpu.vector_load %arg12[%swap3A_69] {strides = array<i32>} : memref<768xf32, #tpu.memory_space<vmem>>, vector<16xf32>,
    tpu.vector_store %arg12[%swap3A_69], %broadcast_in_dim3A_35 {strides = array<i32>} : memref<768xf32, #tpu.memory_space<vmem>>, vector<16xf32>,
    %swap3A_71 = arith.constant 288 : index
    %swap3A_72 = tpu.vector_load %arg12[%swap3A_71] {strides = array<i32>} : memref<768xf32, #tpu.memory_space<vmem>>, vector<16xf32>,
    tpu.vector_store %arg12[%swap3A_71], %broadcast_in_dim3A_35 {strides = array<i32>} : memref<768xf32, #tpu.memory_space<vmem>>, vector<16xf32>,
    %swap3A_73 = arith.constant 304 : index
    %swap3A_74 = tpu.vector_load %arg12[%swap3A_73] {strides = array<i32>} : memref<768xf32, #tpu.memory_space<vmem>>, vector<16xf32>,
    tpu.vector_store %arg12[%swap3A_73], %broadcast_in_dim3A_35 {strides = array<i32>} : memref<768xf32, #tpu.memory_space<vmem>>, vector<16xf32>,
    %swap3A_75 = arith.constant 320 : index
    %swap3A_76 = tpu.vector_load %arg12[%swap3A_75] {strides = array<i32>} : memref<768xf32, #tpu.memory_space<vmem>>, vector<16xf32>,
    tpu.vector_store %arg12[%swap3A_75], %broadcast_in_dim3A_35 {strides = array<i32>} : memref<768xf32, #tpu.memory_space<vmem>>, vector<16xf32>,
    %swap3A_77 = arith.constant 336 : index
    %swap3A_78 = tpu.vector_load %arg12[%swap3A_77] {strides = array<i32>} : memref<768xf32, #tpu.memory_space<vmem>>, vector<16xf32>,
    tpu.vector_store %arg12[%swap3A_77], %broadcast_in_dim3A_35 {strides = array<i32>} : memref<768xf32, #tpu.memory_space<vmem>>, vector<16xf32>,
    %swap3A_79 = arith.constant 352 : index
    %swap3A_80 = tpu.vector_load %arg12[%swap3A_79] {strides = array<i32>} : memref<768xf32, #tpu.memory_space<vmem>>, vector<16xf32>,
    tpu.vector_store %arg12[%swap3A_79], %broadcast_in_dim3A_35 {strides = array<i32>} : memref<768xf32, #tpu.memory_space<vmem>>, vector<16xf32>,
    %swap3A_81 = arith.constant 368 : index
    %swap3A_82 = tpu.vector_load %arg12[%swap3A_81] {strides = array<i32>} : memref<768xf32, #tpu.memory_space<vmem>>, vector<16xf32>,
    tpu.vector_store %arg12[%swap3A_81], %broadcast_in_dim3A_35 {strides = array<i32>} : memref<768xf32, #tpu.memory_space<vmem>>, vector<16xf32>,
    %swap3A_83 = arith.constant 384 : index
    %swap3A_84 = tpu.vector_load %arg12[%swap3A_83] {strides = array<i32>} : memref<768xf32, #tpu.memory_space<vmem>>, vector<16xf32>,
    tpu.vector_store %arg12[%swap3A_83], %broadcast_in_dim3A_35 {strides = array<i32>} : memref<768xf32, #tpu.memory_space<vmem>>, vector<16xf32>,
    %swap3A_85 = arith.constant 400 : index
    %swap3A_86 = tpu.vector_load %arg12[%swap3A_85] {strides = array<i32>} : memref<768xf32, #tpu.memory_space<vmem>>, vector<16xf32>,
    tpu.vector_store %arg12[%swap3A_85], %broadcast_in_dim3A_35 {strides = array<i32>} : memref<768xf32, #tpu.memory_space<vmem>>, vector<16xf32>,
    %swap3A_87 = arith.constant 416 : index
    %swap3A_88 = tpu.vector_load %arg12[%swap3A_87] {strides = array<i32>} : memref<768xf32, #tpu.memory_space<vmem>>, vector<16xf32>,
    tpu.vector_store %arg12[%swap3A_87], %broadcast_in_dim3A_35 {strides = array<i32>} : memref<768xf32, #tpu.memory_space<vmem>>, vector<16xf32>,
    %swap3A_89 = arith.constant 432 : index
    %swap3A_90 = tpu.vector_load %arg12[%swap3A_89] {strides = array<i32>} : memref<768xf32, #tpu.memory_space<vmem>>, vector<16xf32>,
    tpu.vector_store %arg12[%swap3A_89], %broadcast_in_dim3A_35 {strides = array<i32>} : memref<768xf32, #tpu.memory_space<vmem>>, vector<16xf32>,
    %swap3A_91 = arith.constant 448 : index
    %swap3A_92 = tpu.vector_load %arg12[%swap3A_91] {strides = array<i32>} : memref<768xf32, #tpu.memory_space<vmem>>, vector<16xf32>,
    tpu.vector_store %arg12[%swap3A_91], %broadcast_in_dim3A_35 {strides = array<i32>} : memref<768xf32, #tpu.memory_space<vmem>>, vector<16xf32>,
    %swap3A_93 = arith.constant 464 : index
    %swap3A_94 = tpu.vector_load %arg12[%swap3A_93] {strides = array<i32>} : memref<768xf32, #tpu.memory_space<vmem>>, vector<16xf32>,
    tpu.vector_store %arg12[%swap3A_93], %broadcast_in_dim3A_35 {strides = array<i32>} : memref<768xf32, #tpu.memory_space<vmem>>, vector<16xf32>,
    %swap3A_95 = arith.constant 480 : index
    %swap3A_96 = tpu.vector_load %arg12[%swap3A_95] {strides = array<i32>} : memref<768xf32, #tpu.memory_space<vmem>>, vector<16xf32>,
    tpu.vector_store %arg12[%swap3A_95], %broadcast_in_dim3A_35 {strides = array<i32>} : memref<768xf32, #tpu.memory_space<vmem>>, vector<16xf32>,
    %swap3A_97 = arith.constant 496 : index
    %swap3A_98 = tpu.vector_load %arg12[%swap3A_97] {strides = array<i32>} : memref<768xf32, #tpu.memory_space<vmem>>, vector<16xf32>,
    tpu.vector_store %arg12[%swap3A_97], %broadcast_in_dim3A_35 {strides = array<i32>} : memref<768xf32, #tpu.memory_space<vmem>>, vector<16xf32>,
    %swap3A_99 = arith.constant 512 : index
    %swap3A_100 = tpu.vector_load %arg12[%swap3A_99] {strides = array<i32>} : memref<768xf32, #tpu.memory_space<vmem>>, vector<16xf32>,
    tpu.vector_store %arg12[%swap3A_99], %broadcast_in_dim3A_35 {strides = array<i32>} : memref<768xf32, #tpu.memory_space<vmem>>, vector<16xf32>,
    %swap3A_101 = arith.constant 528 : index
    %swap3A_102 = tpu.vector_load %arg12[%swap3A_101] {strides = array<i32>} : memref<768xf32, #tpu.memory_space<vmem>>, vector<16xf32>,
    tpu.vector_store %arg12[%swap3A_101], %broadcast_in_dim3A_35 {strides = array<i32>} : memref<768xf32, #tpu.memory_space<vmem>>, vector<16xf32>,
    %swap3A_103 = arith.constant 544 : index
    %swap3A_104 = tpu.vector_load %arg12[%swap3A_103] {strides = array<i32>} : memref<768xf32, #tpu.memory_space<vmem>>, vector<16xf32>,
    tpu.vector_store %arg12[%swap3A_103], %broadcast_in_dim3A_35 {strides = array<i32>} : memref<768xf32, #tpu.memory_space<vmem>>, vector<16xf32>,
    %swap3A_105 = arith.constant 560 : index
    %swap3A_106 = tpu.vector_load %arg12[%swap3A_105] {strides = array<i32>} : memref<768xf32, #tpu.memory_space<vmem>>, vector<16xf32>,
    tpu.vector_store %arg12[%swap3A_105], %broadcast_in_dim3A_35 {strides = array<i32>} : memref<768xf32, #tpu.memory_space<vmem>>, vector<16xf32>,
    %swap3A_107 = arith.constant 576 : index
    %swap3A_108 = tpu.vector_load %arg12[%swap3A_107] {strides = array<i32>} : memref<768xf32, #tpu.memory_space<vmem>>, vector<16xf32>,
    tpu.vector_store %arg12[%swap3A_107], %broadcast_in_dim3A_35 {strides = array<i32>} : memref<768xf32, #tpu.memory_space<vmem>>, vector<16xf32>,
    %swap3A_109 = arith.constant 592 : index
    %swap3A_110 = tpu.vector_load %arg12[%swap3A_109] {strides = array<i32>} : memref<768xf32, #tpu.memory_space<vmem>>, vector<16xf32>,
    tpu.vector_store %arg12[%swap3A_109], %broadcast_in_dim3A_35 {strides = array<i32>} : memref<768xf32, #tpu.memory_space<vmem>>, vector<16xf32>,
    %swap3A_111 = arith.constant 608 : index
    %swap3A_112 = tpu.vector_load %arg12[%swap3A_111] {strides = array<i32>} : memref<768xf32, #tpu.memory_space<vmem>>, vector<16xf32>,
    tpu.vector_store %arg12[%swap3A_111], %broadcast_in_dim3A_35 {strides = array<i32>} : memref<768xf32, #tpu.memory_space<vmem>>, vector<16xf32>,
    %swap3A_113 = arith.constant 624 : index
    %swap3A_114 = tpu.vector_load %arg12[%swap3A_113] {strides = array<i32>} : memref<768xf32, #tpu.memory_space<vmem>>, vector<16xf32>,
    tpu.vector_store %arg12[%swap3A_113], %broadcast_in_dim3A_35 {strides = array<i32>} : memref<768xf32, #tpu.memory_space<vmem>>, vector<16xf32>,
    %swap3A_115 = arith.constant 640 : index
    %swap3A_116 = tpu.vector_load %arg12[%swap3A_115] {strides = array<i32>} : memref<768xf32, #tpu.memory_space<vmem>>, vector<16xf32>,
    tpu.vector_store %arg12[%swap3A_115], %broadcast_in_dim3A_35 {strides = array<i32>} : memref<768xf32, #tpu.memory_space<vmem>>, vector<16xf32>,
    %swap3A_117 = arith.constant 656 : index
    %swap3A_118 = tpu.vector_load %arg12[%swap3A_117] {strides = array<i32>} : memref<768xf32, #tpu.memory_space<vmem>>, vector<16xf32>,
    tpu.vector_store %arg12[%swap3A_117], %broadcast_in_dim3A_35 {strides = array<i32>} : memref<768xf32, #tpu.memory_space<vmem>>, vector<16xf32>,
    %swap3A_119 = arith.constant 672 : index
    %swap3A_120 = tpu.vector_load %arg12[%swap3A_119] {strides = array<i32>} : memref<768xf32, #tpu.memory_space<vmem>>, vector<16xf32>,
    tpu.vector_store %arg12[%swap3A_119], %broadcast_in_dim3A_35 {strides = array<i32>} : memref<768xf32, #tpu.memory_space<vmem>>, vector<16xf32>,
    %swap3A_121 = arith.constant 688 : index
    %swap3A_122 = tpu.vector_load %arg12[%swap3A_121] {strides = array<i32>} : memref<768xf32, #tpu.memory_space<vmem>>, vector<16xf32>,
    tpu.vector_store %arg12[%swap3A_121], %broadcast_in_dim3A_35 {strides = array<i32>} : memref<768xf32, #tpu.memory_space<vmem>>, vector<16xf32>,
    %swap3A_123 = arith.constant 704 : index
    %swap3A_124 = tpu.vector_load %arg12[%swap3A_123] {strides = array<i32>} : memref<768xf32, #tpu.memory_space<vmem>>, vector<16xf32>,
    tpu.vector_store %arg12[%swap3A_123], %broadcast_in_dim3A_35 {strides = array<i32>} : memref<768xf32, #tpu.memory_space<vmem>>, vector<16xf32>,
    %swap3A_125 = arith.constant 720 : index
    %swap3A_126 = tpu.vector_load %arg12[%swap3A_125] {strides = array<i32>} : memref<768xf32, #tpu.memory_space<vmem>>, vector<16xf32>,
    tpu.vector_store %arg12[%swap3A_125], %broadcast_in_dim3A_35 {strides = array<i32>} : memref<768xf32, #tpu.memory_space<vmem>>, vector<16xf32>,
    %swap3A_127 = arith.constant 736 : index
    %swap3A_128 = tpu.vector_load %arg12[%swap3A_127] {strides = array<i32>} : memref<768xf32, #tpu.memory_space<vmem>>, vector<16xf32>,
    tpu.vector_store %arg12[%swap3A_127], %broadcast_in_dim3A_35 {strides = array<i32>} : memref<768xf32, #tpu.memory_space<vmem>>, vector<16xf32>,
    %swap3A_129 = arith.constant 752 : index
    %swap3A_130 = tpu.vector_load %arg12[%swap3A_129] {strides = array<i32>} : memref<768xf32, #tpu.memory_space<vmem>>, vector<16xf32>,
    tpu.vector_store %arg12[%swap3A_129], %broadcast_in_dim3A_35 {strides = array<i32>} : memref<768xf32, #tpu.memory_space<vmem>>, vector<16xf32>,
    %iota3A = tpu.iota {dimensions = array<i32: 0>} : vector<16xi32>
    %broadcast_in_dim3A_131 = arith.constant 1.000000e+00 : f32
    %broadcast_in_dim3A_132 = vector.broadcast %broadcast_in_dim3A_131 : f32 to vector<16xf32>
    %add3A_133 = arith.constant 0 : i32
    %add3A_134 = arith.addi %add3A_34, %add3A_133 : i32
    %multiple_of3A = tpu.assume_multiple %add3A_134, 16 : i32
    %dma_start3A = arith.constant 0 : i32
    %dma_start3A_135 = arith.constant 0 : i32
    %dma_start3A_136 = tpu.memref_slice %arg2[%select_n3A, %dma_start3A, %multiple_of3A, %dma_start3A_135] : memref<8x3x512x512xf32, #tpu.memory_space<hbm>> -> memref<1x3x16x512xf32, #tpu.memory_space<hbm>>
    %dma_start3A_137 = tpu.memref_squeeze %dma_start3A_136 : memref<1x3x16x512xf32, #tpu.memory_space<hbm>> -> memref<3x16x512xf32, #tpu.memory_space<hbm>>
    %dma_start3A_138 = arith.constant 0 : i32
    %dma_start3A_139 = arith.constant 0 : i32
    %dma_start3A_140 = tpu.memref_slice %arg2[%select_n3A, %dma_start3A_138, %multiple_of3A, %dma_start3A_139] : memref<8x3x512x512xf32, #tpu.memory_space<hbm>> -> memref<1x3x16x512xf32, #tpu.memory_space<hbm>>
    %dma_start3A_141 = tpu.memref_squeeze %dma_start3A_140 : memref<1x3x16x512xf32, #tpu.memory_space<hbm>> -> memref<3x16x512xf32, #tpu.memory_space<hbm>>
    tpu.enqueue_dma source(%dma_start3A_141 : memref<3x16x512xf32, #tpu.memory_space<hbm>>) target(%arg6 : memref<3x16x512xf32, #tpu.memory_space<vmem>>) target_semaphore(%arg13 : memref<!tpu.dma_semaphore, #tpu.memory_space<semaphore_mem>>)
    %dma_start3A_142 = arith.constant 0 : i32
    %dma_start3A_143 = arith.constant 0 : i32
    %dma_start3A_144 = tpu.memref_slice %arg3[%select_n3A, %dma_start3A_142, %multiple_of3A, %dma_start3A_143] : memref<8x3x512x512xf32, #tpu.memory_space<hbm>> -> memref<1x3x16x512xf32, #tpu.memory_space<hbm>>
    %dma_start3A_145 = tpu.memref_squeeze %dma_start3A_144 : memref<1x3x16x512xf32, #tpu.memory_space<hbm>> -> memref<3x16x512xf32, #tpu.memory_space<hbm>>
    %dma_start3A_146 = arith.constant 0 : i32
    %dma_start3A_147 = arith.constant 0 : i32
    %dma_start3A_148 = tpu.memref_slice %arg3[%select_n3A, %dma_start3A_146, %multiple_of3A, %dma_start3A_147] : memref<8x3x512x512xf32, #tpu.memory_space<hbm>> -> memref<1x3x16x512xf32, #tpu.memory_space<hbm>>
    %dma_start3A_149 = tpu.memref_squeeze %dma_start3A_148 : memref<1x3x16x512xf32, #tpu.memory_space<hbm>> -> memref<3x16x512xf32, #tpu.memory_space<hbm>>
    tpu.enqueue_dma source(%dma_start3A_149 : memref<3x16x512xf32, #tpu.memory_space<hbm>>) target(%arg8 : memref<3x16x512xf32, #tpu.memory_space<vmem>>) target_semaphore(%arg13 : memref<!tpu.dma_semaphore, #tpu.memory_space<semaphore_mem>>)
    %dma_start3A_150 = arith.constant 0 : i32
    %dma_start3A_151 = tpu.memref_slice %arg4[%select_n3A, %multiple_of3A, %dma_start3A_150] : memref<8x512x512xi32, #tpu.memory_space<hbm>> -> memref<1x16x512xi32, #tpu.memory_space<hbm>>
    %dma_start3A_152 = tpu.memref_squeeze %dma_start3A_151 : memref<1x16x512xi32, #tpu.memory_space<hbm>> -> memref<16x512xi32, #tpu.memory_space<hbm>>
    %dma_start3A_153 = arith.constant 0 : i32
    %dma_start3A_154 = tpu.memref_slice %arg4[%select_n3A, %multiple_of3A, %dma_start3A_153] : memref<8x512x512xi32, #tpu.memory_space<hbm>> -> memref<1x16x512xi32, #tpu.memory_space<hbm>>
    %dma_start3A_155 = tpu.memref_squeeze %dma_start3A_154 : memref<1x16x512xi32, #tpu.memory_space<hbm>> -> memref<16x512xi32, #tpu.memory_space<hbm>>
    tpu.enqueue_dma source(%dma_start3A_155 : memref<16x512xi32, #tpu.memory_space<hbm>>) target(%arg10 : memref<16x512xi32, #tpu.memory_space<vmem>>) target_semaphore(%arg13 : memref<!tpu.dma_semaphore, #tpu.memory_space<semaphore_mem>>)
    %add3A_156 = arith.constant 16 : i32
    %add3A_157 = arith.addi %add3A_34, %add3A_156 : i32
    %multiple_of3A_158 = tpu.assume_multiple %add3A_157, 16 : i32
    %dma_start3A_159 = arith.constant 0 : i32
    %dma_start3A_160 = arith.constant 0 : i32
    %dma_start3A_161 = tpu.memref_slice %arg2[%select_n3A, %dma_start3A_159, %multiple_of3A_158, %dma_start3A_160] : memref<8x3x512x512xf32, #tpu.memory_space<hbm>> -> memref<1x3x16x512xf32, #tpu.memory_space<hbm>>
    %dma_start3A_162 = tpu.memref_squeeze %dma_start3A_161 : memref<1x3x16x512xf32, #tpu.memory_space<hbm>> -> memref<3x16x512xf32, #tpu.memory_space<hbm>>
    %dma_start3A_163 = arith.constant 0 : i32
    %dma_start3A_164 = arith.constant 0 : i32
    %dma_start3A_165 = tpu.memref_slice %arg2[%select_n3A, %dma_start3A_163, %multiple_of3A_158, %dma_start3A_164] : memref<8x3x512x512xf32, #tpu.memory_space<hbm>> -> memref<1x3x16x512xf32, #tpu.memory_space<hbm>>
    %dma_start3A_166 = tpu.memref_squeeze %dma_start3A_165 : memref<1x3x16x512xf32, #tpu.memory_space<hbm>> -> memref<3x16x512xf32, #tpu.memory_space<hbm>>
    tpu.enqueue_dma source(%dma_start3A_166 : memref<3x16x512xf32, #tpu.memory_space<hbm>>) target(%arg7 : memref<3x16x512xf32, #tpu.memory_space<vmem>>) target_semaphore(%arg13 : memref<!tpu.dma_semaphore, #tpu.memory_space<semaphore_mem>>)
    %dma_start3A_167 = arith.constant 0 : i32
    %dma_start3A_168 = arith.constant 0 : i32
    %dma_start3A_169 = tpu.memref_slice %arg3[%select_n3A, %dma_start3A_167, %multiple_of3A_158, %dma_start3A_168] : memref<8x3x512x512xf32, #tpu.memory_space<hbm>> -> memref<1x3x16x512xf32, #tpu.memory_space<hbm>>
    %dma_start3A_170 = tpu.memref_squeeze %dma_start3A_169 : memref<1x3x16x512xf32, #tpu.memory_space<hbm>> -> memref<3x16x512xf32, #tpu.memory_space<hbm>>
    %dma_start3A_171 = arith.constant 0 : i32
    %dma_start3A_172 = arith.constant 0 : i32
    %dma_start3A_173 = tpu.memref_slice %arg3[%select_n3A, %dma_start3A_171, %multiple_of3A_158, %dma_start3A_172] : memref<8x3x512x512xf32, #tpu.memory_space<hbm>> -> memref<1x3x16x512xf32, #tpu.memory_space<hbm>>
    %dma_start3A_174 = tpu.memref_squeeze %dma_start3A_173 : memref<1x3x16x512xf32, #tpu.memory_space<hbm>> -> memref<3x16x512xf32, #tpu.memory_space<hbm>>
    tpu.enqueue_dma source(%dma_start3A_174 : memref<3x16x512xf32, #tpu.memory_space<hbm>>) target(%arg9 : memref<3x16x512xf32, #tpu.memory_space<vmem>>) target_semaphore(%arg13 : memref<!tpu.dma_semaphore, #tpu.memory_space<semaphore_mem>>)
    %dma_start3A_175 = arith.constant 0 : i32
    %dma_start3A_176 = tpu.memref_slice %arg4[%select_n3A, %multiple_of3A_158, %dma_start3A_175] : memref<8x512x512xi32, #tpu.memory_space<hbm>> -> memref<1x16x512xi32, #tpu.memory_space<hbm>>
    %dma_start3A_177 = tpu.memref_squeeze %dma_start3A_176 : memref<1x16x512xi32, #tpu.memory_space<hbm>> -> memref<16x512xi32, #tpu.memory_space<hbm>>
    %dma_start3A_178 = arith.constant 0 : i32
    %dma_start3A_179 = tpu.memref_slice %arg4[%select_n3A, %multiple_of3A_158, %dma_start3A_178] : memref<8x512x512xi32, #tpu.memory_space<hbm>> -> memref<1x16x512xi32, #tpu.memory_space<hbm>>
    %dma_start3A_180 = tpu.memref_squeeze %dma_start3A_179 : memref<1x16x512xi32, #tpu.memory_space<hbm>> -> memref<16x512xi32, #tpu.memory_space<hbm>>
    tpu.enqueue_dma source(%dma_start3A_180 : memref<16x512xi32, #tpu.memory_space<hbm>>) target(%arg11 : memref<16x512xi32, #tpu.memory_space<vmem>>) target_semaphore(%arg13 : memref<!tpu.dma_semaphore, #tpu.memory_space<semaphore_mem>>)
    %add3A_181 = arith.constant 0 : i32
    %add3A_182 = arith.addi %add3A_34, %add3A_181 : i32
    %multiple_of3A_183 = tpu.assume_multiple %add3A_182, 16 : i32
    %dma_wait3A = arith.constant 0 : i32
    %dma_wait3A_184 = arith.constant 0 : i32
    %dma_wait3A_185 = tpu.memref_slice %arg2[%select_n3A, %dma_wait3A, %multiple_of3A_183, %dma_wait3A_184] : memref<8x3x512x512xf32, #tpu.memory_space<hbm>> -> memref<1x3x16x512xf32, #tpu.memory_space<hbm>>
    %dma_wait3A_186 = tpu.memref_squeeze %dma_wait3A_185 : memref<1x3x16x512xf32, #tpu.memory_space<hbm>> -> memref<3x16x512xf32, #tpu.memory_space<hbm>>
    %dma_wait3A_187 = arith.constant 0 : i32
    %dma_wait3A_188 = arith.constant 0 : i32
    %dma_wait3A_189 = tpu.memref_slice %arg2[%select_n3A, %dma_wait3A_187, %multiple_of3A_183, %dma_wait3A_188] : memref<8x3x512x512xf32, #tpu.memory_space<hbm>> -> memref<1x3x16x512xf32, #tpu.memory_space<hbm>>
    %dma_wait3A_190 = tpu.memref_squeeze %dma_wait3A_189 : memref<1x3x16x512xf32, #tpu.memory_space<hbm>> -> memref<3x16x512xf32, #tpu.memory_space<hbm>>
    tpu.wait_dma2 semaphore(%arg13 : memref<!tpu.dma_semaphore, #tpu.memory_space<semaphore_mem>>) src(%dma_wait3A_190 : memref<3x16x512xf32, #tpu.memory_space<hbm>>) dst(%arg6 : memref<3x16x512xf32, #tpu.memory_space<vmem>>)
    %dma_wait3A_191 = arith.constant 0 : i32
    %dma_wait3A_192 = arith.constant 0 : i32
    %dma_wait3A_193 = tpu.memref_slice %arg3[%select_n3A, %dma_wait3A_191, %multiple_of3A_183, %dma_wait3A_192] : memref<8x3x512x512xf32, #tpu.memory_space<hbm>> -> memref<1x3x16x512xf32, #tpu.memory_space<hbm>>
    %dma_wait3A_194 = tpu.memref_squeeze %dma_wait3A_193 : memref<1x3x16x512xf32, #tpu.memory_space<hbm>> -> memref<3x16x512xf32, #tpu.memory_space<hbm>>
    %dma_wait3A_195 = arith.constant 0 : i32
    %dma_wait3A_196 = arith.constant 0 : i32
    %dma_wait3A_197 = tpu.memref_slice %arg3[%select_n3A, %dma_wait3A_195, %multiple_of3A_183, %dma_wait3A_196] : memref<8x3x512x512xf32, #tpu.memory_space<hbm>> -> memref<1x3x16x512xf32, #tpu.memory_space<hbm>>
    %dma_wait3A_198 = tpu.memref_squeeze %dma_wait3A_197 : memref<1x3x16x512xf32, #tpu.memory_space<hbm>> -> memref<3x16x512xf32, #tpu.memory_space<hbm>>
    tpu.wait_dma2 semaphore(%arg13 : memref<!tpu.dma_semaphore, #tpu.memory_space<semaphore_mem>>) src(%dma_wait3A_198 : memref<3x16x512xf32, #tpu.memory_space<hbm>>) dst(%arg8 : memref<3x16x512xf32, #tpu.memory_space<vmem>>)
    %dma_wait3A_199 = arith.constant 0 : i32
    %dma_wait3A_200 = tpu.memref_slice %arg4[%select_n3A, %multiple_of3A_183, %dma_wait3A_199] : memref<8x512x512xi32, #tpu.memory_space<hbm>> -> memref<1x16x512xi32, #tpu.memory_space<hbm>>
    %dma_wait3A_201 = tpu.memref_squeeze %dma_wait3A_200 : memref<1x16x512xi32, #tpu.memory_space<hbm>> -> memref<16x512xi32, #tpu.memory_space<hbm>>
    %dma_wait3A_202 = arith.constant 0 : i32
    %dma_wait3A_203 = tpu.memref_slice %arg4[%select_n3A, %multiple_of3A_183, %dma_wait3A_202] : memref<8x512x512xi32, #tpu.memory_space<hbm>> -> memref<1x16x512xi32, #tpu.memory_space<hbm>>
    %dma_wait3A_204 = tpu.memref_squeeze %dma_wait3A_203 : memref<1x16x512xi32, #tpu.memory_space<hbm>> -> memref<16x512xi32, #tpu.memory_space<hbm>>
    tpu.wait_dma2 semaphore(%arg13 : memref<!tpu.dma_semaphore, #tpu.memory_space<semaphore_mem>>) src(%dma_wait3A_204 : memref<16x512xi32, #tpu.memory_space<hbm>>) dst(%arg10 : memref<16x512xi32, #tpu.memory_space<vmem>>)
    %parallel_loop3A = arith.constant 0 : i32
    %parallel_loop3A_205 = arith.constant 512 : i32
    %parallel_loop3A_206 = arith.constant 1 : i32
    scf.for %parallel_loop3A_449 = %parallel_loop3A to %parallel_loop3A_205 step %parallel_loop3A_206  : i32 {
      %parallel_loop3A_450 = arith.constant 5 : i32
      %parallel_loop3A_451 = arith.shrui %parallel_loop3A_449, %parallel_loop3A_450 : i32
      %parallel_loop3A_452 = arith.constant 31 : i32
      %parallel_loop3A_453 = arith.andi %parallel_loop3A_449, %parallel_loop3A_452 : i32
      %parallel_loop3A_454 = arith.constant 4 : i32
      %parallel_loop3A_455 = arith.shli %parallel_loop3A_453, %parallel_loop3A_454 : i32
      %parallel_loop3A_456 = arith.constant 0 : i32
      %parallel_loop3A_457 = arith.index_cast %parallel_loop3A_456 : i32 to index
      %parallel_loop3A_458 = arith.index_cast %parallel_loop3A_451 : i32 to index
      %parallel_loop3A_459 = arith.index_cast %parallel_loop3A_455 : i32 to index
      %parallel_loop3A_460 = tpu.vector_load %arg6[%parallel_loop3A_457, %parallel_loop3A_458, %parallel_loop3A_459] {strides = array<i32>} : memref<3x16x512xf32, #tpu.memory_space<vmem>>, vector<16xf32>,
      %parallel_loop3A_461 = arith.constant 0 : i32
      %parallel_loop3A_462 = arith.index_cast %parallel_loop3A_461 : i32 to index
      %parallel_loop3A_463 = arith.index_cast %parallel_loop3A_451 : i32 to index
      %parallel_loop3A_464 = arith.index_cast %parallel_loop3A_455 : i32 to index
      %parallel_loop3A_465 = tpu.vector_load %arg8[%parallel_loop3A_462, %parallel_loop3A_463, %parallel_loop3A_464] {strides = array<i32>} : memref<3x16x512xf32, #tpu.memory_space<vmem>>, vector<16xf32>,
      %parallel_loop3A_466 = arith.subf %parallel_loop3A_460, %parallel_loop3A_465 : vector<16xf32>
      %parallel_loop3A_467 = math.absf %parallel_loop3A_466 : vector<16xf32>
      %parallel_loop3A_468 = arith.constant 1 : i32
      %parallel_loop3A_469 = arith.index_cast %parallel_loop3A_468 : i32 to index
      %parallel_loop3A_470 = arith.index_cast %parallel_loop3A_451 : i32 to index
      %parallel_loop3A_471 = arith.index_cast %parallel_loop3A_455 : i32 to index
      %parallel_loop3A_472 = tpu.vector_load %arg6[%parallel_loop3A_469, %parallel_loop3A_470, %parallel_loop3A_471] {strides = array<i32>} : memref<3x16x512xf32, #tpu.memory_space<vmem>>, vector<16xf32>,
      %parallel_loop3A_473 = arith.constant 1 : i32
      %parallel_loop3A_474 = arith.index_cast %parallel_loop3A_473 : i32 to index
      %parallel_loop3A_475 = arith.index_cast %parallel_loop3A_451 : i32 to index
      %parallel_loop3A_476 = arith.index_cast %parallel_loop3A_455 : i32 to index
      %parallel_loop3A_477 = tpu.vector_load %arg8[%parallel_loop3A_474, %parallel_loop3A_475, %parallel_loop3A_476] {strides = array<i32>} : memref<3x16x512xf32, #tpu.memory_space<vmem>>, vector<16xf32>,
      %parallel_loop3A_478 = arith.subf %parallel_loop3A_472, %parallel_loop3A_477 : vector<16xf32>
      %parallel_loop3A_479 = math.absf %parallel_loop3A_478 : vector<16xf32>
      %parallel_loop3A_480 = arith.addf %parallel_loop3A_467, %parallel_loop3A_479 : vector<16xf32>
      %parallel_loop3A_481 = arith.constant 2 : i32
      %parallel_loop3A_482 = arith.index_cast %parallel_loop3A_481 : i32 to index
      %parallel_loop3A_483 = arith.index_cast %parallel_loop3A_451 : i32 to index
      %parallel_loop3A_484 = arith.index_cast %parallel_loop3A_455 : i32 to index
      %parallel_loop3A_485 = tpu.vector_load %arg6[%parallel_loop3A_482, %parallel_loop3A_483, %parallel_loop3A_484] {strides = array<i32>} : memref<3x16x512xf32, #tpu.memory_space<vmem>>, vector<16xf32>,
      %parallel_loop3A_486 = arith.constant 2 : i32
      %parallel_loop3A_487 = arith.index_cast %parallel_loop3A_486 : i32 to index
      %parallel_loop3A_488 = arith.index_cast %parallel_loop3A_451 : i32 to index
      %parallel_loop3A_489 = arith.index_cast %parallel_loop3A_455 : i32 to index
      %parallel_loop3A_490 = tpu.vector_load %arg8[%parallel_loop3A_487, %parallel_loop3A_488, %parallel_loop3A_489] {strides = array<i32>} : memref<3x16x512xf32, #tpu.memory_space<vmem>>, vector<16xf32>,
      %parallel_loop3A_491 = arith.subf %parallel_loop3A_485, %parallel_loop3A_490 : vector<16xf32>
      %parallel_loop3A_492 = math.absf %parallel_loop3A_491 : vector<16xf32>
      %parallel_loop3A_493 = arith.addf %parallel_loop3A_480, %parallel_loop3A_492 : vector<16xf32>
      %parallel_loop3A_494 = arith.index_cast %parallel_loop3A_451 : i32 to index
      %parallel_loop3A_495 = arith.index_cast %parallel_loop3A_455 : i32 to index
      %parallel_loop3A_496 = tpu.vector_load %arg10[%parallel_loop3A_494, %parallel_loop3A_495] {strides = array<i32>} : memref<16x512xi32, #tpu.memory_space<vmem>>, vector<16xi32>,
      %parallel_loop3A_497 = arith.constant 16 : i32
      %parallel_loop3A_498 = vector.broadcast %parallel_loop3A_497 : i32 to vector<16xi32>
      %parallel_loop3A_499 = arith.muli %parallel_loop3A_496, %parallel_loop3A_498 : vector<16xi32>
      %parallel_loop3A_500 = arith.addi %parallel_loop3A_499, %iota3A : vector<16xi32>
      tpu.vector_store_idx %arg12[%parallel_loop3A_500], %parallel_loop3A_493 {add = true} : memref<768xf32, #tpu.memory_space<vmem>>[vector<16xi32>], vector<16xf32>,
      %parallel_loop3A_501 = arith.constant 384 : i32
      %parallel_loop3A_502 = vector.broadcast %parallel_loop3A_501 : i32 to vector<16xi32>
      %parallel_loop3A_503 = arith.addi %parallel_loop3A_500, %parallel_loop3A_502 : vector<16xi32>
      tpu.vector_store_idx %arg12[%parallel_loop3A_503], %broadcast_in_dim3A_132 {add = true} : memref<768xf32, #tpu.memory_space<vmem>>[vector<16xi32>], vector<16xf32>,
    } {sc.loop_unroll_factor = 8 : i64, sc.parallel_access}
    %add3A_207 = arith.constant 32 : i32
    %add3A_208 = arith.addi %add3A_34, %add3A_207 : i32
    %multiple_of3A_209 = tpu.assume_multiple %add3A_208, 16 : i32
    %dma_start3A_210 = arith.constant 0 : i32
    %dma_start3A_211 = arith.constant 0 : i32
    %dma_start3A_212 = tpu.memref_slice %arg2[%select_n3A, %dma_start3A_210, %multiple_of3A_209, %dma_start3A_211] : memref<8x3x512x512xf32, #tpu.memory_space<hbm>> -> memref<1x3x16x512xf32, #tpu.memory_space<hbm>>
    %dma_start3A_213 = tpu.memref_squeeze %dma_start3A_212 : memref<1x3x16x512xf32, #tpu.memory_space<hbm>> -> memref<3x16x512xf32, #tpu.memory_space<hbm>>
    %dma_start3A_214 = arith.constant 0 : i32
    %dma_start3A_215 = arith.constant 0 : i32
    %dma_start3A_216 = tpu.memref_slice %arg2[%select_n3A, %dma_start3A_214, %multiple_of3A_209, %dma_start3A_215] : memref<8x3x512x512xf32, #tpu.memory_space<hbm>> -> memref<1x3x16x512xf32, #tpu.memory_space<hbm>>
    %dma_start3A_217 = tpu.memref_squeeze %dma_start3A_216 : memref<1x3x16x512xf32, #tpu.memory_space<hbm>> -> memref<3x16x512xf32, #tpu.memory_space<hbm>>
    tpu.enqueue_dma source(%dma_start3A_217 : memref<3x16x512xf32, #tpu.memory_space<hbm>>) target(%arg6 : memref<3x16x512xf32, #tpu.memory_space<vmem>>) target_semaphore(%arg13 : memref<!tpu.dma_semaphore, #tpu.memory_space<semaphore_mem>>)
    %dma_start3A_218 = arith.constant 0 : i32
    %dma_start3A_219 = arith.constant 0 : i32
    %dma_start3A_220 = tpu.memref_slice %arg3[%select_n3A, %dma_start3A_218, %multiple_of3A_209, %dma_start3A_219] : memref<8x3x512x512xf32, #tpu.memory_space<hbm>> -> memref<1x3x16x512xf32, #tpu.memory_space<hbm>>
    %dma_start3A_221 = tpu.memref_squeeze %dma_start3A_220 : memref<1x3x16x512xf32, #tpu.memory_space<hbm>> -> memref<3x16x512xf32, #tpu.memory_space<hbm>>
    %dma_start3A_222 = arith.constant 0 : i32
    %dma_start3A_223 = arith.constant 0 : i32
    %dma_start3A_224 = tpu.memref_slice %arg3[%select_n3A, %dma_start3A_222, %multiple_of3A_209, %dma_start3A_223] : memref<8x3x512x512xf32, #tpu.memory_space<hbm>> -> memref<1x3x16x512xf32, #tpu.memory_space<hbm>>
    %dma_start3A_225 = tpu.memref_squeeze %dma_start3A_224 : memref<1x3x16x512xf32, #tpu.memory_space<hbm>> -> memref<3x16x512xf32, #tpu.memory_space<hbm>>
    tpu.enqueue_dma source(%dma_start3A_225 : memref<3x16x512xf32, #tpu.memory_space<hbm>>) target(%arg8 : memref<3x16x512xf32, #tpu.memory_space<vmem>>) target_semaphore(%arg13 : memref<!tpu.dma_semaphore, #tpu.memory_space<semaphore_mem>>)
    %dma_start3A_226 = arith.constant 0 : i32
    %dma_start3A_227 = tpu.memref_slice %arg4[%select_n3A, %multiple_of3A_209, %dma_start3A_226] : memref<8x512x512xi32, #tpu.memory_space<hbm>> -> memref<1x16x512xi32, #tpu.memory_space<hbm>>
    %dma_start3A_228 = tpu.memref_squeeze %dma_start3A_227 : memref<1x16x512xi32, #tpu.memory_space<hbm>> -> memref<16x512xi32, #tpu.memory_space<hbm>>
    %dma_start3A_229 = arith.constant 0 : i32
    %dma_start3A_230 = tpu.memref_slice %arg4[%select_n3A, %multiple_of3A_209, %dma_start3A_229] : memref<8x512x512xi32, #tpu.memory_space<hbm>> -> memref<1x16x512xi32, #tpu.memory_space<hbm>>
    %dma_start3A_231 = tpu.memref_squeeze %dma_start3A_230 : memref<1x16x512xi32, #tpu.memory_space<hbm>> -> memref<16x512xi32, #tpu.memory_space<hbm>>
    tpu.enqueue_dma source(%dma_start3A_231 : memref<16x512xi32, #tpu.memory_space<hbm>>) target(%arg10 : memref<16x512xi32, #tpu.memory_space<vmem>>) target_semaphore(%arg13 : memref<!tpu.dma_semaphore, #tpu.memory_space<semaphore_mem>>)
    %add3A_232 = arith.constant 16 : i32
    %add3A_233 = arith.addi %add3A_34, %add3A_232 : i32
    %multiple_of3A_234 = tpu.assume_multiple %add3A_233, 16 : i32
    %dma_wait3A_235 = arith.constant 0 : i32
    %dma_wait3A_236 = arith.constant 0 : i32
    %dma_wait3A_237 = tpu.memref_slice %arg2[%select_n3A, %dma_wait3A_235, %multiple_of3A_234, %dma_wait3A_236] : memref<8x3x512x512xf32, #tpu.memory_space<hbm>> -> memref<1x3x16x512xf32, #tpu.memory_space<hbm>>
    %dma_wait3A_238 = tpu.memref_squeeze %dma_wait3A_237 : memref<1x3x16x512xf32, #tpu.memory_space<hbm>> -> memref<3x16x512xf32, #tpu.memory_space<hbm>>
    %dma_wait3A_239 = arith.constant 0 : i32
    %dma_wait3A_240 = arith.constant 0 : i32
    %dma_wait3A_241 = tpu.memref_slice %arg2[%select_n3A, %dma_wait3A_239, %multiple_of3A_234, %dma_wait3A_240] : memref<8x3x512x512xf32, #tpu.memory_space<hbm>> -> memref<1x3x16x512xf32, #tpu.memory_space<hbm>>
    %dma_wait3A_242 = tpu.memref_squeeze %dma_wait3A_241 : memref<1x3x16x512xf32, #tpu.memory_space<hbm>> -> memref<3x16x512xf32, #tpu.memory_space<hbm>>
    tpu.wait_dma2 semaphore(%arg13 : memref<!tpu.dma_semaphore, #tpu.memory_space<semaphore_mem>>) src(%dma_wait3A_242 : memref<3x16x512xf32, #tpu.memory_space<hbm>>) dst(%arg7 : memref<3x16x512xf32, #tpu.memory_space<vmem>>)
    %dma_wait3A_243 = arith.constant 0 : i32
    %dma_wait3A_244 = arith.constant 0 : i32
    %dma_wait3A_245 = tpu.memref_slice %arg3[%select_n3A, %dma_wait3A_243, %multiple_of3A_234, %dma_wait3A_244] : memref<8x3x512x512xf32, #tpu.memory_space<hbm>> -> memref<1x3x16x512xf32, #tpu.memory_space<hbm>>
    %dma_wait3A_246 = tpu.memref_squeeze %dma_wait3A_245 : memref<1x3x16x512xf32, #tpu.memory_space<hbm>> -> memref<3x16x512xf32, #tpu.memory_space<hbm>>
    %dma_wait3A_247 = arith.constant 0 : i32
    %dma_wait3A_248 = arith.constant 0 : i32
    %dma_wait3A_249 = tpu.memref_slice %arg3[%select_n3A, %dma_wait3A_247, %multiple_of3A_234, %dma_wait3A_248] : memref<8x3x512x512xf32, #tpu.memory_space<hbm>> -> memref<1x3x16x512xf32, #tpu.memory_space<hbm>>
    %dma_wait3A_250 = tpu.memref_squeeze %dma_wait3A_249 : memref<1x3x16x512xf32, #tpu.memory_space<hbm>> -> memref<3x16x512xf32, #tpu.memory_space<hbm>>
    tpu.wait_dma2 semaphore(%arg13 : memref<!tpu.dma_semaphore, #tpu.memory_space<semaphore_mem>>) src(%dma_wait3A_250 : memref<3x16x512xf32, #tpu.memory_space<hbm>>) dst(%arg9 : memref<3x16x512xf32, #tpu.memory_space<vmem>>)
    %dma_wait3A_251 = arith.constant 0 : i32
    %dma_wait3A_252 = tpu.memref_slice %arg4[%select_n3A, %multiple_of3A_234, %dma_wait3A_251] : memref<8x512x512xi32, #tpu.memory_space<hbm>> -> memref<1x16x512xi32, #tpu.memory_space<hbm>>
    %dma_wait3A_253 = tpu.memref_squeeze %dma_wait3A_252 : memref<1x16x512xi32, #tpu.memory_space<hbm>> -> memref<16x512xi32, #tpu.memory_space<hbm>>
    %dma_wait3A_254 = arith.constant 0 : i32
    %dma_wait3A_255 = tpu.memref_slice %arg4[%select_n3A, %multiple_of3A_234, %dma_wait3A_254] : memref<8x512x512xi32, #tpu.memory_space<hbm>> -> memref<1x16x512xi32, #tpu.memory_space<hbm>>
    %dma_wait3A_256 = tpu.memref_squeeze %dma_wait3A_255 : memref<1x16x512xi32, #tpu.memory_space<hbm>> -> memref<16x512xi32, #tpu.memory_space<hbm>>
    tpu.wait_dma2 semaphore(%arg13 : memref<!tpu.dma_semaphore, #tpu.memory_space<semaphore_mem>>) src(%dma_wait3A_256 : memref<16x512xi32, #tpu.memory_space<hbm>>) dst(%arg11 : memref<16x512xi32, #tpu.memory_space<vmem>>)
    %parallel_loop3A_257 = arith.constant 0 : i32
    %parallel_loop3A_258 = arith.constant 512 : i32
    %parallel_loop3A_259 = arith.constant 1 : i32
    scf.for %parallel_loop3A_449 = %parallel_loop3A_257 to %parallel_loop3A_258 step %parallel_loop3A_259  : i32 {
      %parallel_loop3A_450 = arith.constant 5 : i32
      %parallel_loop3A_451 = arith.shrui %parallel_loop3A_449, %parallel_loop3A_450 : i32
      %parallel_loop3A_452 = arith.constant 31 : i32
      %parallel_loop3A_453 = arith.andi %parallel_loop3A_449, %parallel_loop3A_452 : i32
      %parallel_loop3A_454 = arith.constant 4 : i32
      %parallel_loop3A_455 = arith.shli %parallel_loop3A_453, %parallel_loop3A_454 : i32
      %parallel_loop3A_456 = arith.constant 0 : i32
      %parallel_loop3A_457 = arith.index_cast %parallel_loop3A_456 : i32 to index
      %parallel_loop3A_458 = arith.index_cast %parallel_loop3A_451 : i32 to index
      %parallel_loop3A_459 = arith.index_cast %parallel_loop3A_455 : i32 to index
      %parallel_loop3A_460 = tpu.vector_load %arg7[%parallel_loop3A_457, %parallel_loop3A_458, %parallel_loop3A_459] {strides = array<i32>} : memref<3x16x512xf32, #tpu.memory_space<vmem>>, vector<16xf32>,
      %parallel_loop3A_461 = arith.constant 0 : i32
      %parallel_loop3A_462 = arith.index_cast %parallel_loop3A_461 : i32 to index
      %parallel_loop3A_463 = arith.index_cast %parallel_loop3A_451 : i32 to index
      %parallel_loop3A_464 = arith.index_cast %parallel_loop3A_455 : i32 to index
      %parallel_loop3A_465 = tpu.vector_load %arg9[%parallel_loop3A_462, %parallel_loop3A_463, %parallel_loop3A_464] {strides = array<i32>} : memref<3x16x512xf32, #tpu.memory_space<vmem>>, vector<16xf32>,
      %parallel_loop3A_466 = arith.subf %parallel_loop3A_460, %parallel_loop3A_465 : vector<16xf32>
      %parallel_loop3A_467 = math.absf %parallel_loop3A_466 : vector<16xf32>
      %parallel_loop3A_468 = arith.constant 1 : i32
      %parallel_loop3A_469 = arith.index_cast %parallel_loop3A_468 : i32 to index
      %parallel_loop3A_470 = arith.index_cast %parallel_loop3A_451 : i32 to index
      %parallel_loop3A_471 = arith.index_cast %parallel_loop3A_455 : i32 to index
      %parallel_loop3A_472 = tpu.vector_load %arg7[%parallel_loop3A_469, %parallel_loop3A_470, %parallel_loop3A_471] {strides = array<i32>} : memref<3x16x512xf32, #tpu.memory_space<vmem>>, vector<16xf32>,
      %parallel_loop3A_473 = arith.constant 1 : i32
      %parallel_loop3A_474 = arith.index_cast %parallel_loop3A_473 : i32 to index
      %parallel_loop3A_475 = arith.index_cast %parallel_loop3A_451 : i32 to index
      %parallel_loop3A_476 = arith.index_cast %parallel_loop3A_455 : i32 to index
      %parallel_loop3A_477 = tpu.vector_load %arg9[%parallel_loop3A_474, %parallel_loop3A_475, %parallel_loop3A_476] {strides = array<i32>} : memref<3x16x512xf32, #tpu.memory_space<vmem>>, vector<16xf32>,
      %parallel_loop3A_478 = arith.subf %parallel_loop3A_472, %parallel_loop3A_477 : vector<16xf32>
      %parallel_loop3A_479 = math.absf %parallel_loop3A_478 : vector<16xf32>
      %parallel_loop3A_480 = arith.addf %parallel_loop3A_467, %parallel_loop3A_479 : vector<16xf32>
      %parallel_loop3A_481 = arith.constant 2 : i32
      %parallel_loop3A_482 = arith.index_cast %parallel_loop3A_481 : i32 to index
      %parallel_loop3A_483 = arith.index_cast %parallel_loop3A_451 : i32 to index
      %parallel_loop3A_484 = arith.index_cast %parallel_loop3A_455 : i32 to index
      %parallel_loop3A_485 = tpu.vector_load %arg7[%parallel_loop3A_482, %parallel_loop3A_483, %parallel_loop3A_484] {strides = array<i32>} : memref<3x16x512xf32, #tpu.memory_space<vmem>>, vector<16xf32>,
      %parallel_loop3A_486 = arith.constant 2 : i32
      %parallel_loop3A_487 = arith.index_cast %parallel_loop3A_486 : i32 to index
      %parallel_loop3A_488 = arith.index_cast %parallel_loop3A_451 : i32 to index
      %parallel_loop3A_489 = arith.index_cast %parallel_loop3A_455 : i32 to index
      %parallel_loop3A_490 = tpu.vector_load %arg9[%parallel_loop3A_487, %parallel_loop3A_488, %parallel_loop3A_489] {strides = array<i32>} : memref<3x16x512xf32, #tpu.memory_space<vmem>>, vector<16xf32>,
      %parallel_loop3A_491 = arith.subf %parallel_loop3A_485, %parallel_loop3A_490 : vector<16xf32>
      %parallel_loop3A_492 = math.absf %parallel_loop3A_491 : vector<16xf32>
      %parallel_loop3A_493 = arith.addf %parallel_loop3A_480, %parallel_loop3A_492 : vector<16xf32>
      %parallel_loop3A_494 = arith.index_cast %parallel_loop3A_451 : i32 to index
      %parallel_loop3A_495 = arith.index_cast %parallel_loop3A_455 : i32 to index
      %parallel_loop3A_496 = tpu.vector_load %arg11[%parallel_loop3A_494, %parallel_loop3A_495] {strides = array<i32>} : memref<16x512xi32, #tpu.memory_space<vmem>>, vector<16xi32>,
      %parallel_loop3A_497 = arith.constant 16 : i32
      %parallel_loop3A_498 = vector.broadcast %parallel_loop3A_497 : i32 to vector<16xi32>
      %parallel_loop3A_499 = arith.muli %parallel_loop3A_496, %parallel_loop3A_498 : vector<16xi32>
      %parallel_loop3A_500 = arith.addi %parallel_loop3A_499, %iota3A : vector<16xi32>
      tpu.vector_store_idx %arg12[%parallel_loop3A_500], %parallel_loop3A_493 {add = true} : memref<768xf32, #tpu.memory_space<vmem>>[vector<16xi32>], vector<16xf32>,
      %parallel_loop3A_501 = arith.constant 384 : i32
      %parallel_loop3A_502 = vector.broadcast %parallel_loop3A_501 : i32 to vector<16xi32>
      %parallel_loop3A_503 = arith.addi %parallel_loop3A_500, %parallel_loop3A_502 : vector<16xi32>
      tpu.vector_store_idx %arg12[%parallel_loop3A_503], %broadcast_in_dim3A_132 {add = true} : memref<768xf32, #tpu.memory_space<vmem>>[vector<16xi32>], vector<16xf32>,
    } {sc.loop_unroll_factor = 8 : i64, sc.parallel_access}
    %add3A_260 = arith.constant 48 : i32
    %add3A_261 = arith.addi %add3A_34, %add3A_260 : i32
    %multiple_of3A_262 = tpu.assume_multiple %add3A_261, 16 : i32
    %dma_start3A_263 = arith.constant 0 : i32
    %dma_start3A_264 = arith.constant 0 : i32
    %dma_start3A_265 = tpu.memref_slice %arg2[%select_n3A, %dma_start3A_263, %multiple_of3A_262, %dma_start3A_264] : memref<8x3x512x512xf32, #tpu.memory_space<hbm>> -> memref<1x3x16x512xf32, #tpu.memory_space<hbm>>
    %dma_start3A_266 = tpu.memref_squeeze %dma_start3A_265 : memref<1x3x16x512xf32, #tpu.memory_space<hbm>> -> memref<3x16x512xf32, #tpu.memory_space<hbm>>
    %dma_start3A_267 = arith.constant 0 : i32
    %dma_start3A_268 = arith.constant 0 : i32
    %dma_start3A_269 = tpu.memref_slice %arg2[%select_n3A, %dma_start3A_267, %multiple_of3A_262, %dma_start3A_268] : memref<8x3x512x512xf32, #tpu.memory_space<hbm>> -> memref<1x3x16x512xf32, #tpu.memory_space<hbm>>
    %dma_start3A_270 = tpu.memref_squeeze %dma_start3A_269 : memref<1x3x16x512xf32, #tpu.memory_space<hbm>> -> memref<3x16x512xf32, #tpu.memory_space<hbm>>
    tpu.enqueue_dma source(%dma_start3A_270 : memref<3x16x512xf32, #tpu.memory_space<hbm>>) target(%arg7 : memref<3x16x512xf32, #tpu.memory_space<vmem>>) target_semaphore(%arg13 : memref<!tpu.dma_semaphore, #tpu.memory_space<semaphore_mem>>)
    %dma_start3A_271 = arith.constant 0 : i32
    %dma_start3A_272 = arith.constant 0 : i32
    %dma_start3A_273 = tpu.memref_slice %arg3[%select_n3A, %dma_start3A_271, %multiple_of3A_262, %dma_start3A_272] : memref<8x3x512x512xf32, #tpu.memory_space<hbm>> -> memref<1x3x16x512xf32, #tpu.memory_space<hbm>>
    %dma_start3A_274 = tpu.memref_squeeze %dma_start3A_273 : memref<1x3x16x512xf32, #tpu.memory_space<hbm>> -> memref<3x16x512xf32, #tpu.memory_space<hbm>>
    %dma_start3A_275 = arith.constant 0 : i32
    %dma_start3A_276 = arith.constant 0 : i32
    %dma_start3A_277 = tpu.memref_slice %arg3[%select_n3A, %dma_start3A_275, %multiple_of3A_262, %dma_start3A_276] : memref<8x3x512x512xf32, #tpu.memory_space<hbm>> -> memref<1x3x16x512xf32, #tpu.memory_space<hbm>>
    %dma_start3A_278 = tpu.memref_squeeze %dma_start3A_277 : memref<1x3x16x512xf32, #tpu.memory_space<hbm>> -> memref<3x16x512xf32, #tpu.memory_space<hbm>>
    tpu.enqueue_dma source(%dma_start3A_278 : memref<3x16x512xf32, #tpu.memory_space<hbm>>) target(%arg9 : memref<3x16x512xf32, #tpu.memory_space<vmem>>) target_semaphore(%arg13 : memref<!tpu.dma_semaphore, #tpu.memory_space<semaphore_mem>>)
    %dma_start3A_279 = arith.constant 0 : i32
    %dma_start3A_280 = tpu.memref_slice %arg4[%select_n3A, %multiple_of3A_262, %dma_start3A_279] : memref<8x512x512xi32, #tpu.memory_space<hbm>> -> memref<1x16x512xi32, #tpu.memory_space<hbm>>
    %dma_start3A_281 = tpu.memref_squeeze %dma_start3A_280 : memref<1x16x512xi32, #tpu.memory_space<hbm>> -> memref<16x512xi32, #tpu.memory_space<hbm>>
    %dma_start3A_282 = arith.constant 0 : i32
    %dma_start3A_283 = tpu.memref_slice %arg4[%select_n3A, %multiple_of3A_262, %dma_start3A_282] : memref<8x512x512xi32, #tpu.memory_space<hbm>> -> memref<1x16x512xi32, #tpu.memory_space<hbm>>
    %dma_start3A_284 = tpu.memref_squeeze %dma_start3A_283 : memref<1x16x512xi32, #tpu.memory_space<hbm>> -> memref<16x512xi32, #tpu.memory_space<hbm>>
    tpu.enqueue_dma source(%dma_start3A_284 : memref<16x512xi32, #tpu.memory_space<hbm>>) target(%arg11 : memref<16x512xi32, #tpu.memory_space<vmem>>) target_semaphore(%arg13 : memref<!tpu.dma_semaphore, #tpu.memory_space<semaphore_mem>>)
    %add3A_285 = arith.constant 32 : i32
    %add3A_286 = arith.addi %add3A_34, %add3A_285 : i32
    %multiple_of3A_287 = tpu.assume_multiple %add3A_286, 16 : i32
    %dma_wait3A_288 = arith.constant 0 : i32
    %dma_wait3A_289 = arith.constant 0 : i32
    %dma_wait3A_290 = tpu.memref_slice %arg2[%select_n3A, %dma_wait3A_288, %multiple_of3A_287, %dma_wait3A_289] : memref<8x3x512x512xf32, #tpu.memory_space<hbm>> -> memref<1x3x16x512xf32, #tpu.memory_space<hbm>>
    %dma_wait3A_291 = tpu.memref_squeeze %dma_wait3A_290 : memref<1x3x16x512xf32, #tpu.memory_space<hbm>> -> memref<3x16x512xf32, #tpu.memory_space<hbm>>
    %dma_wait3A_292 = arith.constant 0 : i32
    %dma_wait3A_293 = arith.constant 0 : i32
    %dma_wait3A_294 = tpu.memref_slice %arg2[%select_n3A, %dma_wait3A_292, %multiple_of3A_287, %dma_wait3A_293] : memref<8x3x512x512xf32, #tpu.memory_space<hbm>> -> memref<1x3x16x512xf32, #tpu.memory_space<hbm>>
    %dma_wait3A_295 = tpu.memref_squeeze %dma_wait3A_294 : memref<1x3x16x512xf32, #tpu.memory_space<hbm>> -> memref<3x16x512xf32, #tpu.memory_space<hbm>>
    tpu.wait_dma2 semaphore(%arg13 : memref<!tpu.dma_semaphore, #tpu.memory_space<semaphore_mem>>) src(%dma_wait3A_295 : memref<3x16x512xf32, #tpu.memory_space<hbm>>) dst(%arg6 : memref<3x16x512xf32, #tpu.memory_space<vmem>>)
    %dma_wait3A_296 = arith.constant 0 : i32
    %dma_wait3A_297 = arith.constant 0 : i32
    %dma_wait3A_298 = tpu.memref_slice %arg3[%select_n3A, %dma_wait3A_296, %multiple_of3A_287, %dma_wait3A_297] : memref<8x3x512x512xf32, #tpu.memory_space<hbm>> -> memref<1x3x16x512xf32, #tpu.memory_space<hbm>>
    %dma_wait3A_299 = tpu.memref_squeeze %dma_wait3A_298 : memref<1x3x16x512xf32, #tpu.memory_space<hbm>> -> memref<3x16x512xf32, #tpu.memory_space<hbm>>
    %dma_wait3A_300 = arith.constant 0 : i32
    %dma_wait3A_301 = arith.constant 0 : i32
    %dma_wait3A_302 = tpu.memref_slice %arg3[%select_n3A, %dma_wait3A_300, %multiple_of3A_287, %dma_wait3A_301] : memref<8x3x512x512xf32, #tpu.memory_space<hbm>> -> memref<1x3x16x512xf32, #tpu.memory_space<hbm>>
    %dma_wait3A_303 = tpu.memref_squeeze %dma_wait3A_302 : memref<1x3x16x512xf32, #tpu.memory_space<hbm>> -> memref<3x16x512xf32, #tpu.memory_space<hbm>>
    tpu.wait_dma2 semaphore(%arg13 : memref<!tpu.dma_semaphore, #tpu.memory_space<semaphore_mem>>) src(%dma_wait3A_303 : memref<3x16x512xf32, #tpu.memory_space<hbm>>) dst(%arg8 : memref<3x16x512xf32, #tpu.memory_space<vmem>>)
    %dma_wait3A_304 = arith.constant 0 : i32
    %dma_wait3A_305 = tpu.memref_slice %arg4[%select_n3A, %multiple_of3A_287, %dma_wait3A_304] : memref<8x512x512xi32, #tpu.memory_space<hbm>> -> memref<1x16x512xi32, #tpu.memory_space<hbm>>
    %dma_wait3A_306 = tpu.memref_squeeze %dma_wait3A_305 : memref<1x16x512xi32, #tpu.memory_space<hbm>> -> memref<16x512xi32, #tpu.memory_space<hbm>>
    %dma_wait3A_307 = arith.constant 0 : i32
    %dma_wait3A_308 = tpu.memref_slice %arg4[%select_n3A, %multiple_of3A_287, %dma_wait3A_307] : memref<8x512x512xi32, #tpu.memory_space<hbm>> -> memref<1x16x512xi32, #tpu.memory_space<hbm>>
    %dma_wait3A_309 = tpu.memref_squeeze %dma_wait3A_308 : memref<1x16x512xi32, #tpu.memory_space<hbm>> -> memref<16x512xi32, #tpu.memory_space<hbm>>
    tpu.wait_dma2 semaphore(%arg13 : memref<!tpu.dma_semaphore, #tpu.memory_space<semaphore_mem>>) src(%dma_wait3A_309 : memref<16x512xi32, #tpu.memory_space<hbm>>) dst(%arg10 : memref<16x512xi32, #tpu.memory_space<vmem>>)
    %parallel_loop3A_310 = arith.constant 0 : i32
    %parallel_loop3A_311 = arith.constant 512 : i32
    %parallel_loop3A_312 = arith.constant 1 : i32
    scf.for %parallel_loop3A_449 = %parallel_loop3A_310 to %parallel_loop3A_311 step %parallel_loop3A_312  : i32 {
      %parallel_loop3A_450 = arith.constant 5 : i32
      %parallel_loop3A_451 = arith.shrui %parallel_loop3A_449, %parallel_loop3A_450 : i32
      %parallel_loop3A_452 = arith.constant 31 : i32
      %parallel_loop3A_453 = arith.andi %parallel_loop3A_449, %parallel_loop3A_452 : i32
      %parallel_loop3A_454 = arith.constant 4 : i32
      %parallel_loop3A_455 = arith.shli %parallel_loop3A_453, %parallel_loop3A_454 : i32
      %parallel_loop3A_456 = arith.constant 0 : i32
      %parallel_loop3A_457 = arith.index_cast %parallel_loop3A_456 : i32 to index
      %parallel_loop3A_458 = arith.index_cast %parallel_loop3A_451 : i32 to index
      %parallel_loop3A_459 = arith.index_cast %parallel_loop3A_455 : i32 to index
      %parallel_loop3A_460 = tpu.vector_load %arg6[%parallel_loop3A_457, %parallel_loop3A_458, %parallel_loop3A_459] {strides = array<i32>} : memref<3x16x512xf32, #tpu.memory_space<vmem>>, vector<16xf32>,
      %parallel_loop3A_461 = arith.constant 0 : i32
      %parallel_loop3A_462 = arith.index_cast %parallel_loop3A_461 : i32 to index
      %parallel_loop3A_463 = arith.index_cast %parallel_loop3A_451 : i32 to index
      %parallel_loop3A_464 = arith.index_cast %parallel_loop3A_455 : i32 to index
      %parallel_loop3A_465 = tpu.vector_load %arg8[%parallel_loop3A_462, %parallel_loop3A_463, %parallel_loop3A_464] {strides = array<i32>} : memref<3x16x512xf32, #tpu.memory_space<vmem>>, vector<16xf32>,
      %parallel_loop3A_466 = arith.subf %parallel_loop3A_460, %parallel_loop3A_465 : vector<16xf32>
      %parallel_loop3A_467 = math.absf %parallel_loop3A_466 : vector<16xf32>
      %parallel_loop3A_468 = arith.constant 1 : i32
      %parallel_loop3A_469 = arith.index_cast %parallel_loop3A_468 : i32 to index
      %parallel_loop3A_470 = arith.index_cast %parallel_loop3A_451 : i32 to index
      %parallel_loop3A_471 = arith.index_cast %parallel_loop3A_455 : i32 to index
      %parallel_loop3A_472 = tpu.vector_load %arg6[%parallel_loop3A_469, %parallel_loop3A_470, %parallel_loop3A_471] {strides = array<i32>} : memref<3x16x512xf32, #tpu.memory_space<vmem>>, vector<16xf32>,
      %parallel_loop3A_473 = arith.constant 1 : i32
      %parallel_loop3A_474 = arith.index_cast %parallel_loop3A_473 : i32 to index
      %parallel_loop3A_475 = arith.index_cast %parallel_loop3A_451 : i32 to index
      %parallel_loop3A_476 = arith.index_cast %parallel_loop3A_455 : i32 to index
      %parallel_loop3A_477 = tpu.vector_load %arg8[%parallel_loop3A_474, %parallel_loop3A_475, %parallel_loop3A_476] {strides = array<i32>} : memref<3x16x512xf32, #tpu.memory_space<vmem>>, vector<16xf32>,
      %parallel_loop3A_478 = arith.subf %parallel_loop3A_472, %parallel_loop3A_477 : vector<16xf32>
      %parallel_loop3A_479 = math.absf %parallel_loop3A_478 : vector<16xf32>
      %parallel_loop3A_480 = arith.addf %parallel_loop3A_467, %parallel_loop3A_479 : vector<16xf32>
      %parallel_loop3A_481 = arith.constant 2 : i32
      %parallel_loop3A_482 = arith.index_cast %parallel_loop3A_481 : i32 to index
      %parallel_loop3A_483 = arith.index_cast %parallel_loop3A_451 : i32 to index
      %parallel_loop3A_484 = arith.index_cast %parallel_loop3A_455 : i32 to index
      %parallel_loop3A_485 = tpu.vector_load %arg6[%parallel_loop3A_482, %parallel_loop3A_483, %parallel_loop3A_484] {strides = array<i32>} : memref<3x16x512xf32, #tpu.memory_space<vmem>>, vector<16xf32>,
      %parallel_loop3A_486 = arith.constant 2 : i32
      %parallel_loop3A_487 = arith.index_cast %parallel_loop3A_486 : i32 to index
      %parallel_loop3A_488 = arith.index_cast %parallel_loop3A_451 : i32 to index
      %parallel_loop3A_489 = arith.index_cast %parallel_loop3A_455 : i32 to index
      %parallel_loop3A_490 = tpu.vector_load %arg8[%parallel_loop3A_487, %parallel_loop3A_488, %parallel_loop3A_489] {strides = array<i32>} : memref<3x16x512xf32, #tpu.memory_space<vmem>>, vector<16xf32>,
      %parallel_loop3A_491 = arith.subf %parallel_loop3A_485, %parallel_loop3A_490 : vector<16xf32>
      %parallel_loop3A_492 = math.absf %parallel_loop3A_491 : vector<16xf32>
      %parallel_loop3A_493 = arith.addf %parallel_loop3A_480, %parallel_loop3A_492 : vector<16xf32>
      %parallel_loop3A_494 = arith.index_cast %parallel_loop3A_451 : i32 to index
      %parallel_loop3A_495 = arith.index_cast %parallel_loop3A_455 : i32 to index
      %parallel_loop3A_496 = tpu.vector_load %arg10[%parallel_loop3A_494, %parallel_loop3A_495] {strides = array<i32>} : memref<16x512xi32, #tpu.memory_space<vmem>>, vector<16xi32>,
      %parallel_loop3A_497 = arith.constant 16 : i32
      %parallel_loop3A_498 = vector.broadcast %parallel_loop3A_497 : i32 to vector<16xi32>
      %parallel_loop3A_499 = arith.muli %parallel_loop3A_496, %parallel_loop3A_498 : vector<16xi32>
      %parallel_loop3A_500 = arith.addi %parallel_loop3A_499, %iota3A : vector<16xi32>
      tpu.vector_store_idx %arg12[%parallel_loop3A_500], %parallel_loop3A_493 {add = true} : memref<768xf32, #tpu.memory_space<vmem>>[vector<16xi32>], vector<16xf32>,
      %parallel_loop3A_501 = arith.constant 384 : i32
      %parallel_loop3A_502 = vector.broadcast %parallel_loop3A_501 : i32 to vector<16xi32>
      %parallel_loop3A_503 = arith.addi %parallel_loop3A_500, %parallel_loop3A_502 : vector<16xi32>
      tpu.vector_store_idx %arg12[%parallel_loop3A_503], %broadcast_in_dim3A_132 {add = true} : memref<768xf32, #tpu.memory_space<vmem>>[vector<16xi32>], vector<16xf32>,
    } {sc.loop_unroll_factor = 8 : i64, sc.parallel_access}
    %add3A_313 = arith.constant 64 : i32
    %add3A_314 = arith.addi %add3A_34, %add3A_313 : i32
    %multiple_of3A_315 = tpu.assume_multiple %add3A_314, 16 : i32
    %dma_start3A_316 = arith.constant 0 : i32
    %dma_start3A_317 = arith.constant 0 : i32
    %dma_start3A_318 = tpu.memref_slice %arg2[%select_n3A, %dma_start3A_316, %multiple_of3A_315, %dma_start3A_317] : memref<8x3x512x512xf32, #tpu.memory_space<hbm>> -> memref<1x3x16x512xf32, #tpu.memory_space<hbm>>
    %dma_start3A_319 = tpu.memref_squeeze %dma_start3A_318 : memref<1x3x16x512xf32, #tpu.memory_space<hbm>> -> memref<3x16x512xf32, #tpu.memory_space<hbm>>
    %dma_start3A_320 = arith.constant 0 : i32
    %dma_start3A_321 = arith.constant 0 : i32
    %dma_start3A_322 = tpu.memref_slice %arg2[%select_n3A, %dma_start3A_320, %multiple_of3A_315, %dma_start3A_321] : memref<8x3x512x512xf32, #tpu.memory_space<hbm>> -> memref<1x3x16x512xf32, #tpu.memory_space<hbm>>
    %dma_start3A_323 = tpu.memref_squeeze %dma_start3A_322 : memref<1x3x16x512xf32, #tpu.memory_space<hbm>> -> memref<3x16x512xf32, #tpu.memory_space<hbm>>
    tpu.enqueue_dma source(%dma_start3A_323 : memref<3x16x512xf32, #tpu.memory_space<hbm>>) target(%arg6 : memref<3x16x512xf32, #tpu.memory_space<vmem>>) target_semaphore(%arg13 : memref<!tpu.dma_semaphore, #tpu.memory_space<semaphore_mem>>)
    %dma_start3A_324 = arith.constant 0 : i32
    %dma_start3A_325 = arith.constant 0 : i32
    %dma_start3A_326 = tpu.memref_slice %arg3[%select_n3A, %dma_start3A_324, %multiple_of3A_315, %dma_start3A_325] : memref<8x3x512x512xf32, #tpu.memory_space<hbm>> -> memref<1x3x16x512xf32, #tpu.memory_space<hbm>>
    %dma_start3A_327 = tpu.memref_squeeze %dma_start3A_326 : memref<1x3x16x512xf32, #tpu.memory_space<hbm>> -> memref<3x16x512xf32, #tpu.memory_space<hbm>>
    %dma_start3A_328 = arith.constant 0 : i32
    %dma_start3A_329 = arith.constant 0 : i32
    %dma_start3A_330 = tpu.memref_slice %arg3[%select_n3A, %dma_start3A_328, %multiple_of3A_315, %dma_start3A_329] : memref<8x3x512x512xf32, #tpu.memory_space<hbm>> -> memref<1x3x16x512xf32, #tpu.memory_space<hbm>>
    %dma_start3A_331 = tpu.memref_squeeze %dma_start3A_330 : memref<1x3x16x512xf32, #tpu.memory_space<hbm>> -> memref<3x16x512xf32, #tpu.memory_space<hbm>>
    tpu.enqueue_dma source(%dma_start3A_331 : memref<3x16x512xf32, #tpu.memory_space<hbm>>) target(%arg8 : memref<3x16x512xf32, #tpu.memory_space<vmem>>) target_semaphore(%arg13 : memref<!tpu.dma_semaphore, #tpu.memory_space<semaphore_mem>>)
    %dma_start3A_332 = arith.constant 0 : i32
    %dma_start3A_333 = tpu.memref_slice %arg4[%select_n3A, %multiple_of3A_315, %dma_start3A_332] : memref<8x512x512xi32, #tpu.memory_space<hbm>> -> memref<1x16x512xi32, #tpu.memory_space<hbm>>
    %dma_start3A_334 = tpu.memref_squeeze %dma_start3A_333 : memref<1x16x512xi32, #tpu.memory_space<hbm>> -> memref<16x512xi32, #tpu.memory_space<hbm>>
    %dma_start3A_335 = arith.constant 0 : i32
    %dma_start3A_336 = tpu.memref_slice %arg4[%select_n3A, %multiple_of3A_315, %dma_start3A_335] : memref<8x512x512xi32, #tpu.memory_space<hbm>> -> memref<1x16x512xi32, #tpu.memory_space<hbm>>
    %dma_start3A_337 = tpu.memref_squeeze %dma_start3A_336 : memref<1x16x512xi32, #tpu.memory_space<hbm>> -> memref<16x512xi32, #tpu.memory_space<hbm>>
    tpu.enqueue_dma source(%dma_start3A_337 : memref<16x512xi32, #tpu.memory_space<hbm>>) target(%arg10 : memref<16x512xi32, #tpu.memory_space<vmem>>) target_semaphore(%arg13 : memref<!tpu.dma_semaphore, #tpu.memory_space<semaphore_mem>>)
    %add3A_338 = arith.constant 48 : i32
    %add3A_339 = arith.addi %add3A_34, %add3A_338 : i32
    %multiple_of3A_340 = tpu.assume_multiple %add3A_339, 16 : i32
    %dma_wait3A_341 = arith.constant 0 : i32
    %dma_wait3A_342 = arith.constant 0 : i32
    %dma_wait3A_343 = tpu.memref_slice %arg2[%select_n3A, %dma_wait3A_341, %multiple_of3A_340, %dma_wait3A_342] : memref<8x3x512x512xf32, #tpu.memory_space<hbm>> -> memref<1x3x16x512xf32, #tpu.memory_space<hbm>>
    %dma_wait3A_344 = tpu.memref_squeeze %dma_wait3A_343 : memref<1x3x16x512xf32, #tpu.memory_space<hbm>> -> memref<3x16x512xf32, #tpu.memory_space<hbm>>
    %dma_wait3A_345 = arith.constant 0 : i32
    %dma_wait3A_346 = arith.constant 0 : i32
    %dma_wait3A_347 = tpu.memref_slice %arg2[%select_n3A, %dma_wait3A_345, %multiple_of3A_340, %dma_wait3A_346] : memref<8x3x512x512xf32, #tpu.memory_space<hbm>> -> memref<1x3x16x512xf32, #tpu.memory_space<hbm>>
    %dma_wait3A_348 = tpu.memref_squeeze %dma_wait3A_347 : memref<1x3x16x512xf32, #tpu.memory_space<hbm>> -> memref<3x16x512xf32, #tpu.memory_space<hbm>>
    tpu.wait_dma2 semaphore(%arg13 : memref<!tpu.dma_semaphore, #tpu.memory_space<semaphore_mem>>) src(%dma_wait3A_348 : memref<3x16x512xf32, #tpu.memory_space<hbm>>) dst(%arg7 : memref<3x16x512xf32, #tpu.memory_space<vmem>>)
    %dma_wait3A_349 = arith.constant 0 : i32
    %dma_wait3A_350 = arith.constant 0 : i32
    %dma_wait3A_351 = tpu.memref_slice %arg3[%select_n3A, %dma_wait3A_349, %multiple_of3A_340, %dma_wait3A_350] : memref<8x3x512x512xf32, #tpu.memory_space<hbm>> -> memref<1x3x16x512xf32, #tpu.memory_space<hbm>>
    %dma_wait3A_352 = tpu.memref_squeeze %dma_wait3A_351 : memref<1x3x16x512xf32, #tpu.memory_space<hbm>> -> memref<3x16x512xf32, #tpu.memory_space<hbm>>
    %dma_wait3A_353 = arith.constant 0 : i32
    %dma_wait3A_354 = arith.constant 0 : i32
    %dma_wait3A_355 = tpu.memref_slice %arg3[%select_n3A, %dma_wait3A_353, %multiple_of3A_340, %dma_wait3A_354] : memref<8x3x512x512xf32, #tpu.memory_space<hbm>> -> memref<1x3x16x512xf32, #tpu.memory_space<hbm>>
    %dma_wait3A_356 = tpu.memref_squeeze %dma_wait3A_355 : memref<1x3x16x512xf32, #tpu.memory_space<hbm>> -> memref<3x16x512xf32, #tpu.memory_space<hbm>>
    tpu.wait_dma2 semaphore(%arg13 : memref<!tpu.dma_semaphore, #tpu.memory_space<semaphore_mem>>) src(%dma_wait3A_356 : memref<3x16x512xf32, #tpu.memory_space<hbm>>) dst(%arg9 : memref<3x16x512xf32, #tpu.memory_space<vmem>>)
    %dma_wait3A_357 = arith.constant 0 : i32
    %dma_wait3A_358 = tpu.memref_slice %arg4[%select_n3A, %multiple_of3A_340, %dma_wait3A_357] : memref<8x512x512xi32, #tpu.memory_space<hbm>> -> memref<1x16x512xi32, #tpu.memory_space<hbm>>
    %dma_wait3A_359 = tpu.memref_squeeze %dma_wait3A_358 : memref<1x16x512xi32, #tpu.memory_space<hbm>> -> memref<16x512xi32, #tpu.memory_space<hbm>>
    %dma_wait3A_360 = arith.constant 0 : i32
    %dma_wait3A_361 = tpu.memref_slice %arg4[%select_n3A, %multiple_of3A_340, %dma_wait3A_360] : memref<8x512x512xi32, #tpu.memory_space<hbm>> -> memref<1x16x512xi32, #tpu.memory_space<hbm>>
    %dma_wait3A_362 = tpu.memref_squeeze %dma_wait3A_361 : memref<1x16x512xi32, #tpu.memory_space<hbm>> -> memref<16x512xi32, #tpu.memory_space<hbm>>
    tpu.wait_dma2 semaphore(%arg13 : memref<!tpu.dma_semaphore, #tpu.memory_space<semaphore_mem>>) src(%dma_wait3A_362 : memref<16x512xi32, #tpu.memory_space<hbm>>) dst(%arg11 : memref<16x512xi32, #tpu.memory_space<vmem>>)
    %parallel_loop3A_363 = arith.constant 0 : i32
    %parallel_loop3A_364 = arith.constant 512 : i32
    %parallel_loop3A_365 = arith.constant 1 : i32
    scf.for %parallel_loop3A_449 = %parallel_loop3A_363 to %parallel_loop3A_364 step %parallel_loop3A_365  : i32 {
      %parallel_loop3A_450 = arith.constant 5 : i32
      %parallel_loop3A_451 = arith.shrui %parallel_loop3A_449, %parallel_loop3A_450 : i32
      %parallel_loop3A_452 = arith.constant 31 : i32
      %parallel_loop3A_453 = arith.andi %parallel_loop3A_449, %parallel_loop3A_452 : i32
      %parallel_loop3A_454 = arith.constant 4 : i32
      %parallel_loop3A_455 = arith.shli %parallel_loop3A_453, %parallel_loop3A_454 : i32
      %parallel_loop3A_456 = arith.constant 0 : i32
      %parallel_loop3A_457 = arith.index_cast %parallel_loop3A_456 : i32 to index
      %parallel_loop3A_458 = arith.index_cast %parallel_loop3A_451 : i32 to index
      %parallel_loop3A_459 = arith.index_cast %parallel_loop3A_455 : i32 to index
      %parallel_loop3A_460 = tpu.vector_load %arg7[%parallel_loop3A_457, %parallel_loop3A_458, %parallel_loop3A_459] {strides = array<i32>} : memref<3x16x512xf32, #tpu.memory_space<vmem>>, vector<16xf32>,
      %parallel_loop3A_461 = arith.constant 0 : i32
      %parallel_loop3A_462 = arith.index_cast %parallel_loop3A_461 : i32 to index
      %parallel_loop3A_463 = arith.index_cast %parallel_loop3A_451 : i32 to index
      %parallel_loop3A_464 = arith.index_cast %parallel_loop3A_455 : i32 to index
      %parallel_loop3A_465 = tpu.vector_load %arg9[%parallel_loop3A_462, %parallel_loop3A_463, %parallel_loop3A_464] {strides = array<i32>} : memref<3x16x512xf32, #tpu.memory_space<vmem>>, vector<16xf32>,
      %parallel_loop3A_466 = arith.subf %parallel_loop3A_460, %parallel_loop3A_465 : vector<16xf32>
      %parallel_loop3A_467 = math.absf %parallel_loop3A_466 : vector<16xf32>
      %parallel_loop3A_468 = arith.constant 1 : i32
      %parallel_loop3A_469 = arith.index_cast %parallel_loop3A_468 : i32 to index
      %parallel_loop3A_470 = arith.index_cast %parallel_loop3A_451 : i32 to index
      %parallel_loop3A_471 = arith.index_cast %parallel_loop3A_455 : i32 to index
      %parallel_loop3A_472 = tpu.vector_load %arg7[%parallel_loop3A_469, %parallel_loop3A_470, %parallel_loop3A_471] {strides = array<i32>} : memref<3x16x512xf32, #tpu.memory_space<vmem>>, vector<16xf32>,
      %parallel_loop3A_473 = arith.constant 1 : i32
      %parallel_loop3A_474 = arith.index_cast %parallel_loop3A_473 : i32 to index
      %parallel_loop3A_475 = arith.index_cast %parallel_loop3A_451 : i32 to index
      %parallel_loop3A_476 = arith.index_cast %parallel_loop3A_455 : i32 to index
      %parallel_loop3A_477 = tpu.vector_load %arg9[%parallel_loop3A_474, %parallel_loop3A_475, %parallel_loop3A_476] {strides = array<i32>} : memref<3x16x512xf32, #tpu.memory_space<vmem>>, vector<16xf32>,
      %parallel_loop3A_478 = arith.subf %parallel_loop3A_472, %parallel_loop3A_477 : vector<16xf32>
      %parallel_loop3A_479 = math.absf %parallel_loop3A_478 : vector<16xf32>
      %parallel_loop3A_480 = arith.addf %parallel_loop3A_467, %parallel_loop3A_479 : vector<16xf32>
      %parallel_loop3A_481 = arith.constant 2 : i32
      %parallel_loop3A_482 = arith.index_cast %parallel_loop3A_481 : i32 to index
      %parallel_loop3A_483 = arith.index_cast %parallel_loop3A_451 : i32 to index
      %parallel_loop3A_484 = arith.index_cast %parallel_loop3A_455 : i32 to index
      %parallel_loop3A_485 = tpu.vector_load %arg7[%parallel_loop3A_482, %parallel_loop3A_483, %parallel_loop3A_484] {strides = array<i32>} : memref<3x16x512xf32, #tpu.memory_space<vmem>>, vector<16xf32>,
      %parallel_loop3A_486 = arith.constant 2 : i32
      %parallel_loop3A_487 = arith.index_cast %parallel_loop3A_486 : i32 to index
      %parallel_loop3A_488 = arith.index_cast %parallel_loop3A_451 : i32 to index
      %parallel_loop3A_489 = arith.index_cast %parallel_loop3A_455 : i32 to index
      %parallel_loop3A_490 = tpu.vector_load %arg9[%parallel_loop3A_487, %parallel_loop3A_488, %parallel_loop3A_489] {strides = array<i32>} : memref<3x16x512xf32, #tpu.memory_space<vmem>>, vector<16xf32>,
      %parallel_loop3A_491 = arith.subf %parallel_loop3A_485, %parallel_loop3A_490 : vector<16xf32>
      %parallel_loop3A_492 = math.absf %parallel_loop3A_491 : vector<16xf32>
      %parallel_loop3A_493 = arith.addf %parallel_loop3A_480, %parallel_loop3A_492 : vector<16xf32>
      %parallel_loop3A_494 = arith.index_cast %parallel_loop3A_451 : i32 to index
      %parallel_loop3A_495 = arith.index_cast %parallel_loop3A_455 : i32 to index
      %parallel_loop3A_496 = tpu.vector_load %arg11[%parallel_loop3A_494, %parallel_loop3A_495] {strides = array<i32>} : memref<16x512xi32, #tpu.memory_space<vmem>>, vector<16xi32>,
      %parallel_loop3A_497 = arith.constant 16 : i32
      %parallel_loop3A_498 = vector.broadcast %parallel_loop3A_497 : i32 to vector<16xi32>
      %parallel_loop3A_499 = arith.muli %parallel_loop3A_496, %parallel_loop3A_498 : vector<16xi32>
      %parallel_loop3A_500 = arith.addi %parallel_loop3A_499, %iota3A : vector<16xi32>
      tpu.vector_store_idx %arg12[%parallel_loop3A_500], %parallel_loop3A_493 {add = true} : memref<768xf32, #tpu.memory_space<vmem>>[vector<16xi32>], vector<16xf32>,
      %parallel_loop3A_501 = arith.constant 384 : i32
      %parallel_loop3A_502 = vector.broadcast %parallel_loop3A_501 : i32 to vector<16xi32>
      %parallel_loop3A_503 = arith.addi %parallel_loop3A_500, %parallel_loop3A_502 : vector<16xi32>
      tpu.vector_store_idx %arg12[%parallel_loop3A_503], %broadcast_in_dim3A_132 {add = true} : memref<768xf32, #tpu.memory_space<vmem>>[vector<16xi32>], vector<16xf32>,
    } {sc.loop_unroll_factor = 8 : i64, sc.parallel_access}
    %add3A_366 = arith.constant 80 : i32
    %add3A_367 = arith.addi %add3A_34, %add3A_366 : i32
    %multiple_of3A_368 = tpu.assume_multiple %add3A_367, 16 : i32
    %dma_start3A_369 = arith.constant 0 : i32
    %dma_start3A_370 = arith.constant 0 : i32
    %dma_start3A_371 = tpu.memref_slice %arg2[%select_n3A, %dma_start3A_369, %multiple_of3A_368, %dma_start3A_370] : memref<8x3x512x512xf32, #tpu.memory_space<hbm>> -> memref<1x3x16x512xf32, #tpu.memory_space<hbm>>
    %dma_start3A_372 = tpu.memref_squeeze %dma_start3A_371 : memref<1x3x16x512xf32, #tpu.memory_space<hbm>> -> memref<3x16x512xf32, #tpu.memory_space<hbm>>
    %dma_start3A_373 = arith.constant 0 : i32
    %dma_start3A_374 = arith.constant 0 : i32
    %dma_start3A_375 = tpu.memref_slice %arg2[%select_n3A, %dma_start3A_373, %multiple_of3A_368, %dma_start3A_374] : memref<8x3x512x512xf32, #tpu.memory_space<hbm>> -> memref<1x3x16x512xf32, #tpu.memory_space<hbm>>
    %dma_start3A_376 = tpu.memref_squeeze %dma_start3A_375 : memref<1x3x16x512xf32, #tpu.memory_space<hbm>> -> memref<3x16x512xf32, #tpu.memory_space<hbm>>
    tpu.enqueue_dma source(%dma_start3A_376 : memref<3x16x512xf32, #tpu.memory_space<hbm>>) target(%arg7 : memref<3x16x512xf32, #tpu.memory_space<vmem>>) target_semaphore(%arg13 : memref<!tpu.dma_semaphore, #tpu.memory_space<semaphore_mem>>)
    %dma_start3A_377 = arith.constant 0 : i32
    %dma_start3A_378 = arith.constant 0 : i32
    %dma_start3A_379 = tpu.memref_slice %arg3[%select_n3A, %dma_start3A_377, %multiple_of3A_368, %dma_start3A_378] : memref<8x3x512x512xf32, #tpu.memory_space<hbm>> -> memref<1x3x16x512xf32, #tpu.memory_space<hbm>>
    %dma_start3A_380 = tpu.memref_squeeze %dma_start3A_379 : memref<1x3x16x512xf32, #tpu.memory_space<hbm>> -> memref<3x16x512xf32, #tpu.memory_space<hbm>>
    %dma_start3A_381 = arith.constant 0 : i32
    %dma_start3A_382 = arith.constant 0 : i32
    %dma_start3A_383 = tpu.memref_slice %arg3[%select_n3A, %dma_start3A_381, %multiple_of3A_368, %dma_start3A_382] : memref<8x3x512x512xf32, #tpu.memory_space<hbm>> -> memref<1x3x16x512xf32, #tpu.memory_space<hbm>>
    %dma_start3A_384 = tpu.memref_squeeze %dma_start3A_383 : memref<1x3x16x512xf32, #tpu.memory_space<hbm>> -> memref<3x16x512xf32, #tpu.memory_space<hbm>>
    tpu.enqueue_dma source(%dma_start3A_384 : memref<3x16x512xf32, #tpu.memory_space<hbm>>) target(%arg9 : memref<3x16x512xf32, #tpu.memory_space<vmem>>) target_semaphore(%arg13 : memref<!tpu.dma_semaphore, #tpu.memory_space<semaphore_mem>>)
    %dma_start3A_385 = arith.constant 0 : i32
    %dma_start3A_386 = tpu.memref_slice %arg4[%select_n3A, %multiple_of3A_368, %dma_start3A_385] : memref<8x512x512xi32, #tpu.memory_space<hbm>> -> memref<1x16x512xi32, #tpu.memory_space<hbm>>
    %dma_start3A_387 = tpu.memref_squeeze %dma_start3A_386 : memref<1x16x512xi32, #tpu.memory_space<hbm>> -> memref<16x512xi32, #tpu.memory_space<hbm>>
    %dma_start3A_388 = arith.constant 0 : i32
    %dma_start3A_389 = tpu.memref_slice %arg4[%select_n3A, %multiple_of3A_368, %dma_start3A_388] : memref<8x512x512xi32, #tpu.memory_space<hbm>> -> memref<1x16x512xi32, #tpu.memory_space<hbm>>
    %dma_start3A_390 = tpu.memref_squeeze %dma_start3A_389 : memref<1x16x512xi32, #tpu.memory_space<hbm>> -> memref<16x512xi32, #tpu.memory_space<hbm>>
    tpu.enqueue_dma source(%dma_start3A_390 : memref<16x512xi32, #tpu.memory_space<hbm>>) target(%arg11 : memref<16x512xi32, #tpu.memory_space<vmem>>) target_semaphore(%arg13 : memref<!tpu.dma_semaphore, #tpu.memory_space<semaphore_mem>>)
    %add3A_391 = arith.constant 64 : i32
    %add3A_392 = arith.addi %add3A_34, %add3A_391 : i32
    %multiple_of3A_393 = tpu.assume_multiple %add3A_392, 16 : i32
    %dma_wait3A_394 = arith.constant 0 : i32
    %dma_wait3A_395 = arith.constant 0 : i32
    %dma_wait3A_396 = tpu.memref_slice %arg2[%select_n3A, %dma_wait3A_394, %multiple_of3A_393, %dma_wait3A_395] : memref<8x3x512x512xf32, #tpu.memory_space<hbm>> -> memref<1x3x16x512xf32, #tpu.memory_space<hbm>>
    %dma_wait3A_397 = tpu.memref_squeeze %dma_wait3A_396 : memref<1x3x16x512xf32, #tpu.memory_space<hbm>> -> memref<3x16x512xf32, #tpu.memory_space<hbm>>
    %dma_wait3A_398 = arith.constant 0 : i32
    %dma_wait3A_399 = arith.constant 0 : i32
    %dma_wait3A_400 = tpu.memref_slice %arg2[%select_n3A, %dma_wait3A_398, %multiple_of3A_393, %dma_wait3A_399] : memref<8x3x512x512xf32, #tpu.memory_space<hbm>> -> memref<1x3x16x512xf32, #tpu.memory_space<hbm>>
    %dma_wait3A_401 = tpu.memref_squeeze %dma_wait3A_400 : memref<1x3x16x512xf32, #tpu.memory_space<hbm>> -> memref<3x16x512xf32, #tpu.memory_space<hbm>>
    tpu.wait_dma2 semaphore(%arg13 : memref<!tpu.dma_semaphore, #tpu.memory_space<semaphore_mem>>) src(%dma_wait3A_401 : memref<3x16x512xf32, #tpu.memory_space<hbm>>) dst(%arg6 : memref<3x16x512xf32, #tpu.memory_space<vmem>>)
    %dma_wait3A_402 = arith.constant 0 : i32
    %dma_wait3A_403 = arith.constant 0 : i32
    %dma_wait3A_404 = tpu.memref_slice %arg3[%select_n3A, %dma_wait3A_402, %multiple_of3A_393, %dma_wait3A_403] : memref<8x3x512x512xf32, #tpu.memory_space<hbm>> -> memref<1x3x16x512xf32, #tpu.memory_space<hbm>>
    %dma_wait3A_405 = tpu.memref_squeeze %dma_wait3A_404 : memref<1x3x16x512xf32, #tpu.memory_space<hbm>> -> memref<3x16x512xf32, #tpu.memory_space<hbm>>
    %dma_wait3A_406 = arith.constant 0 : i32
    %dma_wait3A_407 = arith.constant 0 : i32
    %dma_wait3A_408 = tpu.memref_slice %arg3[%select_n3A, %dma_wait3A_406, %multiple_of3A_393, %dma_wait3A_407] : memref<8x3x512x512xf32, #tpu.memory_space<hbm>> -> memref<1x3x16x512xf32, #tpu.memory_space<hbm>>
    %dma_wait3A_409 = tpu.memref_squeeze %dma_wait3A_408 : memref<1x3x16x512xf32, #tpu.memory_space<hbm>> -> memref<3x16x512xf32, #tpu.memory_space<hbm>>
    tpu.wait_dma2 semaphore(%arg13 : memref<!tpu.dma_semaphore, #tpu.memory_space<semaphore_mem>>) src(%dma_wait3A_409 : memref<3x16x512xf32, #tpu.memory_space<hbm>>) dst(%arg8 : memref<3x16x512xf32, #tpu.memory_space<vmem>>)
    %dma_wait3A_410 = arith.constant 0 : i32
    %dma_wait3A_411 = tpu.memref_slice %arg4[%select_n3A, %multiple_of3A_393, %dma_wait3A_410] : memref<8x512x512xi32, #tpu.memory_space<hbm>> -> memref<1x16x512xi32, #tpu.memory_space<hbm>>
    %dma_wait3A_412 = tpu.memref_squeeze %dma_wait3A_411 : memref<1x16x512xi32, #tpu.memory_space<hbm>> -> memref<16x512xi32, #tpu.memory_space<hbm>>
    %dma_wait3A_413 = arith.constant 0 : i32
    %dma_wait3A_414 = tpu.memref_slice %arg4[%select_n3A, %multiple_of3A_393, %dma_wait3A_413] : memref<8x512x512xi32, #tpu.memory_space<hbm>> -> memref<1x16x512xi32, #tpu.memory_space<hbm>>
    %dma_wait3A_415 = tpu.memref_squeeze %dma_wait3A_414 : memref<1x16x512xi32, #tpu.memory_space<hbm>> -> memref<16x512xi32, #tpu.memory_space<hbm>>
    tpu.wait_dma2 semaphore(%arg13 : memref<!tpu.dma_semaphore, #tpu.memory_space<semaphore_mem>>) src(%dma_wait3A_415 : memref<16x512xi32, #tpu.memory_space<hbm>>) dst(%arg10 : memref<16x512xi32, #tpu.memory_space<vmem>>)
    %parallel_loop3A_416 = arith.constant 0 : i32
    %parallel_loop3A_417 = arith.constant 512 : i32
    %parallel_loop3A_418 = arith.constant 1 : i32
    scf.for %parallel_loop3A_449 = %parallel_loop3A_416 to %parallel_loop3A_417 step %parallel_loop3A_418  : i32 {
      %parallel_loop3A_450 = arith.constant 5 : i32
      %parallel_loop3A_451 = arith.shrui %parallel_loop3A_449, %parallel_loop3A_450 : i32
      %parallel_loop3A_452 = arith.constant 31 : i32
      %parallel_loop3A_453 = arith.andi %parallel_loop3A_449, %parallel_loop3A_452 : i32
      %parallel_loop3A_454 = arith.constant 4 : i32
      %parallel_loop3A_455 = arith.shli %parallel_loop3A_453, %parallel_loop3A_454 : i32
      %parallel_loop3A_456 = arith.constant 0 : i32
      %parallel_loop3A_457 = arith.index_cast %parallel_loop3A_456 : i32 to index
      %parallel_loop3A_458 = arith.index_cast %parallel_loop3A_451 : i32 to index
      %parallel_loop3A_459 = arith.index_cast %parallel_loop3A_455 : i32 to index
      %parallel_loop3A_460 = tpu.vector_load %arg6[%parallel_loop3A_457, %parallel_loop3A_458, %parallel_loop3A_459] {strides = array<i32>} : memref<3x16x512xf32, #tpu.memory_space<vmem>>, vector<16xf32>,
      %parallel_loop3A_461 = arith.constant 0 : i32
      %parallel_loop3A_462 = arith.index_cast %parallel_loop3A_461 : i32 to index
      %parallel_loop3A_463 = arith.index_cast %parallel_loop3A_451 : i32 to index
      %parallel_loop3A_464 = arith.index_cast %parallel_loop3A_455 : i32 to index
      %parallel_loop3A_465 = tpu.vector_load %arg8[%parallel_loop3A_462, %parallel_loop3A_463, %parallel_loop3A_464] {strides = array<i32>} : memref<3x16x512xf32, #tpu.memory_space<vmem>>, vector<16xf32>,
      %parallel_loop3A_466 = arith.subf %parallel_loop3A_460, %parallel_loop3A_465 : vector<16xf32>
      %parallel_loop3A_467 = math.absf %parallel_loop3A_466 : vector<16xf32>
      %parallel_loop3A_468 = arith.constant 1 : i32
      %parallel_loop3A_469 = arith.index_cast %parallel_loop3A_468 : i32 to index
      %parallel_loop3A_470 = arith.index_cast %parallel_loop3A_451 : i32 to index
      %parallel_loop3A_471 = arith.index_cast %parallel_loop3A_455 : i32 to index
      %parallel_loop3A_472 = tpu.vector_load %arg6[%parallel_loop3A_469, %parallel_loop3A_470, %parallel_loop3A_471] {strides = array<i32>} : memref<3x16x512xf32, #tpu.memory_space<vmem>>, vector<16xf32>,
      %parallel_loop3A_473 = arith.constant 1 : i32
      %parallel_loop3A_474 = arith.index_cast %parallel_loop3A_473 : i32 to index
      %parallel_loop3A_475 = arith.index_cast %parallel_loop3A_451 : i32 to index
      %parallel_loop3A_476 = arith.index_cast %parallel_loop3A_455 : i32 to index
      %parallel_loop3A_477 = tpu.vector_load %arg8[%parallel_loop3A_474, %parallel_loop3A_475, %parallel_loop3A_476] {strides = array<i32>} : memref<3x16x512xf32, #tpu.memory_space<vmem>>, vector<16xf32>,
      %parallel_loop3A_478 = arith.subf %parallel_loop3A_472, %parallel_loop3A_477 : vector<16xf32>
      %parallel_loop3A_479 = math.absf %parallel_loop3A_478 : vector<16xf32>
      %parallel_loop3A_480 = arith.addf %parallel_loop3A_467, %parallel_loop3A_479 : vector<16xf32>
      %parallel_loop3A_481 = arith.constant 2 : i32
      %parallel_loop3A_482 = arith.index_cast %parallel_loop3A_481 : i32 to index
      %parallel_loop3A_483 = arith.index_cast %parallel_loop3A_451 : i32 to index
      %parallel_loop3A_484 = arith.index_cast %parallel_loop3A_455 : i32 to index
      %parallel_loop3A_485 = tpu.vector_load %arg6[%parallel_loop3A_482, %parallel_loop3A_483, %parallel_loop3A_484] {strides = array<i32>} : memref<3x16x512xf32, #tpu.memory_space<vmem>>, vector<16xf32>,
      %parallel_loop3A_486 = arith.constant 2 : i32
      %parallel_loop3A_487 = arith.index_cast %parallel_loop3A_486 : i32 to index
      %parallel_loop3A_488 = arith.index_cast %parallel_loop3A_451 : i32 to index
      %parallel_loop3A_489 = arith.index_cast %parallel_loop3A_455 : i32 to index
      %parallel_loop3A_490 = tpu.vector_load %arg8[%parallel_loop3A_487, %parallel_loop3A_488, %parallel_loop3A_489] {strides = array<i32>} : memref<3x16x512xf32, #tpu.memory_space<vmem>>, vector<16xf32>,
      %parallel_loop3A_491 = arith.subf %parallel_loop3A_485, %parallel_loop3A_490 : vector<16xf32>
      %parallel_loop3A_492 = math.absf %parallel_loop3A_491 : vector<16xf32>
      %parallel_loop3A_493 = arith.addf %parallel_loop3A_480, %parallel_loop3A_492 : vector<16xf32>
      %parallel_loop3A_494 = arith.index_cast %parallel_loop3A_451 : i32 to index
      %parallel_loop3A_495 = arith.index_cast %parallel_loop3A_455 : i32 to index
      %parallel_loop3A_496 = tpu.vector_load %arg10[%parallel_loop3A_494, %parallel_loop3A_495] {strides = array<i32>} : memref<16x512xi32, #tpu.memory_space<vmem>>, vector<16xi32>,
      %parallel_loop3A_497 = arith.constant 16 : i32
      %parallel_loop3A_498 = vector.broadcast %parallel_loop3A_497 : i32 to vector<16xi32>
      %parallel_loop3A_499 = arith.muli %parallel_loop3A_496, %parallel_loop3A_498 : vector<16xi32>
      %parallel_loop3A_500 = arith.addi %parallel_loop3A_499, %iota3A : vector<16xi32>
      tpu.vector_store_idx %arg12[%parallel_loop3A_500], %parallel_loop3A_493 {add = true} : memref<768xf32, #tpu.memory_space<vmem>>[vector<16xi32>], vector<16xf32>,
      %parallel_loop3A_501 = arith.constant 384 : i32
      %parallel_loop3A_502 = vector.broadcast %parallel_loop3A_501 : i32 to vector<16xi32>
      %parallel_loop3A_503 = arith.addi %parallel_loop3A_500, %parallel_loop3A_502 : vector<16xi32>
      tpu.vector_store_idx %arg12[%parallel_loop3A_503], %broadcast_in_dim3A_132 {add = true} : memref<768xf32, #tpu.memory_space<vmem>>[vector<16xi32>], vector<16xf32>,
    } {sc.loop_unroll_factor = 8 : i64, sc.parallel_access}
    %add3A_419 = arith.constant 80 : i32
    %add3A_420 = arith.addi %add3A_34, %add3A_419 : i32
    %multiple_of3A_421 = tpu.assume_multiple %add3A_420, 16 : i32
    %dma_wait3A_422 = arith.constant 0 : i32
    %dma_wait3A_423 = arith.constant 0 : i32
    %dma_wait3A_424 = tpu.memref_slice %arg2[%select_n3A, %dma_wait3A_422, %multiple_of3A_421, %dma_wait3A_423] : memref<8x3x512x512xf32, #tpu.memory_space<hbm>> -> memref<1x3x16x512xf32, #tpu.memory_space<hbm>>
    %dma_wait3A_425 = tpu.memref_squeeze %dma_wait3A_424 : memref<1x3x16x512xf32, #tpu.memory_space<hbm>> -> memref<3x16x512xf32, #tpu.memory_space<hbm>>
    %dma_wait3A_426 = arith.constant 0 : i32
    %dma_wait3A_427 = arith.constant 0 : i32
    %dma_wait3A_428 = tpu.memref_slice %arg2[%select_n3A, %dma_wait3A_426, %multiple_of3A_421, %dma_wait3A_427] : memref<8x3x512x512xf32, #tpu.memory_space<hbm>> -> memref<1x3x16x512xf32, #tpu.memory_space<hbm>>
    %dma_wait3A_429 = tpu.memref_squeeze %dma_wait3A_428 : memref<1x3x16x512xf32, #tpu.memory_space<hbm>> -> memref<3x16x512xf32, #tpu.memory_space<hbm>>
    tpu.wait_dma2 semaphore(%arg13 : memref<!tpu.dma_semaphore, #tpu.memory_space<semaphore_mem>>) src(%dma_wait3A_429 : memref<3x16x512xf32, #tpu.memory_space<hbm>>) dst(%arg7 : memref<3x16x512xf32, #tpu.memory_space<vmem>>)
    %dma_wait3A_430 = arith.constant 0 : i32
    %dma_wait3A_431 = arith.constant 0 : i32
    %dma_wait3A_432 = tpu.memref_slice %arg3[%select_n3A, %dma_wait3A_430, %multiple_of3A_421, %dma_wait3A_431] : memref<8x3x512x512xf32, #tpu.memory_space<hbm>> -> memref<1x3x16x512xf32, #tpu.memory_space<hbm>>
    %dma_wait3A_433 = tpu.memref_squeeze %dma_wait3A_432 : memref<1x3x16x512xf32, #tpu.memory_space<hbm>> -> memref<3x16x512xf32, #tpu.memory_space<hbm>>
    %dma_wait3A_434 = arith.constant 0 : i32
    %dma_wait3A_435 = arith.constant 0 : i32
    %dma_wait3A_436 = tpu.memref_slice %arg3[%select_n3A, %dma_wait3A_434, %multiple_of3A_421, %dma_wait3A_435] : memref<8x3x512x512xf32, #tpu.memory_space<hbm>> -> memref<1x3x16x512xf32, #tpu.memory_space<hbm>>
    %dma_wait3A_437 = tpu.memref_squeeze %dma_wait3A_436 : memref<1x3x16x512xf32, #tpu.memory_space<hbm>> -> memref<3x16x512xf32, #tpu.memory_space<hbm>>
    tpu.wait_dma2 semaphore(%arg13 : memref<!tpu.dma_semaphore, #tpu.memory_space<semaphore_mem>>) src(%dma_wait3A_437 : memref<3x16x512xf32, #tpu.memory_space<hbm>>) dst(%arg9 : memref<3x16x512xf32, #tpu.memory_space<vmem>>)
    %dma_wait3A_438 = arith.constant 0 : i32
    %dma_wait3A_439 = tpu.memref_slice %arg4[%select_n3A, %multiple_of3A_421, %dma_wait3A_438] : memref<8x512x512xi32, #tpu.memory_space<hbm>> -> memref<1x16x512xi32, #tpu.memory_space<hbm>>
    %dma_wait3A_440 = tpu.memref_squeeze %dma_wait3A_439 : memref<1x16x512xi32, #tpu.memory_space<hbm>> -> memref<16x512xi32, #tpu.memory_space<hbm>>
    %dma_wait3A_441 = arith.constant 0 : i32
    %dma_wait3A_442 = tpu.memref_slice %arg4[%select_n3A, %multiple_of3A_421, %dma_wait3A_441] : memref<8x512x512xi32, #tpu.memory_space<hbm>> -> memref<1x16x512xi32, #tpu.memory_space<hbm>>
    %dma_wait3A_443 = tpu.memref_squeeze %dma_wait3A_442 : memref<1x16x512xi32, #tpu.memory_space<hbm>> -> memref<16x512xi32, #tpu.memory_space<hbm>>
    tpu.wait_dma2 semaphore(%arg13 : memref<!tpu.dma_semaphore, #tpu.memory_space<semaphore_mem>>) src(%dma_wait3A_443 : memref<16x512xi32, #tpu.memory_space<hbm>>) dst(%arg11 : memref<16x512xi32, #tpu.memory_space<vmem>>)
    %parallel_loop3A_444 = arith.constant 0 : i32
    %parallel_loop3A_445 = arith.constant 512 : i32
    %parallel_loop3A_446 = arith.constant 1 : i32
    scf.for %parallel_loop3A_449 = %parallel_loop3A_444 to %parallel_loop3A_445 step %parallel_loop3A_446  : i32 {
      %parallel_loop3A_450 = arith.constant 5 : i32
      %parallel_loop3A_451 = arith.shrui %parallel_loop3A_449, %parallel_loop3A_450 : i32
      %parallel_loop3A_452 = arith.constant 31 : i32
      %parallel_loop3A_453 = arith.andi %parallel_loop3A_449, %parallel_loop3A_452 : i32
      %parallel_loop3A_454 = arith.constant 4 : i32
      %parallel_loop3A_455 = arith.shli %parallel_loop3A_453, %parallel_loop3A_454 : i32
      %parallel_loop3A_456 = arith.constant 0 : i32
      %parallel_loop3A_457 = arith.index_cast %parallel_loop3A_456 : i32 to index
      %parallel_loop3A_458 = arith.index_cast %parallel_loop3A_451 : i32 to index
      %parallel_loop3A_459 = arith.index_cast %parallel_loop3A_455 : i32 to index
      %parallel_loop3A_460 = tpu.vector_load %arg7[%parallel_loop3A_457, %parallel_loop3A_458, %parallel_loop3A_459] {strides = array<i32>} : memref<3x16x512xf32, #tpu.memory_space<vmem>>, vector<16xf32>,
      %parallel_loop3A_461 = arith.constant 0 : i32
      %parallel_loop3A_462 = arith.index_cast %parallel_loop3A_461 : i32 to index
      %parallel_loop3A_463 = arith.index_cast %parallel_loop3A_451 : i32 to index
      %parallel_loop3A_464 = arith.index_cast %parallel_loop3A_455 : i32 to index
      %parallel_loop3A_465 = tpu.vector_load %arg9[%parallel_loop3A_462, %parallel_loop3A_463, %parallel_loop3A_464] {strides = array<i32>} : memref<3x16x512xf32, #tpu.memory_space<vmem>>, vector<16xf32>,
      %parallel_loop3A_466 = arith.subf %parallel_loop3A_460, %parallel_loop3A_465 : vector<16xf32>
      %parallel_loop3A_467 = math.absf %parallel_loop3A_466 : vector<16xf32>
      %parallel_loop3A_468 = arith.constant 1 : i32
      %parallel_loop3A_469 = arith.index_cast %parallel_loop3A_468 : i32 to index
      %parallel_loop3A_470 = arith.index_cast %parallel_loop3A_451 : i32 to index
      %parallel_loop3A_471 = arith.index_cast %parallel_loop3A_455 : i32 to index
      %parallel_loop3A_472 = tpu.vector_load %arg7[%parallel_loop3A_469, %parallel_loop3A_470, %parallel_loop3A_471] {strides = array<i32>} : memref<3x16x512xf32, #tpu.memory_space<vmem>>, vector<16xf32>,
      %parallel_loop3A_473 = arith.constant 1 : i32
      %parallel_loop3A_474 = arith.index_cast %parallel_loop3A_473 : i32 to index
      %parallel_loop3A_475 = arith.index_cast %parallel_loop3A_451 : i32 to index
      %parallel_loop3A_476 = arith.index_cast %parallel_loop3A_455 : i32 to index
      %parallel_loop3A_477 = tpu.vector_load %arg9[%parallel_loop3A_474, %parallel_loop3A_475, %parallel_loop3A_476] {strides = array<i32>} : memref<3x16x512xf32, #tpu.memory_space<vmem>>, vector<16xf32>,
      %parallel_loop3A_478 = arith.subf %parallel_loop3A_472, %parallel_loop3A_477 : vector<16xf32>
      %parallel_loop3A_479 = math.absf %parallel_loop3A_478 : vector<16xf32>
      %parallel_loop3A_480 = arith.addf %parallel_loop3A_467, %parallel_loop3A_479 : vector<16xf32>
      %parallel_loop3A_481 = arith.constant 2 : i32
      %parallel_loop3A_482 = arith.index_cast %parallel_loop3A_481 : i32 to index
      %parallel_loop3A_483 = arith.index_cast %parallel_loop3A_451 : i32 to index
      %parallel_loop3A_484 = arith.index_cast %parallel_loop3A_455 : i32 to index
      %parallel_loop3A_485 = tpu.vector_load %arg7[%parallel_loop3A_482, %parallel_loop3A_483, %parallel_loop3A_484] {strides = array<i32>} : memref<3x16x512xf32, #tpu.memory_space<vmem>>, vector<16xf32>,
      %parallel_loop3A_486 = arith.constant 2 : i32
      %parallel_loop3A_487 = arith.index_cast %parallel_loop3A_486 : i32 to index
      %parallel_loop3A_488 = arith.index_cast %parallel_loop3A_451 : i32 to index
      %parallel_loop3A_489 = arith.index_cast %parallel_loop3A_455 : i32 to index
      %parallel_loop3A_490 = tpu.vector_load %arg9[%parallel_loop3A_487, %parallel_loop3A_488, %parallel_loop3A_489] {strides = array<i32>} : memref<3x16x512xf32, #tpu.memory_space<vmem>>, vector<16xf32>,
      %parallel_loop3A_491 = arith.subf %parallel_loop3A_485, %parallel_loop3A_490 : vector<16xf32>
      %parallel_loop3A_492 = math.absf %parallel_loop3A_491 : vector<16xf32>
      %parallel_loop3A_493 = arith.addf %parallel_loop3A_480, %parallel_loop3A_492 : vector<16xf32>
      %parallel_loop3A_494 = arith.index_cast %parallel_loop3A_451 : i32 to index
      %parallel_loop3A_495 = arith.index_cast %parallel_loop3A_455 : i32 to index
      %parallel_loop3A_496 = tpu.vector_load %arg11[%parallel_loop3A_494, %parallel_loop3A_495] {strides = array<i32>} : memref<16x512xi32, #tpu.memory_space<vmem>>, vector<16xi32>,
      %parallel_loop3A_497 = arith.constant 16 : i32
      %parallel_loop3A_498 = vector.broadcast %parallel_loop3A_497 : i32 to vector<16xi32>
      %parallel_loop3A_499 = arith.muli %parallel_loop3A_496, %parallel_loop3A_498 : vector<16xi32>
      %parallel_loop3A_500 = arith.addi %parallel_loop3A_499, %iota3A : vector<16xi32>
      tpu.vector_store_idx %arg12[%parallel_loop3A_500], %parallel_loop3A_493 {add = true} : memref<768xf32, #tpu.memory_space<vmem>>[vector<16xi32>], vector<16xf32>,
      %parallel_loop3A_501 = arith.constant 384 : i32
      %parallel_loop3A_502 = vector.broadcast %parallel_loop3A_501 : i32 to vector<16xi32>
      %parallel_loop3A_503 = arith.addi %parallel_loop3A_500, %parallel_loop3A_502 : vector<16xi32>
      tpu.vector_store_idx %arg12[%parallel_loop3A_503], %broadcast_in_dim3A_132 {add = true} : memref<768xf32, #tpu.memory_space<vmem>>[vector<16xi32>], vector<16xf32>,
    } {sc.loop_unroll_factor = 8 : i64, sc.parallel_access}
    %mul3A_447 = arith.constant 768 : i32
    %mul3A_448 = arith.muli %add3A, %mul3A_447 : i32
    "tpu.region"() ({
      %run_scoped3A = tpu.sem_alloc : memref<!tpu.dma_semaphore, #tpu.memory_space<semaphore_mem>>
      %dma_start3A_449 = tpu.memref_slice %arg5[%mul3A_448] : memref<24576xf32, #tpu.memory_space<hbm>> -> memref<768xf32, #tpu.memory_space<hbm>>
      %dma_start3A_450 = tpu.memref_slice %arg5[%mul3A_448] : memref<24576xf32, #tpu.memory_space<hbm>> -> memref<768xf32, #tpu.memory_space<hbm>>
      tpu.enqueue_dma source(%arg12 : memref<768xf32, #tpu.memory_space<vmem>>) target(%dma_start3A_450 : memref<768xf32, #tpu.memory_space<hbm>>) target_semaphore(%run_scoped3A : memref<!tpu.dma_semaphore, #tpu.memory_space<semaphore_mem>>)
      %dma_wait3A_451 = tpu.memref_slice %arg5[%mul3A_448] : memref<24576xf32, #tpu.memory_space<hbm>> -> memref<768xf32, #tpu.memory_space<hbm>>
      %dma_wait3A_452 = tpu.memref_slice %arg5[%mul3A_448] : memref<24576xf32, #tpu.memory_space<hbm>> -> memref<768xf32, #tpu.memory_space<hbm>>
      tpu.wait_dma2 semaphore(%run_scoped3A : memref<!tpu.dma_semaphore, #tpu.memory_space<semaphore_mem>>) src(%arg12 : memref<768xf32, #tpu.memory_space<vmem>>) dst(%dma_wait3A_452 : memref<768xf32, #tpu.memory_space<hbm>>)
      tpu.yield
    }) : () -> ()
    return
  }
}

module attributes {stable_mosaic.version = 14 : i64} {
  func.func @_tc_body(%arg0: i32, %arg1: i32, %arg2: memref<1x3x64x512xf32, #tpu.memory_space<vmem>>, %arg3: memref<1x3x64x512xf32, #tpu.memory_space<vmem>>, %arg4: memref<1x64x512xi32, #tpu.memory_space<vmem>>, %arg5: memref<8x128xf32, #tpu.memory_space<vmem>>, %arg6: memref<8x128xf32, #tpu.memory_space<vmem>>) attributes {dimension_semantics = [#tpu.dimension_semantics<arbitrary>, #tpu.dimension_semantics<arbitrary>], iteration_bounds = array<i64: 8, 2>, scalar_prefetch = 0 : i64, scratch_operands = 0 : i64, tpu.core_type = #tpu.core_type<tc>, window_params = [{transform_indices = @transform_0, window_bounds = array<i64: 1, 3, 64, 512>}, {transform_indices = @transform_1, window_bounds = array<i64: 1, 3, 64, 512>}, {transform_indices = @transform_2, window_bounds = array<i64: 1, 64, 512>}, {pipeline_mode = #tpu.pipeline_mode<synchronous>, transform_indices = @transform_3, window_bounds = array<i64: 8, 128>}, {pipeline_mode = #tpu.pipeline_mode<synchronous>, transform_indices = @transform_4, window_bounds = array<i64: 8, 128>}]} {
    %eq3A = arith.constant 0 : i32
    %eq3A_0 = arith.cmpi eq, %arg0, %eq3A : i32
    %eq3A_1 = arith.constant 0 : i32
    %eq3A_2 = arith.cmpi eq, %arg1, %eq3A_1 : i32
    %and3A = arith.andi %eq3A_0, %eq3A_2 : i1
    %convert_element_type3A = arith.extui %and3A : i1 to i32
    %cond3A = arith.constant 0 : i32
    %cond3A_3 = arith.cmpi ne, %convert_element_type3A, %cond3A : i32
    scf.if %cond3A_3 {
      %broadcast_in_dim3A_464 = arith.constant 0.000000e+00 : f32
      %broadcast_in_dim3A_465 = vector.broadcast %broadcast_in_dim3A_464 : f32 to vector<8x128xf32>
      %swap3A_466 = arith.constant 0 : index
      %swap3A_467 = arith.constant 0 : index
      %swap3A_468 = vector.load %arg5[%swap3A_466, %swap3A_467] : memref<8x128xf32, #tpu.memory_space<vmem>>, vector<8x128xf32>
      tpu.vector_store %arg5[%swap3A_466, %swap3A_467], %broadcast_in_dim3A_465 {strides = array<i32>} : memref<8x128xf32, #tpu.memory_space<vmem>>, vector<8x128xf32>,
      %broadcast_in_dim3A_469 = arith.constant 0.000000e+00 : f32
      %broadcast_in_dim3A_470 = vector.broadcast %broadcast_in_dim3A_469 : f32 to vector<8x128xf32>
      %swap3A_471 = arith.constant 0 : index
      %swap3A_472 = arith.constant 0 : index
      %swap3A_473 = vector.load %arg6[%swap3A_471, %swap3A_472] : memref<8x128xf32, #tpu.memory_space<vmem>>, vector<8x128xf32>
      tpu.vector_store %arg6[%swap3A_471, %swap3A_472], %broadcast_in_dim3A_470 {strides = array<i32>} : memref<8x128xf32, #tpu.memory_space<vmem>>, vector<8x128xf32>,
    } else {
    }
    %get3A = arith.constant 0 : index
    %get3A_4 = arith.constant 0 : index
    %get3A_5 = arith.constant 0 : index
    %get3A_6 = arith.constant 0 : index
    %get3A_7 = vector.load %arg2[%get3A, %get3A_4, %get3A_5, %get3A_6] : memref<1x3x64x512xf32, #tpu.memory_space<vmem>>, vector<1x3x64x512xf32>
    %get3A_8 = vector.shape_cast %get3A_7 : vector<1x3x64x512xf32> to vector<3x64x512xf32>
    %get3A_9 = arith.constant 0 : index
    %get3A_10 = arith.constant 0 : index
    %get3A_11 = arith.constant 0 : index
    %get3A_12 = arith.constant 0 : index
    %get3A_13 = vector.load %arg3[%get3A_9, %get3A_10, %get3A_11, %get3A_12] : memref<1x3x64x512xf32, #tpu.memory_space<vmem>>, vector<1x3x64x512xf32>
    %get3A_14 = vector.shape_cast %get3A_13 : vector<1x3x64x512xf32> to vector<3x64x512xf32>
    %sub3A = arith.subf %get3A_8, %get3A_14 : vector<3x64x512xf32>
    %abs3A = math.absf %sub3A : vector<3x64x512xf32>
    %reduce_sum3A = arith.constant dense<0.000000e+00> : vector<64x512xf32>
    %reduce_sum3A_15 = vector.multi_reduction <add>, %abs3A, %reduce_sum3A [0] : vector<3x64x512xf32> to vector<64x512xf32>
    %get3A_16 = arith.constant 0 : index
    %get3A_17 = arith.constant 0 : index
    %get3A_18 = arith.constant 0 : index
    %get3A_19 = vector.load %arg4[%get3A_16, %get3A_17, %get3A_18] : memref<1x64x512xi32, #tpu.memory_space<vmem>>, vector<1x64x512xi32>
    %get3A_20 = vector.shape_cast %get3A_19 : vector<1x64x512xi32> to vector<64x512xi32>
    %eq3A_21 = arith.constant 0 : i32
    %eq3A_22 = vector.broadcast %eq3A_21 : i32 to vector<64x512xi32>
    %eq3A_23 = arith.cmpi eq, %get3A_20, %eq3A_22 : vector<64x512xi32>
    %jit3A = arith.constant 0.000000e+00 : f32
    %broadcast_in_dim3A = vector.broadcast %jit3A : f32 to vector<64x512xf32>
    %select_n3A = arith.select %eq3A_23, %reduce_sum3A_15, %broadcast_in_dim3A : vector<64x512xi1>, vector<64x512xf32>
    %reduce_sum3A_24 = vector.shape_cast %select_n3A : vector<64x512xf32> to vector<1x64x512xf32>
    %reduce_sum3A_25 = arith.constant dense<0.000000e+00> : vector<1xf32>
    %reduce_sum3A_26 = vector.multi_reduction <add>, %reduce_sum3A_24, %reduce_sum3A_25 [1, 2] : vector<1x64x512xf32> to vector<1xf32>
    %reduce_sum3A_27 = vector.shape_cast %reduce_sum3A_26 : vector<1xf32> to vector<1x1x1xf32>
    %reduce_sum3A_28 = vector.extract %reduce_sum3A_27[0, 0, 0] : f32 from vector<1x1x1xf32>
    %convert_element_type3A_29 = arith.extui %eq3A_23 : vector<64x512xi1> to vector<64x512xi32>
    %convert_element_type3A_30 = arith.sitofp %convert_element_type3A_29 : vector<64x512xi32> to vector<64x512xf32>
    %reduce_sum3A_31 = vector.shape_cast %convert_element_type3A_30 : vector<64x512xf32> to vector<1x64x512xf32>
    %reduce_sum3A_32 = arith.constant dense<0.000000e+00> : vector<1xf32>
    %reduce_sum3A_33 = vector.multi_reduction <add>, %reduce_sum3A_31, %reduce_sum3A_32 [1, 2] : vector<1x64x512xf32> to vector<1xf32>
    %reduce_sum3A_34 = vector.shape_cast %reduce_sum3A_33 : vector<1xf32> to vector<1x1x1xf32>
    %reduce_sum3A_35 = vector.extract %reduce_sum3A_34[0, 0, 0] : f32 from vector<1x1x1xf32>
    %eq3A_36 = arith.constant 1 : i32
    %eq3A_37 = vector.broadcast %eq3A_36 : i32 to vector<64x512xi32>
    %eq3A_38 = arith.cmpi eq, %get3A_20, %eq3A_37 : vector<64x512xi32>
    %jit3A_39 = arith.constant 0.000000e+00 : f32
    %broadcast_in_dim3A_40 = vector.broadcast %jit3A_39 : f32 to vector<64x512xf32>
    %select_n3A_41 = arith.select %eq3A_38, %reduce_sum3A_15, %broadcast_in_dim3A_40 : vector<64x512xi1>, vector<64x512xf32>
    %reduce_sum3A_42 = vector.shape_cast %select_n3A_41 : vector<64x512xf32> to vector<1x64x512xf32>
    %reduce_sum3A_43 = arith.constant dense<0.000000e+00> : vector<1xf32>
    %reduce_sum3A_44 = vector.multi_reduction <add>, %reduce_sum3A_42, %reduce_sum3A_43 [1, 2] : vector<1x64x512xf32> to vector<1xf32>
    %reduce_sum3A_45 = vector.shape_cast %reduce_sum3A_44 : vector<1xf32> to vector<1x1x1xf32>
    %reduce_sum3A_46 = vector.extract %reduce_sum3A_45[0, 0, 0] : f32 from vector<1x1x1xf32>
    %convert_element_type3A_47 = arith.extui %eq3A_38 : vector<64x512xi1> to vector<64x512xi32>
    %convert_element_type3A_48 = arith.sitofp %convert_element_type3A_47 : vector<64x512xi32> to vector<64x512xf32>
    %reduce_sum3A_49 = vector.shape_cast %convert_element_type3A_48 : vector<64x512xf32> to vector<1x64x512xf32>
    %reduce_sum3A_50 = arith.constant dense<0.000000e+00> : vector<1xf32>
    %reduce_sum3A_51 = vector.multi_reduction <add>, %reduce_sum3A_49, %reduce_sum3A_50 [1, 2] : vector<1x64x512xf32> to vector<1xf32>
    %reduce_sum3A_52 = vector.shape_cast %reduce_sum3A_51 : vector<1xf32> to vector<1x1x1xf32>
    %reduce_sum3A_53 = vector.extract %reduce_sum3A_52[0, 0, 0] : f32 from vector<1x1x1xf32>
    %eq3A_54 = arith.constant 2 : i32
    %eq3A_55 = vector.broadcast %eq3A_54 : i32 to vector<64x512xi32>
    %eq3A_56 = arith.cmpi eq, %get3A_20, %eq3A_55 : vector<64x512xi32>
    %jit3A_57 = arith.constant 0.000000e+00 : f32
    %broadcast_in_dim3A_58 = vector.broadcast %jit3A_57 : f32 to vector<64x512xf32>
    %select_n3A_59 = arith.select %eq3A_56, %reduce_sum3A_15, %broadcast_in_dim3A_58 : vector<64x512xi1>, vector<64x512xf32>
    %reduce_sum3A_60 = vector.shape_cast %select_n3A_59 : vector<64x512xf32> to vector<1x64x512xf32>
    %reduce_sum3A_61 = arith.constant dense<0.000000e+00> : vector<1xf32>
    %reduce_sum3A_62 = vector.multi_reduction <add>, %reduce_sum3A_60, %reduce_sum3A_61 [1, 2] : vector<1x64x512xf32> to vector<1xf32>
    %reduce_sum3A_63 = vector.shape_cast %reduce_sum3A_62 : vector<1xf32> to vector<1x1x1xf32>
    %reduce_sum3A_64 = vector.extract %reduce_sum3A_63[0, 0, 0] : f32 from vector<1x1x1xf32>
    %convert_element_type3A_65 = arith.extui %eq3A_56 : vector<64x512xi1> to vector<64x512xi32>
    %convert_element_type3A_66 = arith.sitofp %convert_element_type3A_65 : vector<64x512xi32> to vector<64x512xf32>
    %reduce_sum3A_67 = vector.shape_cast %convert_element_type3A_66 : vector<64x512xf32> to vector<1x64x512xf32>
    %reduce_sum3A_68 = arith.constant dense<0.000000e+00> : vector<1xf32>
    %reduce_sum3A_69 = vector.multi_reduction <add>, %reduce_sum3A_67, %reduce_sum3A_68 [1, 2] : vector<1x64x512xf32> to vector<1xf32>
    %reduce_sum3A_70 = vector.shape_cast %reduce_sum3A_69 : vector<1xf32> to vector<1x1x1xf32>
    %reduce_sum3A_71 = vector.extract %reduce_sum3A_70[0, 0, 0] : f32 from vector<1x1x1xf32>
    %eq3A_72 = arith.constant 3 : i32
    %eq3A_73 = vector.broadcast %eq3A_72 : i32 to vector<64x512xi32>
    %eq3A_74 = arith.cmpi eq, %get3A_20, %eq3A_73 : vector<64x512xi32>
    %jit3A_75 = arith.constant 0.000000e+00 : f32
    %broadcast_in_dim3A_76 = vector.broadcast %jit3A_75 : f32 to vector<64x512xf32>
    %select_n3A_77 = arith.select %eq3A_74, %reduce_sum3A_15, %broadcast_in_dim3A_76 : vector<64x512xi1>, vector<64x512xf32>
    %reduce_sum3A_78 = vector.shape_cast %select_n3A_77 : vector<64x512xf32> to vector<1x64x512xf32>
    %reduce_sum3A_79 = arith.constant dense<0.000000e+00> : vector<1xf32>
    %reduce_sum3A_80 = vector.multi_reduction <add>, %reduce_sum3A_78, %reduce_sum3A_79 [1, 2] : vector<1x64x512xf32> to vector<1xf32>
    %reduce_sum3A_81 = vector.shape_cast %reduce_sum3A_80 : vector<1xf32> to vector<1x1x1xf32>
    %reduce_sum3A_82 = vector.extract %reduce_sum3A_81[0, 0, 0] : f32 from vector<1x1x1xf32>
    %convert_element_type3A_83 = arith.extui %eq3A_74 : vector<64x512xi1> to vector<64x512xi32>
    %convert_element_type3A_84 = arith.sitofp %convert_element_type3A_83 : vector<64x512xi32> to vector<64x512xf32>
    %reduce_sum3A_85 = vector.shape_cast %convert_element_type3A_84 : vector<64x512xf32> to vector<1x64x512xf32>
    %reduce_sum3A_86 = arith.constant dense<0.000000e+00> : vector<1xf32>
    %reduce_sum3A_87 = vector.multi_reduction <add>, %reduce_sum3A_85, %reduce_sum3A_86 [1, 2] : vector<1x64x512xf32> to vector<1xf32>
    %reduce_sum3A_88 = vector.shape_cast %reduce_sum3A_87 : vector<1xf32> to vector<1x1x1xf32>
    %reduce_sum3A_89 = vector.extract %reduce_sum3A_88[0, 0, 0] : f32 from vector<1x1x1xf32>
    %eq3A_90 = arith.constant 4 : i32
    %eq3A_91 = vector.broadcast %eq3A_90 : i32 to vector<64x512xi32>
    %eq3A_92 = arith.cmpi eq, %get3A_20, %eq3A_91 : vector<64x512xi32>
    %jit3A_93 = arith.constant 0.000000e+00 : f32
    %broadcast_in_dim3A_94 = vector.broadcast %jit3A_93 : f32 to vector<64x512xf32>
    %select_n3A_95 = arith.select %eq3A_92, %reduce_sum3A_15, %broadcast_in_dim3A_94 : vector<64x512xi1>, vector<64x512xf32>
    %reduce_sum3A_96 = vector.shape_cast %select_n3A_95 : vector<64x512xf32> to vector<1x64x512xf32>
    %reduce_sum3A_97 = arith.constant dense<0.000000e+00> : vector<1xf32>
    %reduce_sum3A_98 = vector.multi_reduction <add>, %reduce_sum3A_96, %reduce_sum3A_97 [1, 2] : vector<1x64x512xf32> to vector<1xf32>
    %reduce_sum3A_99 = vector.shape_cast %reduce_sum3A_98 : vector<1xf32> to vector<1x1x1xf32>
    %reduce_sum3A_100 = vector.extract %reduce_sum3A_99[0, 0, 0] : f32 from vector<1x1x1xf32>
    %convert_element_type3A_101 = arith.extui %eq3A_92 : vector<64x512xi1> to vector<64x512xi32>
    %convert_element_type3A_102 = arith.sitofp %convert_element_type3A_101 : vector<64x512xi32> to vector<64x512xf32>
    %reduce_sum3A_103 = vector.shape_cast %convert_element_type3A_102 : vector<64x512xf32> to vector<1x64x512xf32>
    %reduce_sum3A_104 = arith.constant dense<0.000000e+00> : vector<1xf32>
    %reduce_sum3A_105 = vector.multi_reduction <add>, %reduce_sum3A_103, %reduce_sum3A_104 [1, 2] : vector<1x64x512xf32> to vector<1xf32>
    %reduce_sum3A_106 = vector.shape_cast %reduce_sum3A_105 : vector<1xf32> to vector<1x1x1xf32>
    %reduce_sum3A_107 = vector.extract %reduce_sum3A_106[0, 0, 0] : f32 from vector<1x1x1xf32>
    %eq3A_108 = arith.constant 5 : i32
    %eq3A_109 = vector.broadcast %eq3A_108 : i32 to vector<64x512xi32>
    %eq3A_110 = arith.cmpi eq, %get3A_20, %eq3A_109 : vector<64x512xi32>
    %jit3A_111 = arith.constant 0.000000e+00 : f32
    %broadcast_in_dim3A_112 = vector.broadcast %jit3A_111 : f32 to vector<64x512xf32>
    %select_n3A_113 = arith.select %eq3A_110, %reduce_sum3A_15, %broadcast_in_dim3A_112 : vector<64x512xi1>, vector<64x512xf32>
    %reduce_sum3A_114 = vector.shape_cast %select_n3A_113 : vector<64x512xf32> to vector<1x64x512xf32>
    %reduce_sum3A_115 = arith.constant dense<0.000000e+00> : vector<1xf32>
    %reduce_sum3A_116 = vector.multi_reduction <add>, %reduce_sum3A_114, %reduce_sum3A_115 [1, 2] : vector<1x64x512xf32> to vector<1xf32>
    %reduce_sum3A_117 = vector.shape_cast %reduce_sum3A_116 : vector<1xf32> to vector<1x1x1xf32>
    %reduce_sum3A_118 = vector.extract %reduce_sum3A_117[0, 0, 0] : f32 from vector<1x1x1xf32>
    %convert_element_type3A_119 = arith.extui %eq3A_110 : vector<64x512xi1> to vector<64x512xi32>
    %convert_element_type3A_120 = arith.sitofp %convert_element_type3A_119 : vector<64x512xi32> to vector<64x512xf32>
    %reduce_sum3A_121 = vector.shape_cast %convert_element_type3A_120 : vector<64x512xf32> to vector<1x64x512xf32>
    %reduce_sum3A_122 = arith.constant dense<0.000000e+00> : vector<1xf32>
    %reduce_sum3A_123 = vector.multi_reduction <add>, %reduce_sum3A_121, %reduce_sum3A_122 [1, 2] : vector<1x64x512xf32> to vector<1xf32>
    %reduce_sum3A_124 = vector.shape_cast %reduce_sum3A_123 : vector<1xf32> to vector<1x1x1xf32>
    %reduce_sum3A_125 = vector.extract %reduce_sum3A_124[0, 0, 0] : f32 from vector<1x1x1xf32>
    %eq3A_126 = arith.constant 6 : i32
    %eq3A_127 = vector.broadcast %eq3A_126 : i32 to vector<64x512xi32>
    %eq3A_128 = arith.cmpi eq, %get3A_20, %eq3A_127 : vector<64x512xi32>
    %jit3A_129 = arith.constant 0.000000e+00 : f32
    %broadcast_in_dim3A_130 = vector.broadcast %jit3A_129 : f32 to vector<64x512xf32>
    %select_n3A_131 = arith.select %eq3A_128, %reduce_sum3A_15, %broadcast_in_dim3A_130 : vector<64x512xi1>, vector<64x512xf32>
    %reduce_sum3A_132 = vector.shape_cast %select_n3A_131 : vector<64x512xf32> to vector<1x64x512xf32>
    %reduce_sum3A_133 = arith.constant dense<0.000000e+00> : vector<1xf32>
    %reduce_sum3A_134 = vector.multi_reduction <add>, %reduce_sum3A_132, %reduce_sum3A_133 [1, 2] : vector<1x64x512xf32> to vector<1xf32>
    %reduce_sum3A_135 = vector.shape_cast %reduce_sum3A_134 : vector<1xf32> to vector<1x1x1xf32>
    %reduce_sum3A_136 = vector.extract %reduce_sum3A_135[0, 0, 0] : f32 from vector<1x1x1xf32>
    %convert_element_type3A_137 = arith.extui %eq3A_128 : vector<64x512xi1> to vector<64x512xi32>
    %convert_element_type3A_138 = arith.sitofp %convert_element_type3A_137 : vector<64x512xi32> to vector<64x512xf32>
    %reduce_sum3A_139 = vector.shape_cast %convert_element_type3A_138 : vector<64x512xf32> to vector<1x64x512xf32>
    %reduce_sum3A_140 = arith.constant dense<0.000000e+00> : vector<1xf32>
    %reduce_sum3A_141 = vector.multi_reduction <add>, %reduce_sum3A_139, %reduce_sum3A_140 [1, 2] : vector<1x64x512xf32> to vector<1xf32>
    %reduce_sum3A_142 = vector.shape_cast %reduce_sum3A_141 : vector<1xf32> to vector<1x1x1xf32>
    %reduce_sum3A_143 = vector.extract %reduce_sum3A_142[0, 0, 0] : f32 from vector<1x1x1xf32>
    %eq3A_144 = arith.constant 7 : i32
    %eq3A_145 = vector.broadcast %eq3A_144 : i32 to vector<64x512xi32>
    %eq3A_146 = arith.cmpi eq, %get3A_20, %eq3A_145 : vector<64x512xi32>
    %jit3A_147 = arith.constant 0.000000e+00 : f32
    %broadcast_in_dim3A_148 = vector.broadcast %jit3A_147 : f32 to vector<64x512xf32>
    %select_n3A_149 = arith.select %eq3A_146, %reduce_sum3A_15, %broadcast_in_dim3A_148 : vector<64x512xi1>, vector<64x512xf32>
    %reduce_sum3A_150 = vector.shape_cast %select_n3A_149 : vector<64x512xf32> to vector<1x64x512xf32>
    %reduce_sum3A_151 = arith.constant dense<0.000000e+00> : vector<1xf32>
    %reduce_sum3A_152 = vector.multi_reduction <add>, %reduce_sum3A_150, %reduce_sum3A_151 [1, 2] : vector<1x64x512xf32> to vector<1xf32>
    %reduce_sum3A_153 = vector.shape_cast %reduce_sum3A_152 : vector<1xf32> to vector<1x1x1xf32>
    %reduce_sum3A_154 = vector.extract %reduce_sum3A_153[0, 0, 0] : f32 from vector<1x1x1xf32>
    %convert_element_type3A_155 = arith.extui %eq3A_146 : vector<64x512xi1> to vector<64x512xi32>
    %convert_element_type3A_156 = arith.sitofp %convert_element_type3A_155 : vector<64x512xi32> to vector<64x512xf32>
    %reduce_sum3A_157 = vector.shape_cast %convert_element_type3A_156 : vector<64x512xf32> to vector<1x64x512xf32>
    %reduce_sum3A_158 = arith.constant dense<0.000000e+00> : vector<1xf32>
    %reduce_sum3A_159 = vector.multi_reduction <add>, %reduce_sum3A_157, %reduce_sum3A_158 [1, 2] : vector<1x64x512xf32> to vector<1xf32>
    %reduce_sum3A_160 = vector.shape_cast %reduce_sum3A_159 : vector<1xf32> to vector<1x1x1xf32>
    %reduce_sum3A_161 = vector.extract %reduce_sum3A_160[0, 0, 0] : f32 from vector<1x1x1xf32>
    %eq3A_162 = arith.constant 8 : i32
    %eq3A_163 = vector.broadcast %eq3A_162 : i32 to vector<64x512xi32>
    %eq3A_164 = arith.cmpi eq, %get3A_20, %eq3A_163 : vector<64x512xi32>
    %jit3A_165 = arith.constant 0.000000e+00 : f32
    %broadcast_in_dim3A_166 = vector.broadcast %jit3A_165 : f32 to vector<64x512xf32>
    %select_n3A_167 = arith.select %eq3A_164, %reduce_sum3A_15, %broadcast_in_dim3A_166 : vector<64x512xi1>, vector<64x512xf32>
    %reduce_sum3A_168 = vector.shape_cast %select_n3A_167 : vector<64x512xf32> to vector<1x64x512xf32>
    %reduce_sum3A_169 = arith.constant dense<0.000000e+00> : vector<1xf32>
    %reduce_sum3A_170 = vector.multi_reduction <add>, %reduce_sum3A_168, %reduce_sum3A_169 [1, 2] : vector<1x64x512xf32> to vector<1xf32>
    %reduce_sum3A_171 = vector.shape_cast %reduce_sum3A_170 : vector<1xf32> to vector<1x1x1xf32>
    %reduce_sum3A_172 = vector.extract %reduce_sum3A_171[0, 0, 0] : f32 from vector<1x1x1xf32>
    %convert_element_type3A_173 = arith.extui %eq3A_164 : vector<64x512xi1> to vector<64x512xi32>
    %convert_element_type3A_174 = arith.sitofp %convert_element_type3A_173 : vector<64x512xi32> to vector<64x512xf32>
    %reduce_sum3A_175 = vector.shape_cast %convert_element_type3A_174 : vector<64x512xf32> to vector<1x64x512xf32>
    %reduce_sum3A_176 = arith.constant dense<0.000000e+00> : vector<1xf32>
    %reduce_sum3A_177 = vector.multi_reduction <add>, %reduce_sum3A_175, %reduce_sum3A_176 [1, 2] : vector<1x64x512xf32> to vector<1xf32>
    %reduce_sum3A_178 = vector.shape_cast %reduce_sum3A_177 : vector<1xf32> to vector<1x1x1xf32>
    %reduce_sum3A_179 = vector.extract %reduce_sum3A_178[0, 0, 0] : f32 from vector<1x1x1xf32>
    %eq3A_180 = arith.constant 9 : i32
    %eq3A_181 = vector.broadcast %eq3A_180 : i32 to vector<64x512xi32>
    %eq3A_182 = arith.cmpi eq, %get3A_20, %eq3A_181 : vector<64x512xi32>
    %jit3A_183 = arith.constant 0.000000e+00 : f32
    %broadcast_in_dim3A_184 = vector.broadcast %jit3A_183 : f32 to vector<64x512xf32>
    %select_n3A_185 = arith.select %eq3A_182, %reduce_sum3A_15, %broadcast_in_dim3A_184 : vector<64x512xi1>, vector<64x512xf32>
    %reduce_sum3A_186 = vector.shape_cast %select_n3A_185 : vector<64x512xf32> to vector<1x64x512xf32>
    %reduce_sum3A_187 = arith.constant dense<0.000000e+00> : vector<1xf32>
    %reduce_sum3A_188 = vector.multi_reduction <add>, %reduce_sum3A_186, %reduce_sum3A_187 [1, 2] : vector<1x64x512xf32> to vector<1xf32>
    %reduce_sum3A_189 = vector.shape_cast %reduce_sum3A_188 : vector<1xf32> to vector<1x1x1xf32>
    %reduce_sum3A_190 = vector.extract %reduce_sum3A_189[0, 0, 0] : f32 from vector<1x1x1xf32>
    %convert_element_type3A_191 = arith.extui %eq3A_182 : vector<64x512xi1> to vector<64x512xi32>
    %convert_element_type3A_192 = arith.sitofp %convert_element_type3A_191 : vector<64x512xi32> to vector<64x512xf32>
    %reduce_sum3A_193 = vector.shape_cast %convert_element_type3A_192 : vector<64x512xf32> to vector<1x64x512xf32>
    %reduce_sum3A_194 = arith.constant dense<0.000000e+00> : vector<1xf32>
    %reduce_sum3A_195 = vector.multi_reduction <add>, %reduce_sum3A_193, %reduce_sum3A_194 [1, 2] : vector<1x64x512xf32> to vector<1xf32>
    %reduce_sum3A_196 = vector.shape_cast %reduce_sum3A_195 : vector<1xf32> to vector<1x1x1xf32>
    %reduce_sum3A_197 = vector.extract %reduce_sum3A_196[0, 0, 0] : f32 from vector<1x1x1xf32>
    %eq3A_198 = arith.constant 10 : i32
    %eq3A_199 = vector.broadcast %eq3A_198 : i32 to vector<64x512xi32>
    %eq3A_200 = arith.cmpi eq, %get3A_20, %eq3A_199 : vector<64x512xi32>
    %jit3A_201 = arith.constant 0.000000e+00 : f32
    %broadcast_in_dim3A_202 = vector.broadcast %jit3A_201 : f32 to vector<64x512xf32>
    %select_n3A_203 = arith.select %eq3A_200, %reduce_sum3A_15, %broadcast_in_dim3A_202 : vector<64x512xi1>, vector<64x512xf32>
    %reduce_sum3A_204 = vector.shape_cast %select_n3A_203 : vector<64x512xf32> to vector<1x64x512xf32>
    %reduce_sum3A_205 = arith.constant dense<0.000000e+00> : vector<1xf32>
    %reduce_sum3A_206 = vector.multi_reduction <add>, %reduce_sum3A_204, %reduce_sum3A_205 [1, 2] : vector<1x64x512xf32> to vector<1xf32>
    %reduce_sum3A_207 = vector.shape_cast %reduce_sum3A_206 : vector<1xf32> to vector<1x1x1xf32>
    %reduce_sum3A_208 = vector.extract %reduce_sum3A_207[0, 0, 0] : f32 from vector<1x1x1xf32>
    %convert_element_type3A_209 = arith.extui %eq3A_200 : vector<64x512xi1> to vector<64x512xi32>
    %convert_element_type3A_210 = arith.sitofp %convert_element_type3A_209 : vector<64x512xi32> to vector<64x512xf32>
    %reduce_sum3A_211 = vector.shape_cast %convert_element_type3A_210 : vector<64x512xf32> to vector<1x64x512xf32>
    %reduce_sum3A_212 = arith.constant dense<0.000000e+00> : vector<1xf32>
    %reduce_sum3A_213 = vector.multi_reduction <add>, %reduce_sum3A_211, %reduce_sum3A_212 [1, 2] : vector<1x64x512xf32> to vector<1xf32>
    %reduce_sum3A_214 = vector.shape_cast %reduce_sum3A_213 : vector<1xf32> to vector<1x1x1xf32>
    %reduce_sum3A_215 = vector.extract %reduce_sum3A_214[0, 0, 0] : f32 from vector<1x1x1xf32>
    %eq3A_216 = arith.constant 11 : i32
    %eq3A_217 = vector.broadcast %eq3A_216 : i32 to vector<64x512xi32>
    %eq3A_218 = arith.cmpi eq, %get3A_20, %eq3A_217 : vector<64x512xi32>
    %jit3A_219 = arith.constant 0.000000e+00 : f32
    %broadcast_in_dim3A_220 = vector.broadcast %jit3A_219 : f32 to vector<64x512xf32>
    %select_n3A_221 = arith.select %eq3A_218, %reduce_sum3A_15, %broadcast_in_dim3A_220 : vector<64x512xi1>, vector<64x512xf32>
    %reduce_sum3A_222 = vector.shape_cast %select_n3A_221 : vector<64x512xf32> to vector<1x64x512xf32>
    %reduce_sum3A_223 = arith.constant dense<0.000000e+00> : vector<1xf32>
    %reduce_sum3A_224 = vector.multi_reduction <add>, %reduce_sum3A_222, %reduce_sum3A_223 [1, 2] : vector<1x64x512xf32> to vector<1xf32>
    %reduce_sum3A_225 = vector.shape_cast %reduce_sum3A_224 : vector<1xf32> to vector<1x1x1xf32>
    %reduce_sum3A_226 = vector.extract %reduce_sum3A_225[0, 0, 0] : f32 from vector<1x1x1xf32>
    %convert_element_type3A_227 = arith.extui %eq3A_218 : vector<64x512xi1> to vector<64x512xi32>
    %convert_element_type3A_228 = arith.sitofp %convert_element_type3A_227 : vector<64x512xi32> to vector<64x512xf32>
    %reduce_sum3A_229 = vector.shape_cast %convert_element_type3A_228 : vector<64x512xf32> to vector<1x64x512xf32>
    %reduce_sum3A_230 = arith.constant dense<0.000000e+00> : vector<1xf32>
    %reduce_sum3A_231 = vector.multi_reduction <add>, %reduce_sum3A_229, %reduce_sum3A_230 [1, 2] : vector<1x64x512xf32> to vector<1xf32>
    %reduce_sum3A_232 = vector.shape_cast %reduce_sum3A_231 : vector<1xf32> to vector<1x1x1xf32>
    %reduce_sum3A_233 = vector.extract %reduce_sum3A_232[0, 0, 0] : f32 from vector<1x1x1xf32>
    %eq3A_234 = arith.constant 12 : i32
    %eq3A_235 = vector.broadcast %eq3A_234 : i32 to vector<64x512xi32>
    %eq3A_236 = arith.cmpi eq, %get3A_20, %eq3A_235 : vector<64x512xi32>
    %jit3A_237 = arith.constant 0.000000e+00 : f32
    %broadcast_in_dim3A_238 = vector.broadcast %jit3A_237 : f32 to vector<64x512xf32>
    %select_n3A_239 = arith.select %eq3A_236, %reduce_sum3A_15, %broadcast_in_dim3A_238 : vector<64x512xi1>, vector<64x512xf32>
    %reduce_sum3A_240 = vector.shape_cast %select_n3A_239 : vector<64x512xf32> to vector<1x64x512xf32>
    %reduce_sum3A_241 = arith.constant dense<0.000000e+00> : vector<1xf32>
    %reduce_sum3A_242 = vector.multi_reduction <add>, %reduce_sum3A_240, %reduce_sum3A_241 [1, 2] : vector<1x64x512xf32> to vector<1xf32>
    %reduce_sum3A_243 = vector.shape_cast %reduce_sum3A_242 : vector<1xf32> to vector<1x1x1xf32>
    %reduce_sum3A_244 = vector.extract %reduce_sum3A_243[0, 0, 0] : f32 from vector<1x1x1xf32>
    %convert_element_type3A_245 = arith.extui %eq3A_236 : vector<64x512xi1> to vector<64x512xi32>
    %convert_element_type3A_246 = arith.sitofp %convert_element_type3A_245 : vector<64x512xi32> to vector<64x512xf32>
    %reduce_sum3A_247 = vector.shape_cast %convert_element_type3A_246 : vector<64x512xf32> to vector<1x64x512xf32>
    %reduce_sum3A_248 = arith.constant dense<0.000000e+00> : vector<1xf32>
    %reduce_sum3A_249 = vector.multi_reduction <add>, %reduce_sum3A_247, %reduce_sum3A_248 [1, 2] : vector<1x64x512xf32> to vector<1xf32>
    %reduce_sum3A_250 = vector.shape_cast %reduce_sum3A_249 : vector<1xf32> to vector<1x1x1xf32>
    %reduce_sum3A_251 = vector.extract %reduce_sum3A_250[0, 0, 0] : f32 from vector<1x1x1xf32>
    %eq3A_252 = arith.constant 13 : i32
    %eq3A_253 = vector.broadcast %eq3A_252 : i32 to vector<64x512xi32>
    %eq3A_254 = arith.cmpi eq, %get3A_20, %eq3A_253 : vector<64x512xi32>
    %jit3A_255 = arith.constant 0.000000e+00 : f32
    %broadcast_in_dim3A_256 = vector.broadcast %jit3A_255 : f32 to vector<64x512xf32>
    %select_n3A_257 = arith.select %eq3A_254, %reduce_sum3A_15, %broadcast_in_dim3A_256 : vector<64x512xi1>, vector<64x512xf32>
    %reduce_sum3A_258 = vector.shape_cast %select_n3A_257 : vector<64x512xf32> to vector<1x64x512xf32>
    %reduce_sum3A_259 = arith.constant dense<0.000000e+00> : vector<1xf32>
    %reduce_sum3A_260 = vector.multi_reduction <add>, %reduce_sum3A_258, %reduce_sum3A_259 [1, 2] : vector<1x64x512xf32> to vector<1xf32>
    %reduce_sum3A_261 = vector.shape_cast %reduce_sum3A_260 : vector<1xf32> to vector<1x1x1xf32>
    %reduce_sum3A_262 = vector.extract %reduce_sum3A_261[0, 0, 0] : f32 from vector<1x1x1xf32>
    %convert_element_type3A_263 = arith.extui %eq3A_254 : vector<64x512xi1> to vector<64x512xi32>
    %convert_element_type3A_264 = arith.sitofp %convert_element_type3A_263 : vector<64x512xi32> to vector<64x512xf32>
    %reduce_sum3A_265 = vector.shape_cast %convert_element_type3A_264 : vector<64x512xf32> to vector<1x64x512xf32>
    %reduce_sum3A_266 = arith.constant dense<0.000000e+00> : vector<1xf32>
    %reduce_sum3A_267 = vector.multi_reduction <add>, %reduce_sum3A_265, %reduce_sum3A_266 [1, 2] : vector<1x64x512xf32> to vector<1xf32>
    %reduce_sum3A_268 = vector.shape_cast %reduce_sum3A_267 : vector<1xf32> to vector<1x1x1xf32>
    %reduce_sum3A_269 = vector.extract %reduce_sum3A_268[0, 0, 0] : f32 from vector<1x1x1xf32>
    %eq3A_270 = arith.constant 14 : i32
    %eq3A_271 = vector.broadcast %eq3A_270 : i32 to vector<64x512xi32>
    %eq3A_272 = arith.cmpi eq, %get3A_20, %eq3A_271 : vector<64x512xi32>
    %jit3A_273 = arith.constant 0.000000e+00 : f32
    %broadcast_in_dim3A_274 = vector.broadcast %jit3A_273 : f32 to vector<64x512xf32>
    %select_n3A_275 = arith.select %eq3A_272, %reduce_sum3A_15, %broadcast_in_dim3A_274 : vector<64x512xi1>, vector<64x512xf32>
    %reduce_sum3A_276 = vector.shape_cast %select_n3A_275 : vector<64x512xf32> to vector<1x64x512xf32>
    %reduce_sum3A_277 = arith.constant dense<0.000000e+00> : vector<1xf32>
    %reduce_sum3A_278 = vector.multi_reduction <add>, %reduce_sum3A_276, %reduce_sum3A_277 [1, 2] : vector<1x64x512xf32> to vector<1xf32>
    %reduce_sum3A_279 = vector.shape_cast %reduce_sum3A_278 : vector<1xf32> to vector<1x1x1xf32>
    %reduce_sum3A_280 = vector.extract %reduce_sum3A_279[0, 0, 0] : f32 from vector<1x1x1xf32>
    %convert_element_type3A_281 = arith.extui %eq3A_272 : vector<64x512xi1> to vector<64x512xi32>
    %convert_element_type3A_282 = arith.sitofp %convert_element_type3A_281 : vector<64x512xi32> to vector<64x512xf32>
    %reduce_sum3A_283 = vector.shape_cast %convert_element_type3A_282 : vector<64x512xf32> to vector<1x64x512xf32>
    %reduce_sum3A_284 = arith.constant dense<0.000000e+00> : vector<1xf32>
    %reduce_sum3A_285 = vector.multi_reduction <add>, %reduce_sum3A_283, %reduce_sum3A_284 [1, 2] : vector<1x64x512xf32> to vector<1xf32>
    %reduce_sum3A_286 = vector.shape_cast %reduce_sum3A_285 : vector<1xf32> to vector<1x1x1xf32>
    %reduce_sum3A_287 = vector.extract %reduce_sum3A_286[0, 0, 0] : f32 from vector<1x1x1xf32>
    %eq3A_288 = arith.constant 15 : i32
    %eq3A_289 = vector.broadcast %eq3A_288 : i32 to vector<64x512xi32>
    %eq3A_290 = arith.cmpi eq, %get3A_20, %eq3A_289 : vector<64x512xi32>
    %jit3A_291 = arith.constant 0.000000e+00 : f32
    %broadcast_in_dim3A_292 = vector.broadcast %jit3A_291 : f32 to vector<64x512xf32>
    %select_n3A_293 = arith.select %eq3A_290, %reduce_sum3A_15, %broadcast_in_dim3A_292 : vector<64x512xi1>, vector<64x512xf32>
    %reduce_sum3A_294 = vector.shape_cast %select_n3A_293 : vector<64x512xf32> to vector<1x64x512xf32>
    %reduce_sum3A_295 = arith.constant dense<0.000000e+00> : vector<1xf32>
    %reduce_sum3A_296 = vector.multi_reduction <add>, %reduce_sum3A_294, %reduce_sum3A_295 [1, 2] : vector<1x64x512xf32> to vector<1xf32>
    %reduce_sum3A_297 = vector.shape_cast %reduce_sum3A_296 : vector<1xf32> to vector<1x1x1xf32>
    %reduce_sum3A_298 = vector.extract %reduce_sum3A_297[0, 0, 0] : f32 from vector<1x1x1xf32>
    %convert_element_type3A_299 = arith.extui %eq3A_290 : vector<64x512xi1> to vector<64x512xi32>
    %convert_element_type3A_300 = arith.sitofp %convert_element_type3A_299 : vector<64x512xi32> to vector<64x512xf32>
    %reduce_sum3A_301 = vector.shape_cast %convert_element_type3A_300 : vector<64x512xf32> to vector<1x64x512xf32>
    %reduce_sum3A_302 = arith.constant dense<0.000000e+00> : vector<1xf32>
    %reduce_sum3A_303 = vector.multi_reduction <add>, %reduce_sum3A_301, %reduce_sum3A_302 [1, 2] : vector<1x64x512xf32> to vector<1xf32>
    %reduce_sum3A_304 = vector.shape_cast %reduce_sum3A_303 : vector<1xf32> to vector<1x1x1xf32>
    %reduce_sum3A_305 = vector.extract %reduce_sum3A_304[0, 0, 0] : f32 from vector<1x1x1xf32>
    %eq3A_306 = arith.constant 16 : i32
    %eq3A_307 = vector.broadcast %eq3A_306 : i32 to vector<64x512xi32>
    %eq3A_308 = arith.cmpi eq, %get3A_20, %eq3A_307 : vector<64x512xi32>
    %jit3A_309 = arith.constant 0.000000e+00 : f32
    %broadcast_in_dim3A_310 = vector.broadcast %jit3A_309 : f32 to vector<64x512xf32>
    %select_n3A_311 = arith.select %eq3A_308, %reduce_sum3A_15, %broadcast_in_dim3A_310 : vector<64x512xi1>, vector<64x512xf32>
    %reduce_sum3A_312 = vector.shape_cast %select_n3A_311 : vector<64x512xf32> to vector<1x64x512xf32>
    %reduce_sum3A_313 = arith.constant dense<0.000000e+00> : vector<1xf32>
    %reduce_sum3A_314 = vector.multi_reduction <add>, %reduce_sum3A_312, %reduce_sum3A_313 [1, 2] : vector<1x64x512xf32> to vector<1xf32>
    %reduce_sum3A_315 = vector.shape_cast %reduce_sum3A_314 : vector<1xf32> to vector<1x1x1xf32>
    %reduce_sum3A_316 = vector.extract %reduce_sum3A_315[0, 0, 0] : f32 from vector<1x1x1xf32>
    %convert_element_type3A_317 = arith.extui %eq3A_308 : vector<64x512xi1> to vector<64x512xi32>
    %convert_element_type3A_318 = arith.sitofp %convert_element_type3A_317 : vector<64x512xi32> to vector<64x512xf32>
    %reduce_sum3A_319 = vector.shape_cast %convert_element_type3A_318 : vector<64x512xf32> to vector<1x64x512xf32>
    %reduce_sum3A_320 = arith.constant dense<0.000000e+00> : vector<1xf32>
    %reduce_sum3A_321 = vector.multi_reduction <add>, %reduce_sum3A_319, %reduce_sum3A_320 [1, 2] : vector<1x64x512xf32> to vector<1xf32>
    %reduce_sum3A_322 = vector.shape_cast %reduce_sum3A_321 : vector<1xf32> to vector<1x1x1xf32>
    %reduce_sum3A_323 = vector.extract %reduce_sum3A_322[0, 0, 0] : f32 from vector<1x1x1xf32>
    %eq3A_324 = arith.constant 17 : i32
    %eq3A_325 = vector.broadcast %eq3A_324 : i32 to vector<64x512xi32>
    %eq3A_326 = arith.cmpi eq, %get3A_20, %eq3A_325 : vector<64x512xi32>
    %jit3A_327 = arith.constant 0.000000e+00 : f32
    %broadcast_in_dim3A_328 = vector.broadcast %jit3A_327 : f32 to vector<64x512xf32>
    %select_n3A_329 = arith.select %eq3A_326, %reduce_sum3A_15, %broadcast_in_dim3A_328 : vector<64x512xi1>, vector<64x512xf32>
    %reduce_sum3A_330 = vector.shape_cast %select_n3A_329 : vector<64x512xf32> to vector<1x64x512xf32>
    %reduce_sum3A_331 = arith.constant dense<0.000000e+00> : vector<1xf32>
    %reduce_sum3A_332 = vector.multi_reduction <add>, %reduce_sum3A_330, %reduce_sum3A_331 [1, 2] : vector<1x64x512xf32> to vector<1xf32>
    %reduce_sum3A_333 = vector.shape_cast %reduce_sum3A_332 : vector<1xf32> to vector<1x1x1xf32>
    %reduce_sum3A_334 = vector.extract %reduce_sum3A_333[0, 0, 0] : f32 from vector<1x1x1xf32>
    %convert_element_type3A_335 = arith.extui %eq3A_326 : vector<64x512xi1> to vector<64x512xi32>
    %convert_element_type3A_336 = arith.sitofp %convert_element_type3A_335 : vector<64x512xi32> to vector<64x512xf32>
    %reduce_sum3A_337 = vector.shape_cast %convert_element_type3A_336 : vector<64x512xf32> to vector<1x64x512xf32>
    %reduce_sum3A_338 = arith.constant dense<0.000000e+00> : vector<1xf32>
    %reduce_sum3A_339 = vector.multi_reduction <add>, %reduce_sum3A_337, %reduce_sum3A_338 [1, 2] : vector<1x64x512xf32> to vector<1xf32>
    %reduce_sum3A_340 = vector.shape_cast %reduce_sum3A_339 : vector<1xf32> to vector<1x1x1xf32>
    %reduce_sum3A_341 = vector.extract %reduce_sum3A_340[0, 0, 0] : f32 from vector<1x1x1xf32>
    %eq3A_342 = arith.constant 18 : i32
    %eq3A_343 = vector.broadcast %eq3A_342 : i32 to vector<64x512xi32>
    %eq3A_344 = arith.cmpi eq, %get3A_20, %eq3A_343 : vector<64x512xi32>
    %jit3A_345 = arith.constant 0.000000e+00 : f32
    %broadcast_in_dim3A_346 = vector.broadcast %jit3A_345 : f32 to vector<64x512xf32>
    %select_n3A_347 = arith.select %eq3A_344, %reduce_sum3A_15, %broadcast_in_dim3A_346 : vector<64x512xi1>, vector<64x512xf32>
    %reduce_sum3A_348 = vector.shape_cast %select_n3A_347 : vector<64x512xf32> to vector<1x64x512xf32>
    %reduce_sum3A_349 = arith.constant dense<0.000000e+00> : vector<1xf32>
    %reduce_sum3A_350 = vector.multi_reduction <add>, %reduce_sum3A_348, %reduce_sum3A_349 [1, 2] : vector<1x64x512xf32> to vector<1xf32>
    %reduce_sum3A_351 = vector.shape_cast %reduce_sum3A_350 : vector<1xf32> to vector<1x1x1xf32>
    %reduce_sum3A_352 = vector.extract %reduce_sum3A_351[0, 0, 0] : f32 from vector<1x1x1xf32>
    %convert_element_type3A_353 = arith.extui %eq3A_344 : vector<64x512xi1> to vector<64x512xi32>
    %convert_element_type3A_354 = arith.sitofp %convert_element_type3A_353 : vector<64x512xi32> to vector<64x512xf32>
    %reduce_sum3A_355 = vector.shape_cast %convert_element_type3A_354 : vector<64x512xf32> to vector<1x64x512xf32>
    %reduce_sum3A_356 = arith.constant dense<0.000000e+00> : vector<1xf32>
    %reduce_sum3A_357 = vector.multi_reduction <add>, %reduce_sum3A_355, %reduce_sum3A_356 [1, 2] : vector<1x64x512xf32> to vector<1xf32>
    %reduce_sum3A_358 = vector.shape_cast %reduce_sum3A_357 : vector<1xf32> to vector<1x1x1xf32>
    %reduce_sum3A_359 = vector.extract %reduce_sum3A_358[0, 0, 0] : f32 from vector<1x1x1xf32>
    %eq3A_360 = arith.constant 19 : i32
    %eq3A_361 = vector.broadcast %eq3A_360 : i32 to vector<64x512xi32>
    %eq3A_362 = arith.cmpi eq, %get3A_20, %eq3A_361 : vector<64x512xi32>
    %jit3A_363 = arith.constant 0.000000e+00 : f32
    %broadcast_in_dim3A_364 = vector.broadcast %jit3A_363 : f32 to vector<64x512xf32>
    %select_n3A_365 = arith.select %eq3A_362, %reduce_sum3A_15, %broadcast_in_dim3A_364 : vector<64x512xi1>, vector<64x512xf32>
    %reduce_sum3A_366 = vector.shape_cast %select_n3A_365 : vector<64x512xf32> to vector<1x64x512xf32>
    %reduce_sum3A_367 = arith.constant dense<0.000000e+00> : vector<1xf32>
    %reduce_sum3A_368 = vector.multi_reduction <add>, %reduce_sum3A_366, %reduce_sum3A_367 [1, 2] : vector<1x64x512xf32> to vector<1xf32>
    %reduce_sum3A_369 = vector.shape_cast %reduce_sum3A_368 : vector<1xf32> to vector<1x1x1xf32>
    %reduce_sum3A_370 = vector.extract %reduce_sum3A_369[0, 0, 0] : f32 from vector<1x1x1xf32>
    %convert_element_type3A_371 = arith.extui %eq3A_362 : vector<64x512xi1> to vector<64x512xi32>
    %convert_element_type3A_372 = arith.sitofp %convert_element_type3A_371 : vector<64x512xi32> to vector<64x512xf32>
    %reduce_sum3A_373 = vector.shape_cast %convert_element_type3A_372 : vector<64x512xf32> to vector<1x64x512xf32>
    %reduce_sum3A_374 = arith.constant dense<0.000000e+00> : vector<1xf32>
    %reduce_sum3A_375 = vector.multi_reduction <add>, %reduce_sum3A_373, %reduce_sum3A_374 [1, 2] : vector<1x64x512xf32> to vector<1xf32>
    %reduce_sum3A_376 = vector.shape_cast %reduce_sum3A_375 : vector<1xf32> to vector<1x1x1xf32>
    %reduce_sum3A_377 = vector.extract %reduce_sum3A_376[0, 0, 0] : f32 from vector<1x1x1xf32>
    %eq3A_378 = arith.constant 20 : i32
    %eq3A_379 = vector.broadcast %eq3A_378 : i32 to vector<64x512xi32>
    %eq3A_380 = arith.cmpi eq, %get3A_20, %eq3A_379 : vector<64x512xi32>
    %jit3A_381 = arith.constant 0.000000e+00 : f32
    %broadcast_in_dim3A_382 = vector.broadcast %jit3A_381 : f32 to vector<64x512xf32>
    %select_n3A_383 = arith.select %eq3A_380, %reduce_sum3A_15, %broadcast_in_dim3A_382 : vector<64x512xi1>, vector<64x512xf32>
    %reduce_sum3A_384 = vector.shape_cast %select_n3A_383 : vector<64x512xf32> to vector<1x64x512xf32>
    %reduce_sum3A_385 = arith.constant dense<0.000000e+00> : vector<1xf32>
    %reduce_sum3A_386 = vector.multi_reduction <add>, %reduce_sum3A_384, %reduce_sum3A_385 [1, 2] : vector<1x64x512xf32> to vector<1xf32>
    %reduce_sum3A_387 = vector.shape_cast %reduce_sum3A_386 : vector<1xf32> to vector<1x1x1xf32>
    %reduce_sum3A_388 = vector.extract %reduce_sum3A_387[0, 0, 0] : f32 from vector<1x1x1xf32>
    %convert_element_type3A_389 = arith.extui %eq3A_380 : vector<64x512xi1> to vector<64x512xi32>
    %convert_element_type3A_390 = arith.sitofp %convert_element_type3A_389 : vector<64x512xi32> to vector<64x512xf32>
    %reduce_sum3A_391 = vector.shape_cast %convert_element_type3A_390 : vector<64x512xf32> to vector<1x64x512xf32>
    %reduce_sum3A_392 = arith.constant dense<0.000000e+00> : vector<1xf32>
    %reduce_sum3A_393 = vector.multi_reduction <add>, %reduce_sum3A_391, %reduce_sum3A_392 [1, 2] : vector<1x64x512xf32> to vector<1xf32>
    %reduce_sum3A_394 = vector.shape_cast %reduce_sum3A_393 : vector<1xf32> to vector<1x1x1xf32>
    %reduce_sum3A_395 = vector.extract %reduce_sum3A_394[0, 0, 0] : f32 from vector<1x1x1xf32>
    %broadcast_in_dim3A_396 = arith.constant 0.000000e+00 : f32
    %broadcast_in_dim3A_397 = vector.broadcast %broadcast_in_dim3A_396 : f32 to vector<107xf32>
    %stack3A = vector.broadcast %reduce_sum3A_28 : f32 to vector<1xf32>
    %stack3A_398 = vector.broadcast %reduce_sum3A_46 : f32 to vector<1xf32>
    %stack3A_399 = vector.broadcast %reduce_sum3A_64 : f32 to vector<1xf32>
    %stack3A_400 = vector.broadcast %reduce_sum3A_82 : f32 to vector<1xf32>
    %stack3A_401 = vector.broadcast %reduce_sum3A_100 : f32 to vector<1xf32>
    %stack3A_402 = vector.broadcast %reduce_sum3A_118 : f32 to vector<1xf32>
    %stack3A_403 = vector.broadcast %reduce_sum3A_136 : f32 to vector<1xf32>
    %stack3A_404 = vector.broadcast %reduce_sum3A_154 : f32 to vector<1xf32>
    %stack3A_405 = vector.broadcast %reduce_sum3A_172 : f32 to vector<1xf32>
    %stack3A_406 = vector.broadcast %reduce_sum3A_190 : f32 to vector<1xf32>
    %stack3A_407 = vector.broadcast %reduce_sum3A_208 : f32 to vector<1xf32>
    %stack3A_408 = vector.broadcast %reduce_sum3A_226 : f32 to vector<1xf32>
    %stack3A_409 = vector.broadcast %reduce_sum3A_244 : f32 to vector<1xf32>
    %stack3A_410 = vector.broadcast %reduce_sum3A_262 : f32 to vector<1xf32>
    %stack3A_411 = vector.broadcast %reduce_sum3A_280 : f32 to vector<1xf32>
    %stack3A_412 = vector.broadcast %reduce_sum3A_298 : f32 to vector<1xf32>
    %stack3A_413 = vector.broadcast %reduce_sum3A_316 : f32 to vector<1xf32>
    %stack3A_414 = vector.broadcast %reduce_sum3A_334 : f32 to vector<1xf32>
    %stack3A_415 = vector.broadcast %reduce_sum3A_352 : f32 to vector<1xf32>
    %stack3A_416 = vector.broadcast %reduce_sum3A_370 : f32 to vector<1xf32>
    %stack3A_417 = vector.broadcast %reduce_sum3A_388 : f32 to vector<1xf32>
    %stack3A_418 = tpu.concatenate %stack3A, %stack3A_398, %stack3A_399, %stack3A_400, %stack3A_401, %stack3A_402, %stack3A_403, %stack3A_404, %stack3A_405, %stack3A_406, %stack3A_407, %stack3A_408, %stack3A_409, %stack3A_410, %stack3A_411, %stack3A_412, %stack3A_413, %stack3A_414, %stack3A_415, %stack3A_416, %stack3A_417 in 0 : vector<1xf32>, vector<1xf32>, vector<1xf32>, vector<1xf32>, vector<1xf32>, vector<1xf32>, vector<1xf32>, vector<1xf32>, vector<1xf32>, vector<1xf32>, vector<1xf32>, vector<1xf32>, vector<1xf32>, vector<1xf32>, vector<1xf32>, vector<1xf32>, vector<1xf32>, vector<1xf32>, vector<1xf32>, vector<1xf32>, vector<1xf32> -> vector<21xf32>
    %concatenate3A = tpu.concatenate %stack3A_418, %broadcast_in_dim3A_397 in 0 : vector<21xf32>, vector<107xf32> -> vector<128xf32>
    %reshape3A = vector.shape_cast %concatenate3A : vector<128xf32> to vector<1x128xf32>
    %stack3A_419 = vector.broadcast %reduce_sum3A_35 : f32 to vector<1xf32>
    %stack3A_420 = vector.broadcast %reduce_sum3A_53 : f32 to vector<1xf32>
    %stack3A_421 = vector.broadcast %reduce_sum3A_71 : f32 to vector<1xf32>
    %stack3A_422 = vector.broadcast %reduce_sum3A_89 : f32 to vector<1xf32>
    %stack3A_423 = vector.broadcast %reduce_sum3A_107 : f32 to vector<1xf32>
    %stack3A_424 = vector.broadcast %reduce_sum3A_125 : f32 to vector<1xf32>
    %stack3A_425 = vector.broadcast %reduce_sum3A_143 : f32 to vector<1xf32>
    %stack3A_426 = vector.broadcast %reduce_sum3A_161 : f32 to vector<1xf32>
    %stack3A_427 = vector.broadcast %reduce_sum3A_179 : f32 to vector<1xf32>
    %stack3A_428 = vector.broadcast %reduce_sum3A_197 : f32 to vector<1xf32>
    %stack3A_429 = vector.broadcast %reduce_sum3A_215 : f32 to vector<1xf32>
    %stack3A_430 = vector.broadcast %reduce_sum3A_233 : f32 to vector<1xf32>
    %stack3A_431 = vector.broadcast %reduce_sum3A_251 : f32 to vector<1xf32>
    %stack3A_432 = vector.broadcast %reduce_sum3A_269 : f32 to vector<1xf32>
    %stack3A_433 = vector.broadcast %reduce_sum3A_287 : f32 to vector<1xf32>
    %stack3A_434 = vector.broadcast %reduce_sum3A_305 : f32 to vector<1xf32>
    %stack3A_435 = vector.broadcast %reduce_sum3A_323 : f32 to vector<1xf32>
    %stack3A_436 = vector.broadcast %reduce_sum3A_341 : f32 to vector<1xf32>
    %stack3A_437 = vector.broadcast %reduce_sum3A_359 : f32 to vector<1xf32>
    %stack3A_438 = vector.broadcast %reduce_sum3A_377 : f32 to vector<1xf32>
    %stack3A_439 = vector.broadcast %reduce_sum3A_395 : f32 to vector<1xf32>
    %stack3A_440 = tpu.concatenate %stack3A_419, %stack3A_420, %stack3A_421, %stack3A_422, %stack3A_423, %stack3A_424, %stack3A_425, %stack3A_426, %stack3A_427, %stack3A_428, %stack3A_429, %stack3A_430, %stack3A_431, %stack3A_432, %stack3A_433, %stack3A_434, %stack3A_435, %stack3A_436, %stack3A_437, %stack3A_438, %stack3A_439 in 0 : vector<1xf32>, vector<1xf32>, vector<1xf32>, vector<1xf32>, vector<1xf32>, vector<1xf32>, vector<1xf32>, vector<1xf32>, vector<1xf32>, vector<1xf32>, vector<1xf32>, vector<1xf32>, vector<1xf32>, vector<1xf32>, vector<1xf32>, vector<1xf32>, vector<1xf32>, vector<1xf32>, vector<1xf32>, vector<1xf32>, vector<1xf32> -> vector<21xf32>
    %concatenate3A_441 = tpu.concatenate %stack3A_440, %broadcast_in_dim3A_397 in 0 : vector<21xf32>, vector<107xf32> -> vector<128xf32>
    %reshape3A_442 = vector.shape_cast %concatenate3A_441 : vector<128xf32> to vector<1x128xf32>
    %iota3A = tpu.iota {dimensions = array<i32: 0>} : vector<8x1xi32>
    %eq3A_443 = vector.broadcast %arg0 : i32 to vector<8x1xi32>
    %eq3A_444 = arith.cmpi eq, %iota3A, %eq3A_443 : vector<8x1xi32>
    %convert_element_type3A_445 = arith.extui %eq3A_444 : vector<8x1xi1> to vector<8x1xi32>
    %convert_element_type3A_446 = arith.sitofp %convert_element_type3A_445 : vector<8x1xi32> to vector<8x1xf32>
    %get3A_447 = arith.constant 0 : index
    %get3A_448 = arith.constant 0 : index
    %get3A_449 = vector.load %arg5[%get3A_447, %get3A_448] : memref<8x128xf32, #tpu.memory_space<vmem>>, vector<8x128xf32>
    %mul3A = vector.broadcast %convert_element_type3A_446 : vector<8x1xf32> to vector<8x128xf32>
    %mul3A_450 = vector.broadcast %reshape3A : vector<1x128xf32> to vector<8x128xf32>
    %mul3A_451 = arith.mulf %mul3A, %mul3A_450 : vector<8x128xf32>
    %add3A = arith.addf %get3A_449, %mul3A_451 : vector<8x128xf32>
    %swap3A = arith.constant 0 : index
    %swap3A_452 = arith.constant 0 : index
    %swap3A_453 = vector.load %arg5[%swap3A, %swap3A_452] : memref<8x128xf32, #tpu.memory_space<vmem>>, vector<8x128xf32>
    tpu.vector_store %arg5[%swap3A, %swap3A_452], %add3A {strides = array<i32>} : memref<8x128xf32, #tpu.memory_space<vmem>>, vector<8x128xf32>,
    %get3A_454 = arith.constant 0 : index
    %get3A_455 = arith.constant 0 : index
    %get3A_456 = vector.load %arg6[%get3A_454, %get3A_455] : memref<8x128xf32, #tpu.memory_space<vmem>>, vector<8x128xf32>
    %mul3A_457 = vector.broadcast %convert_element_type3A_446 : vector<8x1xf32> to vector<8x128xf32>
    %mul3A_458 = vector.broadcast %reshape3A_442 : vector<1x128xf32> to vector<8x128xf32>
    %mul3A_459 = arith.mulf %mul3A_457, %mul3A_458 : vector<8x128xf32>
    %add3A_460 = arith.addf %get3A_456, %mul3A_459 : vector<8x128xf32>
    %swap3A_461 = arith.constant 0 : index
    %swap3A_462 = arith.constant 0 : index
    %swap3A_463 = vector.load %arg6[%swap3A_461, %swap3A_462] : memref<8x128xf32, #tpu.memory_space<vmem>>, vector<8x128xf32>
    tpu.vector_store %arg6[%swap3A_461, %swap3A_462], %add3A_460 {strides = array<i32>} : memref<8x128xf32, #tpu.memory_space<vmem>>, vector<8x128xf32>,
    return
  }
  func.func @transform_0(%arg0: i32, %arg1: i32) -> (i32, i32, i32, i32) {
    %c0_i32 = arith.constant 0 : i32
    %c0_i32_0 = arith.constant 0 : i32
    %c0_i32_1 = arith.constant 0 : i32
    return %arg0, %c0_i32, %arg1, %c0_i32_0 : i32, i32, i32, i32
  }
  func.func @transform_1(%arg0: i32, %arg1: i32) -> (i32, i32, i32, i32) {
    %c0_i32 = arith.constant 0 : i32
    %c0_i32_0 = arith.constant 0 : i32
    %c0_i32_1 = arith.constant 0 : i32
    return %arg0, %c0_i32, %arg1, %c0_i32_0 : i32, i32, i32, i32
  }
  func.func @transform_2(%arg0: i32, %arg1: i32) -> (i32, i32, i32) {
    %c0_i32 = arith.constant 0 : i32
    %c0_i32_0 = arith.constant 0 : i32
    return %arg0, %arg1, %c0_i32 : i32, i32, i32
  }
  func.func @transform_3(%arg0: i32, %arg1: i32) -> (i32, i32) {
    %c0_i32 = arith.constant 0 : i32
    %c0_i32_0 = arith.constant 0 : i32
    %c0_i32_1 = arith.constant 0 : i32
    return %c0_i32, %c0_i32_0 : i32, i32
  }
  func.func @transform_4(%arg0: i32, %arg1: i32) -> (i32, i32) {
    %c0_i32 = arith.constant 0 : i32
    %c0_i32_0 = arith.constant 0 : i32
    %c0_i32_1 = arith.constant 0 : i32
    return %c0_i32, %c0_i32_0 : i32, i32
  }
}

</mosaic_0001>

<sc_bundles>
// kernel: kernel.4.cloned.1.call-start
scs
__scs_entry_jumppad:
0x0: {  	(pc) =	sbr.rel $0x88, $3  }
0x1: {  	(tag) =	ssettag $0x0;
	lr =	simm.s32 $0x1  }
0x2: {  	[smem:$0x3F9E] =	sst lr;
	_ =	strace $0xD0000000  }
0x3: {  	_ = 	snop  }
0x4: {  	_ = 	snop  }
0x5: {  	_ = 	snop  }
0x6: {  	_ = 	snop  }
0x7: {  	_ = 	snop  }
__scs_overlays_trampoline_lowered:
0x8: {  	[smem:$0x3FAD] =	sst s0  }
0x9: {  	[smem:$0x3FAE] =	sst s1  }
0xa: {  	[smem:$0x3FAF] =	sst s2  }
0xb: {  	[smem:$0x3FB0] =	sst s3  }
0xc: {  	[smem:$0x3FB1] =	sst s4  }
0xd: {  	[smem:$0x3FB2] =	sst s5  }
0xe: {  	[smem:$0x3FB3] =	sst s6  }
0xf: {  	[smem:$0x3FB4] =	sst s7  }
0x10: {  	[smem:$0x3FB5] =	sst s8  }
0x11: {  	[smem:$0x3FB6] =	sst s9;
	s0 =	simm.s32 @!p0 $0x0  }
0x12: {  	s1 =	sld [smem:$0x3F9C];
	s0 =	simm.s32 @p0 $0x1  }
0x13: {  	[smem:$0x3FB7] =	sst s0;
	s0 =	simm.s32 @!p1 $0x0  }
0x14: {  	s2 =	sld [smem:$0x3F9B];
	s0 =	simm.s32 @p1 $0x1  }
0x15: {  	[smem:$0x3FB8] =	sst s0;
	s0 =	simm.s32 @!p2 $0x0  }
0x16: {  	s3 =	sld [smem:$0x3FDB];
	s0 =	simm.s32 @p2 $0x1  }
0x17: {  	s4 =	simm.s32 $0x1BF5;
	[smem:$0x3FBA] =	sst s0  }
0x18: {  	s0 =	sld [smem:$0x3F9D];
	_ =	swait.ge [sflag:s4], $0x0  }
0x19: {  	s7 =	sld [smem:$0x3F9E]  }
0x1a: {  	s8 =	sadd.s32 $0xFFFFE003, lr  }
0x1b: {  	s9 =	sadd.s32 $0xFFFFFEF7, lr;
	s5 =	simm.s32 $0xFFFFFFFF;
	p2 =	slt.u32 s8, $0xFFFFF086  }
0x1c: {  	p1 =	slt.u32 s9, $0xF7A;
	s5 =	simm.s32 @!p2 $0x0  }
0x1d: {  	s5 =	simm.s32 @p1 $0x1;
	p0 =	seq.s32 s7, s2  }
0x1e: {  	s7 =	smul.u32 @!p0 $0xF7A, s2;
	p2 =	seq.s32 @!p0 s5, $0x0  }
0x1f: {  	s9 =	smul.u32 $0xF7A, s1;
	s8 =	simm.s32 @!p0 $0x1BF5;
	p2 =	por !p2, p0  }
0x20: {  	[sflag:s8] =	ssyncset.s32 @!p0 $0xFFFFF086;
	s6 =	sadd.s32 @!p0 s3, s7;
	s7 =	simm.s32 @!p0 $0x108  }
0x21: {  	s3 =	sadd.s32 s3, s9;
	s6 =	sadd.s32 @!p0 $0x88, s6;
	s7 =	simm.s32 @p2 $0x1082  }
0x22: {  	[simem:s7], [sflag:s8] =	dma.local @!p0 [hbm:s6], $0xF7A  }
0x23: {  	s9 =	sor.u32 $0xD0000000, s2;
	s6 =	simm.s32 $0x108;
	_ =	swait.ge @!p0 [sflag:s8], $0x0  }
0x24: {  	s3 =	sadd.s32 $0x88, s3;
	s6 =	simm.s32 @!p1 $0x1082;
	[sflag:s4] =	ssyncset.s32 $0xFFFFF086  }
0x25: {  	[simem:s6], [sflag:s4] =	dma.local [hbm:s3], $0xF7A  }
0x26: {  	[smem:$0x3F9E] =	sst s1;
	(tag) =	ssettag s2;
	_ =	strace s9  }
0x27: {  	s1 =	sld [smem:$0x3FAE]  }
0x28: {  	s2 =	sld [smem:$0x3FAF]  }
0x29: {  	s4 =	sld [smem:$0x3FB1]  }
0x2a: {  	p0 =	seq.s32 s5, $0x0;
	s5 =	sld [smem:$0x3FB2]  }
0x2b: {  	s6 =	sld [smem:$0x3FB3]  }
0x2c: {  	s7 =	sld [smem:$0x3FB4]  }
0x2d: {  	s3 =	simm.s32 $0x108;
	s8 =	sld [smem:$0x3FB5]  }
0x2e: {  	s3 =	simm.s32 @!p0 $0x1082;
	s9 =	sld [smem:$0x3FB6]  }
0x2f: {  	lr =	sadd.s32 s0, s3;
	s0 =	sld [smem:$0x3FAD]  }
0x30: {  	s3 =	sld [smem:$0x3FB0]  }
0x31: {  	[smem:$0x3FB9] =	sst s10  }
0x32: {  	s10 =	sld [smem:$0x3FB7];
	_ =	sdelay $0x3  }
0x33: {  	p0 =	seq.s32 s10, $0x1;
	s10 =	sld [smem:$0x3FB9];
	_ =	sdelay $0x3  }
0x34: {  	[smem:$0x3FB9] =	sst s10  }
0x35: {  	s10 =	sld [smem:$0x3FB8];
	_ =	sdelay $0x3  }
0x36: {  	p1 =	seq.s32 s10, $0x1;
	s10 =	sld [smem:$0x3FB9];
	_ =	sdelay $0x3  }
0x37: {  	[smem:$0x3FB9] =	sst s10  }
0x38: {  	s10 =	sld [smem:$0x3FBA]  }
0x39: {  	_ = 	snop;
	(pc) =	sbr.ind lr, $3  }
0x3a: {  	_ = 	snop  }
0x3b: {  	_ = 	snop  }
0x3c: {  	p2 =	seq.s32 s10, $0x1;
	s10 =	sld [smem:$0x3FB9]  }
0x3d: {  	_ =	shalt  }
0x3e: {  	_ =	shalt  }
0x3f: {  	_ =	shalt  }
0x40: {  	_ =	shalt  }
0x41: {  	_ =	shalt  }
0x42: {  	_ =	shalt  }
0x43: {  	_ =	shalt  }
0x44: {  	_ =	shalt  }
0x45: {  	_ =	shalt  }
0x46: {  	_ =	shalt  }
0x47: {  	_ =	shalt  }
0x48: {  	_ =	shalt  }
0x49: {  	_ =	shalt  }
0x4a: {  	_ =	shalt  }
0x4b: {  	_ =	shalt  }
0x4c: {  	_ =	shalt  }
0x4d: {  	_ =	shalt  }
0x4e: {  	_ =	shalt  }
0x4f: {  	_ =	shalt  }
0x50: {  	_ =	shalt  }
0x51: {  	_ =	shalt  }
0x52: {  	_ =	shalt  }
0x53: {  	_ =	shalt  }
0x54: {  	_ =	shalt  }
0x55: {  	_ =	shalt  }
0x56: {  	_ =	shalt  }
0x57: {  	_ =	shalt  }
0x58: {  	_ =	shalt  }
0x59: {  	_ =	shalt  }
0x5a: {  	_ =	shalt  }
0x5b: {  	_ =	shalt  }
0x5c: {  	_ =	shalt  }
0x5d: {  	_ =	shalt  }
0x5e: {  	_ =	shalt  }
0x5f: {  	_ =	shalt  }
0x60: {  	_ =	shalt  }
0x61: {  	_ =	shalt  }
0x62: {  	_ =	shalt  }
0x63: {  	_ =	shalt  }
0x64: {  	_ =	shalt  }
0x65: {  	_ =	shalt  }
0x66: {  	_ =	shalt  }
0x67: {  	_ =	shalt  }
0x68: {  	_ =	shalt  }
0x69: {  	_ =	shalt  }
0x6a: {  	_ =	shalt  }
0x6b: {  	_ =	shalt  }
0x6c: {  	_ =	shalt  }
0x6d: {  	_ =	shalt  }
0x6e: {  	_ =	shalt  }
0x6f: {  	_ =	shalt  }
0x70: {  	_ =	shalt  }
0x71: {  	_ =	shalt  }
0x72: {  	_ =	shalt  }
0x73: {  	_ =	shalt  }
0x74: {  	_ =	shalt  }
0x75: {  	_ =	shalt  }
0x76: {  	_ =	shalt  }
0x77: {  	_ =	shalt  }
0x78: {  	_ =	shalt  }
0x79: {  	_ =	shalt  }
0x7a: {  	_ =	shalt  }
0x7b: {  	_ =	shalt  }
0x7c: {  	_ =	shalt  }
0x7d: {  	_ =	shalt  }
0x7e: {  	_ =	shalt  }
0x7f: {  	_ =	shalt  }
0x80: {  	_ =	shalt  }
0x81: {  	_ =	shalt  }
0x82: {  	_ =	shalt  }
0x83: {  	_ =	shalt  }
0x84: {  	_ =	shalt  }
0x85: {  	_ =	shalt  }
0x86: {  	_ =	shalt  }
0x87: {  	_ =	shalt  }
.Lfunc_end0:
.L_simem_size_0:
called_computation_lowered:
.L_overlay_start_0:
0x88: {  	s2 =	sld [smem:$0x3FD9]  }
0x89: {  	s3 =	sld [smem:$0x3FFE];
	_ =	sdelay $0x1  }
0x8a: {  	s1 =	srdreg.scid  }
0x8b: {  	s0 =	sand.u32 $0x1, s1  }
0x8c: {  	s17 =	sshll.u32 s0, $0xA;
	s2 =	sadd.s32 s3, s2  }
0x8d: {  	s2 =	sadd.s32 s2, s17  }
0x8e: {  	[smem:$0x3FC5] =	sst s2  }
0x8f: {  	_ = 	snop  }
0x90: {  	s2 =	sld [smem:$0x3FC9]  }
0x91: {  	s18 =	sld [smem:$0x3FC8]  }
0x92: {  	s4 =	sld [smem:$0x3FC7];
	(tm) =	ssettm $0x1  }
0x93: {  	s5 =	sld [smem:$0x3FFB];
	_ =	sdelay $0x3  }
0x94: {  	_ =	strace s5  }
0x95: {  	s5 =	sld [smem:$0x3FFC];
	_ =	sdelay $0x3  }
0x96: {  	_ =	strace s5  }
0x97: {  	s5 =	sld [smem:$0x3FFD];
	_ =	sdelay $0x3  }
0x98: {  	_ =	strace s5  }
0x99: {  	_ =	strace $0x8FFFFFFF  }
0x9a: {  	s19 =	sld [smem:$0x3FDB];
	_ =	sdelay $0x1  }
0x9b: {  	s6 =	simm.s32 $_scs_section_size  }
0x9c: {  	s7 =	simm.s32 $_size__tile_overlayer_lowered;
	s8 =	simm.s32 $_tile_overlayer_lowered  }
0x9d: {  	s22 =	simm.s32 $0x1BFF;
	s21 =	sshll.u32 s8, $0x1;
	s5 =	sadd.s32 s6, s19  }
0x9e: {  	s9 =	simm.s32 $0x0;
	s20 =	sshll.u32 s7, $0x1;
	s7 =	sadd.s32 s21, s5  }
0x9f: {  	[timem:s9], [sflag:s22] =	dma.local [hbm:s7], s20  }
0xa0: {  	_ =	swait.ge [sflag:s22], s20  }
0xa1: {  	s6 =	ssub.s32 $0x0, s20;
	[sflag:s22] =	ssyncset.done $0x0  }
0xa2: {  	[sflag:s22] =	ssyncadd.s32 s6;
	_ =	sdelay $0x1  }
0xa3: {  	s23 =	simm.s32 $0x1B8B  }
0xa4: {  	_ =	swait.ge [sflag:s23], $0x1  }
0xa5: {  	[sflag:s23] =	ssyncset.done $0x0  }
0xa6: {  	s25 =	simm.s32 $0x1B8E;
	s24 =	sld [smem:$0x3FFE];
	[sflag:s23] =	ssyncadd.s32 $0xFFFFFFFF  }
0xa7: {  	s26 =	simm.s32 $execute0_lowered;
	[smem:$0x3FD2] =	sst s25  }
0xa8: {  	s7 =	sshll.u32 s26, $0x1;
	_ =	strace $0x80000046;
	[dreg:$0x1] =	wrdreg $0xFFFFFFFF  }
0xa9: {  	s28 =	simm.s32 $_size_execute0_lowered;
	s5 =	sadd.s32 s5, s7;
	[dreg:$0x0] =	wrdreg $0x0  }
0xaa: {  	s7 =	sshll.u32 s28, $0x1;
	[dreg:$0x2] =	wrdreg s5  }
0xab: {  	[dreg:$0x3] =	wrdreg s7  }
0xac: {  	[dreg:$0x4] =	wrdreg $0xC0  }
0xad: {  	_ =	task [dreg:s9], $0x5FFFF  }
0xae: {  	[dreg:$0x1] =	wrdreg $0xFFFFFFFF  }
0xaf: {  	[dreg:$0x0] =	wrdreg $0x60  }
0xb0: {  	[dreg:$0x2] =	wrdreg s2  }
0xb1: {  	[dreg:$0x3] =	wrdreg s18  }
0xb2: {  	[dreg:$0x4] =	wrdreg s4  }
0xb3: {  	[dreg:$0x5] =	wrdreg s24  }
0xb4: {  	[dreg:$0x6] =	wrdreg $0x9  }
0xb5: {  	_ =	task.clear_ibuf [dreg:s9], $0x7FFFF;
	_ =	strace $0x90000046  }
0xb6: {  	s29 =	simm.s32 $0x9;
	_ =	strace $0x80000048  }
0xb7: {  	_ =	swait.ge [sflag:s29], $0x1  }
0xb8: {  	[sflag:s29] =	ssyncadd.s32 $0xFFFFFFFF  }
0xb9: {  	_ =	strace $0x90000048  }
0xba: {  	_ =	sfence  }
0xbb: {  	s30 =	sld [smem:$0x0];
	_ =	sdelay $0x2  }
0xbc: {  	s31 =	sshll.u32 s1, $0xD;
	s1 =	sshrl.u32 s1, $0x2  }
0xbd: {  	s3 =	sand.u32 $0x4000, s31;
	s1 =	sadd.s32 s1, s30  }
0xbe: {  	s0 =	sor.u32 s3, s0;
	s1 =	sshll.u32 s1, $0x11  }
0xbf: {  	s0 =	sor.u32 s1, s0  }
0xc0: {  	s0 =	sadd.s32 $0x8F2B, s0  }
0xc1: {  	[sflag:s0] =	ssyncadd.remote.s32 $0x1  }
0xc2: {  	_ =	sfence.sel $0xFFFF  }
0xc3: {  	[dreg:$0x0] =	wrdreg $0xFFFFFFFF;
	(pc) =	sbr.abs _section_cstart, $3  }
0xc4: {  	[dreg:$0x1] =	wrdreg $0xFFFFFFFF  }
0xc5: {  	_ =	task.clear_ibuf [dreg:s9], $0x2FFFF;
	_ =	strace $0x9FFFFFFF  }
0xc6: {  	(tm) =	ssettm $0x7FFFFFFF  }
0xc7: {  	_ =	shalt  }
tec
execute0_lowered:
.L_overlay_start_1:
0x0: {  	(tag) =	ssettag $0x1  }
0x1: {  	s0 =	srdreg.scid  }
0x2: {  	s2 =	stileid.u32;
	s3 =	rddreg [dreg:$0x0]  }
0x3: {  	s4 =	simm.s32 $0x1;
	s5 =	rddreg [dreg:$0x1];
	s1 =	sand.u32 $0x1, s0  }
0x4: {  	s7 =	rddreg [dreg:$0x2];
	s13 =	simm.s32 $0x0;
	s0 =	sshll.u32 s1, $0x4  }
0x5: {  	s28 =	simm.s32 $0x18000;
	s0 =	sor.u32 s2, s0;
	s2 =	sand.u32 $0x3, s2  }
0x6: {  	s29 =	simm.s32 $0x6000;
	p0 =	seq.s32 s0, $0x0;
	p1 =	sne.s32 s2, $0x0  }
0x7: {  	s30 =	simm.s32 $0x12000;
	s31 =	simm.s32 $0x1A000;
	p0 =	por !p1, !p0  }
0x8: {  	[smem:$0x7FF] =	sst s13;
	s1 =	ssub.s32 $0x2, s1;
	p0 =	por !p0, !p0  }
0x9: {  	s6 =	sshrl.u32 s0, $0x2;
	s2 =	smul.u32 $0xC000, s2;
	s4 =	simm.s32 @!p0 $0x0  }
0xa: {  	s8 =	sshrl.u32 s1, $0x1;
	s0 =	smul.u32 $0x60, s0;
	s4 =	ssub.s32 s6, s4  }
0xb: {  	s1 =	ssub.s32 s1, s8;
	s15 =	sadd.s32 $0x10000, s2;
	s9 =	smul.u32 $0xC0000, s4  }
0xc: {  	s16 =	sadd.s32 $0x12000, s2;
	s17 =	sadd.s32 $0x14000, s2;
	s18 =	sadd.s32 $0x16000, s2  }
0xd: {  	s6 =	rddreg [dreg:$0x3];
	s19 =	sadd.s32 s15, s9;
	s10 =	sadd.s32 s16, s9  }
0xe: {  	s20 =	sadd.s32 s17, s9;
	s24 =	sadd.s32 s18, s9;
	s8 =	sshrl.u32 s19, $0x3  }
0xf: {  	s10 =	sshrl.u32 s10, $0x3;
	s22 =	sshrl.u32 s20, $0x3;
	s11 =	sadd.s32 s3, s8  }
0x10: {  	s19 =	sadd.s32 $0x18000, s2;
	s8 =	sadd.s32 s5, s8;
	[dreg:$0x5] =	wrdreg s11  }
0x11: {  	s25 =	sshrl.u32 s24, $0x3;
	s21 =	sadd.s32 s3, s10;
	[dreg:$0x6] =	wrdreg s8  }
0x12: {  	s2 =	sadd.s32 $0x1A000, s2;
	s10 =	sadd.s32 s5, s10;
	[dreg:$0x7] =	wrdreg s21  }
0x13: {  	s23 =	sadd.s32 s3, s22;
	s26 =	sadd.s32 s19, s9;
	[dreg:$0x8] =	wrdreg s10  }
0x14: {  	s12 =	sadd.s32 s2, s9;
	s9 =	sadd.s32 s5, s25;
	[dreg:$0x9] =	wrdreg s23  }
0x15: {  	s8 =	sadd.s32 s5, s22;
	s11 =	sshrl.u32 s26, $0x3;
	s14 =	sshrl.u32 s12, $0x3  }
0x16: {  	[dreg:$0xa] =	wrdreg s8;
	s8 =	sadd.s32 s3, s25;
	s10 =	sadd.s32 s3, s11  }
0x17: {  	s11 =	sadd.s32 s5, s11;
	s12 =	sadd.s32 s3, s14;
	[dreg:$0xb] =	wrdreg s8  }
0x18: {  	s14 =	sadd.s32 s5, s14;
	s8 =	sshll.u32 s4, $0x12;
	_ =	strace $0x80000047  }
0x19: {  	s4 =	sadd.s32 s15, s8;
	s21 =	sadd.s32 s16, s8;
	s17 =	sadd.s32 s17, s8  }
0x1a: {  	s20 =	sadd.s32 s18, s8;
	s19 =	sadd.s32 s19, s8;
	s2 =	sadd.s32 s2, s8  }
0x1b: {  	s15 =	simm.s32 $0x1;
	s22 =	sshrl.u32 s4, $0x3;
	s23 =	sshrl.u32 s21, $0x3  }
0x1c: {  	s24 =	sshrl.u32 s17, $0x3;
	s25 =	sshrl.u32 s20, $0x3;
	s26 =	sshrl.u32 s19, $0x3  }
0x1d: {  	s2 =	sshrl.u32 s2, $0x3;
	s16 =	sadd.s32 s7, s22;
	s17 =	sadd.s32 s7, s23  }
0x1e: {  	s18 =	sadd.s32 s7, s24;
	s19 =	sadd.s32 s7, s25;
	s20 =	sadd.s32 s7, s26  }
0x1f: {  	s21 =	sadd.s32 s7, s2;
	s22 =	sadd.s32 s6, s0;
	s23 =	smax.u32 s1, $0x1  }
0x20: {  	v0 =	vlaneseq.u32;
	s24 =	simm.s32 $0x2000;
	s25 =	simm.s32 $0x40000;
	s26 =	simm.s32 $0xC000  }
0x21: {  	v1 =	vimm.f32 $0.0e+00;
	v3 =	vimm.f32 $1.000000000e+00;
	v2 =	vor.u32 $0x180, v0;
	s1 =	simm.s32 $0x1C000;
	s0 =	simm.s32 $0x2;
	s2 =	simm.s32 $0x0  }
.LBB2_1:
0x22: {  	[tilespmem:$0x1C000] =	vst v1  }
0x23: {  	[tilespmem:$0x1C010] =	vst v1  }
0x24: {  	[tilespmem:$0x1C020] =	vst v1  }
0x25: {  	[tilespmem:$0x1C030] =	vst v1  }
0x26: {  	[tilespmem:$0x1C040] =	vst v1  }
0x27: {  	[tilespmem:$0x1C050] =	vst v1  }
0x28: {  	[tilespmem:$0x1C060] =	vst v1  }
0x29: {  	[tilespmem:$0x1C070] =	vst v1  }
0x2a: {  	[tilespmem:$0x1C080] =	vst v1  }
0x2b: {  	[tilespmem:$0x1C090] =	vst v1  }
0x2c: {  	[tilespmem:$0x1C0A0] =	vst v1  }
0x2d: {  	[tilespmem:$0x1C0B0] =	vst v1  }
0x2e: {  	[tilespmem:$0x1C0C0] =	vst v1  }
0x2f: {  	[tilespmem:$0x1C0D0] =	vst v1  }
0x30: {  	[tilespmem:$0x1C0E0] =	vst v1  }
0x31: {  	[tilespmem:$0x1C0F0] =	vst v1  }
0x32: {  	[tilespmem:$0x1C100] =	vst v1  }
0x33: {  	[tilespmem:$0x1C110] =	vst v1  }
0x34: {  	[tilespmem:$0x1C120] =	vst v1  }
0x35: {  	[tilespmem:$0x1C130] =	vst v1  }
0x36: {  	[tilespmem:$0x1C140] =	vst v1  }
0x37: {  	[tilespmem:$0x1C150] =	vst v1  }
0x38: {  	[tilespmem:$0x1C160] =	vst v1  }
0x39: {  	[tilespmem:$0x1C170] =	vst v1  }
0x3a: {  	[tilespmem:$0x1C180] =	vst v1  }
0x3b: {  	[tilespmem:$0x1C190] =	vst v1  }
0x3c: {  	[tilespmem:$0x1C1A0] =	vst v1  }
0x3d: {  	[tilespmem:$0x1C1B0] =	vst v1  }
0x3e: {  	[tilespmem:$0x1C1C0] =	vst v1  }
0x3f: {  	[tilespmem:$0x1C1D0] =	vst v1  }
0x40: {  	[tilespmem:$0x1C1E0] =	vst v1  }
0x41: {  	[tilespmem:$0x1C1F0] =	vst v1  }
0x42: {  	[tilespmem:$0x1C200] =	vst v1  }
0x43: {  	[tilespmem:$0x1C210] =	vst v1  }
0x44: {  	[tilespmem:$0x1C220] =	vst v1  }
0x45: {  	[tilespmem:$0x1C230] =	vst v1  }
0x46: {  	[tilespmem:$0x1C240] =	vst v1  }
0x47: {  	[tilespmem:$0x1C250] =	vst v1  }
0x48: {  	[tilespmem:$0x1C260] =	vst v1  }
0x49: {  	[tilespmem:$0x1C270] =	vst v1  }
0x4a: {  	[tilespmem:$0x1C280] =	vst v1  }
0x4b: {  	[tilespmem:$0x1C290] =	vst v1  }
0x4c: {  	[tilespmem:$0x1C2A0] =	vst v1  }
0x4d: {  	[tilespmem:$0x1C2B0] =	vst v1  }
0x4e: {  	[tilespmem:$0x1C2C0] =	vst v1  }
0x4f: {  	[tilespmem:$0x1C2D0] =	vst v1  }
0x50: {  	[tilespmem:$0x1C2E0] =	vst v1  }
0x51: {  	[tilespmem:$0x1C2F0] =	vst v1;
	s3 =	rddreg [dreg:$0x5]  }
0x52: {  	[tilespmem:s13], [sflag:$0x1] =	stream.strided.gather [hbm4b:s3+s24], $0x6000, s25, s24, $0x38;
	[tilespmem:$0x1C300] =	vst v63  }
0x53: {  	s4 =	rddreg [dreg:$0x6]  }
0x54: {  	[tilespmem:s26], [sflag:$0x1] =	stream.strided.gather [hbm4b:s4+s24], $0x6000, s25, s24, $0x38;
	[tilespmem:$0x1C300] =	vst v63  }
0x55: {  	_ = 	snop  }
0x56: {  	[tilespmem:s28], [sflag:$0x1] =	stream.linear.gather [hbm4b:s16+s13], $0x2000, $0x38;
	[tilespmem:$0x1C300] =	vst v63  }
0x57: {  	s5 =	rddreg [dreg:$0x7]  }
0x58: {  	[tilespmem:s29], [sflag:$0x1] =	stream.strided.gather [hbm4b:s5+s24], $0x6000, s25, s24, $0x38;
	[tilespmem:$0x1C300] =	vst v63  }
0x59: {  	s6 =	rddreg [dreg:$0x8]  }
0x5a: {  	[tilespmem:s30], [sflag:$0x1] =	stream.strided.gather [hbm4b:s6+s24], $0x6000, s25, s24, $0x38;
	[tilespmem:$0x1C300] =	vst v63  }
0x5b: {  	_ = 	snop  }
0x5c: {  	[tilespmem:s31], [sflag:$0x1] =	stream.linear.gather [hbm4b:s17+s13], $0x2000, $0x38;
	[tilespmem:$0x1C300] =	vst v63  }
0x5d: {  	_ =	swait.ge [sflag:s15], $0x6000  }
0x5e: {  	[sflag:s15] =	ssyncset.done $0x0  }
0x5f: {  	[sflag:s15] =	ssyncadd.s32 $0xFFFFA000  }
0x60: {  	_ =	swait.ge [sflag:s15], $0x6000  }
0x61: {  	[sflag:s15] =	ssyncset.done $0x0  }
0x62: {  	[sflag:s15] =	ssyncadd.s32 $0xFFFFA000  }
0x63: {  	s7 =	sand.u32 $0x1000, s13;
	s4 =	sand.u32 $0xC00, s13;
	_ =	swait.ge [sflag:s15], $0x2000  }
0x64: {  	s8 =	sand.u32 $0x380, s13;
	s3 =	sor.u32 s4, s7;
	[sflag:s15] =	ssyncset.done $0x0  }
0x65: {  	s3 =	sor.u32 s8, s3;
	[sflag:s15] =	ssyncadd.s32 $0xFFFFE000  }
0x66: {  	v4 =	vld [tilespmem:s3+$0x4070]  }
0x67: {  	v5 =	vld [tilespmem:s3+$0x10070]  }
0x68: {  	v6 =	vld [tilespmem:s3+$0x70]  }
0x69: {  	v7 =	vld [tilespmem:s3+$0xC070]  }
0x6a: {  	v8 =	vld [tilespmem:s3+$0x2070]  }
0x6b: {  	v9 =	vld [tilespmem:s3+$0xE070]  }
0x6c: {  	v10 =	vld [tilespmem:s3+$0x18070]  }
0x6d: {  	v11 =	vld [tilespmem:s3+$0x0]  }
0x6e: {  	v12 =	vld [tilespmem:s3+$0xC000]  }
0x6f: {  	v13 =	vld [tilespmem:s3+$0x2000]  }
0x70: {  	v14 =	vld [tilespmem:s3+$0xE000]  }
0x71: {  	v15 =	vld [tilespmem:s3+$0x2010]  }
0x72: {  	v16 =	vld [tilespmem:s3+$0x20]  }
0x73: {  	v17 =	vld [tilespmem:s3+$0x30]  }
0x74: {  	v18 =	vld [tilespmem:s3+$0xC030]  }
0x75: {  	v19 =	vld [tilespmem:s3+$0x2030]  }
0x76: {  	v20 =	vld [tilespmem:s3+$0xE030]  }
0x77: {  	v21 =	vld [tilespmem:s3+$0x40]  }
0x78: {  	v22 =	vld [tilespmem:s3+$0xC040]  }
0x79: {  	v23 =	vld [tilespmem:s3+$0x2040]  }
0x7a: {  	v24 =	vld [tilespmem:s3+$0xE040]  }
0x7b: {  	v25 =	vld [tilespmem:s3+$0x50]  }
0x7c: {  	v26 =	vld [tilespmem:s3+$0xC050]  }
0x7d: {  	v27 =	vld [tilespmem:s3+$0x2050]  }
0x7e: {  	v28 =	vld [tilespmem:s3+$0xE050]  }
0x7f: {  	v29 =	vld [tilespmem:s3+$0x60]  }
0x80: {  	v30 =	vld [tilespmem:s3+$0xC060]  }
0x81: {  	v31 =	vld [tilespmem:s3+$0x2060]  }
0x82: {  	v38 =	vld [tilespmem:s3+$0x4020]  }
0x83: {  	v40 =	vld [tilespmem:s3+$0x10020]  }
0x84: {  	v42 =	vld [tilespmem:s3+$0x10030]  }
0x85: {  	v43 =	vld [tilespmem:s3+$0x4040]  }
0x86: {  	v46 =	vld [tilespmem:s3+$0x10040]  }
0x87: {  	v48 =	vld [tilespmem:s3+$0x18000];
	v6 =	vsub.f32 v6, v7;
	v7 =	vsub.f32 v8, v9  }
0x88: {  	v49 =	vld [tilespmem:s3+$0x4050];
	v4 =	vsub.f32 v4, v5;
	v5 =	vshll.u32 v10, $0x4  }
0x89: {  	v8 =	vld [tilespmem:s3+$0x10];
	v10 =	vor.u32 v0, v5;
	v6 =	vand.u32 $0x7FFFFFFF, v6;
	v7 =	vand.u32 $0x7FFFFFFF, v7  }
0x8a: {  	v9 =	vld [tilespmem:s3+$0xC010];
	v6 =	vadd.f32 v7, v6  }
0x8b: {  	v11 =	vsub.f32 v11, v12;
	v12 =	vsub.f32 v13, v14;
	v13 =	vld [tilespmem:s3+$0xE060];
	v4 =	vand.u32 $0x7FFFFFFF, v4  }
0x8c: {  	v14 =	vld [tilespmem:s3+$0x4000];
	v4 =	vadd.f32 v4, v6  }
0x8d: {  	v6 =	vld [tilespmem:s3+$0xC020]  }
0x8e: {  	[tilespmem:v10+s1+$0x0] =	vst.idx.add.f32.msk $0xffff, v4  }
0x8f: {  	v39 =	vsub.f32 v19, v20;
	v41 =	vsub.f32 v21, v22;
	v4 =	vld [tilespmem:s3+$0x2020]  }
0x90: {  	v44 =	vsub.f32 v25, v26;
	v45 =	vsub.f32 v27, v28;
	v54 =	vshll.u32 v48, $0x4;
	v10 =	vld [tilespmem:s3+$0xE020]  }
0x91: {  	v47 =	vsub.f32 v29, v30;
	v5 =	vadd.s32 v2, v5;
	v55 =	vor.u32 v0, v54;
	v7 =	vld [tilespmem:s3+$0xE010]  }
0x92: {  	v11 =	vand.u32 $0x7FFFFFFF, v11;
	v12 =	vand.u32 $0x7FFFFFFF, v12;
	v8 =	vsub.f32 v8, v9;
	v9 =	vld [tilespmem:s3+$0x10000]  }
0x93: {  	v51 =	vld [tilespmem:s3+$0x10050];
	v21 =	vand.u32 $0x7FFFFFFF, v44;
	v22 =	vand.u32 $0x7FFFFFFF, v45;
	v11 =	vadd.f32 v12, v11  }
0x94: {  	v52 =	vand.u32 $0x7FFFFFFF, v47;
	v12 =	vld [tilespmem:s3+$0x4010];
	v50 =	vadd.f32 v22, v21;
	v13 =	vsub.f32 v31, v13  }
0x95: {  	v8 =	vand.u32 $0x7FFFFFFF, v8;
	v6 =	vsub.f32 v16, v6;
	v4 =	vsub.f32 v4, v10;
	v10 =	vld [tilespmem:s3+$0x10010]  }
0x96: {  	v53 =	vld [tilespmem:s3+$0x18020];
	v13 =	vand.u32 $0x7FFFFFFF, v13;
	v7 =	vsub.f32 v15, v7;
	v15 =	vsub.f32 v17, v18  }
0x97: {  	[tilespmem:v5+s1+$0x0] =	vst.idx.add.f32.msk $0xffff, v3;
	v9 =	vsub.f32 v14, v9;
	v6 =	vand.u32 $0x7FFFFFFF, v6;
	v4 =	vand.u32 $0x7FFFFFFF, v4  }
0x98: {  	v17 =	vand.u32 $0x7FFFFFFF, v41;
	v13 =	vadd.f32 v13, v52;
	v4 =	vadd.f32 v4, v6;
	v6 =	vld [tilespmem:s3+$0x4030]  }
0x99: {  	v5 =	vadd.s32 v2, v54;
	v14 =	vld [tilespmem:s3+$0x18010];
	v16 =	vsub.f32 v38, v40;
	v9 =	vand.u32 $0x7FFFFFFF, v9  }
0x9a: {  	v7 =	vand.u32 $0x7FFFFFFF, v7;
	v9 =	vadd.f32 v9, v11;
	v11 =	vld [tilespmem:s3+$0x10060];
	v10 =	vsub.f32 v12, v10  }
0x9b: {  	v7 =	vadd.f32 v7, v8;
	v8 =	vand.u32 $0x7FFFFFFF, v15;
	v15 =	vand.u32 $0x7FFFFFFF, v39;
	v12 =	vld [tilespmem:s3+$0x4060]  }
0x9c: {  	v56 =	vld [tilespmem:s3+$0x18030];
	v8 =	vadd.f32 v15, v8;
	v15 =	vsub.f32 v23, v24;
	v10 =	vand.u32 $0x7FFFFFFF, v10  }
0x9d: {  	v7 =	vadd.f32 v10, v7;
	v10 =	vand.u32 $0x7FFFFFFF, v16;
	v6 =	vsub.f32 v6, v42  }
0x9e: {  	v15 =	vand.u32 $0x7FFFFFFF, v15;
	v57 =	vadd.f32 v10, v4;
	v4 =	vshll.u32 v14, $0x4  }
0x9f: {  	v61 =	vld [tilespmem:s3+$0x18060];
	v10 =	vsub.f32 v43, v46;
	v6 =	vand.u32 $0x7FFFFFFF, v6;
	v58 =	vor.u32 v0, v4  }
0xa0: {  	v14 =	vld [tilespmem:s3+$0x18040];
	v60 =	vadd.s32 v2, v4;
	v4 =	vsub.f32 v49, v51;
	v11 =	vsub.f32 v12, v11  }
0xa1: {  	[tilespmem:v55+s1+$0x0] =	vst.idx.add.f32.msk $0xffff, v9;
	v12 =	vshll.u32 v56, $0x4;
	v59 =	vadd.f32 v6, v8;
	v8 =	vshll.u32 v53, $0x4  }
0xa2: {  	v15 =	vadd.f32 v15, v17;
	v6 =	vld [tilespmem:s3+$0x18050];
	v63 =	vor.u32 v0, v12;
	v9 =	vor.u32 v0, v8  }
0xa3: {  	v62 =	vadd.s32 v2, v8;
	v8 =	vand.u32 $0x7FFFFFFF, v10;
	v4 =	vand.u32 $0x7FFFFFFF, v4  }
0xa4: {  	[tilespmem:v5+s1+$0x0] =	vst.idx.add.f32.msk $0xffff, v3;
	v10 =	vadd.f32 v8, v15;
	v5 =	vadd.f32 v4, v50  }
0xa5: {  	v4 =	vand.u32 $0x7FFFFFFF, v11;
	v11 =	vadd.s32 v2, v12;
	[tilespmem:v58+s1+$0x0] =	vst.idx.add.f32.msk $0xffff, v7;
	v7 =	vshll.u32 v14, $0x4  }
0xa6: {  	v4 =	vadd.f32 v4, v13;
	[tilespmem:v60+s1+$0x0] =	vst.idx.add.f32.msk $0xffff, v3;
	v13 =	vor.u32 v0, v7  }
0xa7: {  	v14 =	vshll.u32 v61, $0x4;
	v6 =	vshll.u32 v6, $0x4;
	v12 =	vadd.s32 v2, v7;
	[tilespmem:v63+s1+$0x0] =	vst.idx.add.f32.msk $0xffff, v59  }
0xa8: {  	s4 =	simm.s32 $0x400;
	v7 =	vor.u32 v0, v14;
	[tilespmem:v9+s1+$0x0] =	vst.idx.add.f32.msk $0xffff, v57;
	v9 =	vor.u32 v0, v6  }
0xa9: {  	s5 =	simm.s32 $0x80;
	s6 =	simm.s32 $0x0;
	s3 =	simm.s32 $0x0;
	v8 =	vadd.s32 v2, v6;
	v6 =	vadd.s32 v2, v14;
	[tilespmem:v62+s1+$0x0] =	vst.idx.add.f32.msk $0xffff, v3  }
.LBB2_2:
0xaa: {  	s7 =	sand.u32 $0x1000, s5;
	s8 =	sand.u32 $0xC00, s4;
	[tilespmem:v11+s1+$0x0] =	vst.idx.add.f32.msk $0xffff, v3;
	s6 =	sadd.s32 $0x20, s6  }
0xab: {  	s7 =	sor.u32 s8, s7;
	s8 =	sand.u32 $0x380, s6;
	[tilespmem:v13+s1+$0x0] =	vst.idx.add.f32.msk $0xffff, v10  }
0xac: {  	s7 =	sor.u32 s8, s7;
	[tilespmem:v12+s1+$0x0] =	vst.idx.add.f32.msk $0xffff, v3  }
0xad: {  	v10 =	vld [tilespmem:s7+$0x4070]  }
0xae: {  	v11 =	vld [tilespmem:s7+$0x10070]  }
0xaf: {  	v12 =	vld [tilespmem:s7+$0x70]  }
0xb0: {  	s3 =	sadd.s32 $0x8, s3;
	v13 =	vld [tilespmem:s7+$0xC070]  }
0xb1: {  	p0 =	slt.u32 s3, $0x1F8;
	v14 =	vld [tilespmem:s7+$0x2070]  }
0xb2: {  	v15 =	vld [tilespmem:s7+$0xE070]  }
0xb3: {  	v16 =	vld [tilespmem:s7+$0x18070]  }
0xb4: {  	v17 =	vld [tilespmem:s7+$0x0]  }
0xb5: {  	v18 =	vld [tilespmem:s7+$0xC000]  }
0xb6: {  	v19 =	vld [tilespmem:s7+$0x2000]  }
0xb7: {  	v12 =	vsub.f32 v12, v13;
	v20 =	vld [tilespmem:s7+$0xE000];
	v13 =	vsub.f32 v14, v15  }
0xb8: {  	v10 =	vsub.f32 v10, v11;
	v14 =	vld [tilespmem:s7+$0x10];
	v11 =	vshll.u32 v16, $0x4  }
0xb9: {  	v12 =	vand.u32 $0x7FFFFFFF, v12;
	v15 =	vld [tilespmem:s7+$0xC010];
	v13 =	vand.u32 $0x7FFFFFFF, v13;
	v16 =	vor.u32 v0, v11  }
0xba: {  	v11 =	vadd.s32 v2, v11;
	v17 =	vsub.f32 v17, v18;
	v18 =	vld [tilespmem:s7+$0x2010];
	v12 =	vadd.f32 v13, v12  }
0xbb: {  	v10 =	vand.u32 $0x7FFFFFFF, v10;
	v13 =	vld [tilespmem:s7+$0xE010]  }
0xbc: {  	v17 =	vand.u32 $0x7FFFFFFF, v17;
	v19 =	vsub.f32 v19, v20;
	v20 =	vld [tilespmem:s7+$0x20];
	v10 =	vadd.f32 v10, v12  }
0xbd: {  	v12 =	vld [tilespmem:s7+$0xC020]  }
0xbe: {  	v19 =	vand.u32 $0x7FFFFFFF, v19;
	v14 =	vsub.f32 v14, v15;
	[tilespmem:v16+s1+$0x0] =	vst.idx.add.f32.msk $0xffff, v10  }
0xbf: {  	v10 =	vadd.f32 v19, v17;
	[tilespmem:v11+s1+$0x0] =	vst.idx.add.f32.msk $0xffff, v3  }
0xc0: {  	v11 =	vand.u32 $0x7FFFFFFF, v14;
	v13 =	vsub.f32 v18, v13;
	v14 =	vld [tilespmem:s7+$0x2020]  }
0xc1: {  	v15 =	vld [tilespmem:s7+$0xE020]  }
0xc2: {  	v13 =	vand.u32 $0x7FFFFFFF, v13;
	v12 =	vsub.f32 v20, v12;
	v16 =	vld [tilespmem:s7+$0x30]  }
0xc3: {  	v11 =	vadd.f32 v13, v11;
	v13 =	vld [tilespmem:s7+$0xC030]  }
0xc4: {  	v12 =	vand.u32 $0x7FFFFFFF, v12;
	v17 =	vld [tilespmem:s7+$0x2030]  }
0xc5: {  	v18 =	vld [tilespmem:s7+$0xE030]  }
0xc6: {  	v14 =	vsub.f32 v14, v15;
	v15 =	vld [tilespmem:s7+$0x40]  }
0xc7: {  	v19 =	vld [tilespmem:s7+$0xC040]  }
0xc8: {  	v14 =	vand.u32 $0x7FFFFFFF, v14;
	v13 =	vsub.f32 v16, v13;
	v16 =	vld [tilespmem:s7+$0x2040]  }
0xc9: {  	v12 =	vadd.f32 v14, v12;
	v14 =	vld [tilespmem:s7+$0xE040]  }
0xca: {  	v13 =	vand.u32 $0x7FFFFFFF, v13;
	v17 =	vsub.f32 v17, v18;
	v18 =	vld [tilespmem:s7+$0x50]  }
0xcb: {  	v20 =	vld [tilespmem:s7+$0xC050]  }
0xcc: {  	v17 =	vand.u32 $0x7FFFFFFF, v17;
	v15 =	vsub.f32 v15, v19;
	v19 =	vld [tilespmem:s7+$0x2050]  }
0xcd: {  	v13 =	vadd.f32 v17, v13;
	v17 =	vld [tilespmem:s7+$0xE050]  }
0xce: {  	v15 =	vand.u32 $0x7FFFFFFF, v15;
	v14 =	vsub.f32 v16, v14;
	v16 =	vld [tilespmem:s7+$0x60]  }
0xcf: {  	v21 =	vld [tilespmem:s7+$0xC060]  }
0xd0: {  	v14 =	vand.u32 $0x7FFFFFFF, v14;
	v18 =	vsub.f32 v18, v20;
	v20 =	vld [tilespmem:s7+$0x2060]  }
0xd1: {  	v14 =	vadd.f32 v14, v15;
	v15 =	vld [tilespmem:s7+$0xE060]  }
0xd2: {  	v22 =	vld [tilespmem:s7+$0x4000];
	v18 =	vand.u32 $0x7FFFFFFF, v18;
	v17 =	vsub.f32 v19, v17  }
0xd3: {  	v19 =	vld [tilespmem:s7+$0x10000]  }
0xd4: {  	v23 =	vld [tilespmem:s7+$0x4010];
	v17 =	vand.u32 $0x7FFFFFFF, v17;
	v16 =	vsub.f32 v16, v21  }
0xd5: {  	v21 =	vld [tilespmem:s7+$0x10010];
	v17 =	vadd.f32 v17, v18  }
0xd6: {  	v18 =	vld [tilespmem:s7+$0x4020];
	v16 =	vand.u32 $0x7FFFFFFF, v16;
	v15 =	vsub.f32 v20, v15  }
0xd7: {  	v20 =	vld [tilespmem:s7+$0x10020]  }
0xd8: {  	v19 =	vsub.f32 v22, v19;
	v22 =	vld [tilespmem:s7+$0x4030];
	v15 =	vand.u32 $0x7FFFFFFF, v15  }
0xd9: {  	v24 =	vld [tilespmem:s7+$0x10030];
	v15 =	vadd.f32 v15, v16  }
0xda: {  	v16 =	vand.u32 $0x7FFFFFFF, v19;
	v19 =	vsub.f32 v23, v21;
	v21 =	vld [tilespmem:s7+$0x4040]  }
0xdb: {  	v16 =	vadd.f32 v16, v10;
	v10 =	vld [tilespmem:s7+$0x10040]  }
0xdc: {  	v19 =	vand.u32 $0x7FFFFFFF, v19;
	v18 =	vsub.f32 v18, v20;
	v20 =	vld [tilespmem:s7+$0x4050]  }
0xdd: {  	v19 =	vadd.f32 v19, v11;
	v11 =	vld [tilespmem:s7+$0x10050]  }
0xde: {  	v18 =	vand.u32 $0x7FFFFFFF, v18;
	v22 =	vsub.f32 v22, v24;
	v23 =	vld [tilespmem:s7+$0x4060]  }
0xdf: {  	v18 =	vadd.f32 v18, v12;
	v12 =	vld [tilespmem:s7+$0x10060]  }
0xe0: {  	v24 =	vld [tilespmem:s7+$0x18000];
	v22 =	vand.u32 $0x7FFFFFFF, v22;
	v10 =	vsub.f32 v21, v10  }
0xe1: {  	v21 =	vld [tilespmem:s7+$0x18010];
	v22 =	vadd.f32 v22, v13  }
0xe2: {  	v13 =	vld [tilespmem:s7+$0x18020];
	v10 =	vand.u32 $0x7FFFFFFF, v10;
	v11 =	vsub.f32 v20, v11  }
0xe3: {  	v20 =	vld [tilespmem:s7+$0x18030];
	v10 =	vadd.f32 v10, v14  }
0xe4: {  	v14 =	vld [tilespmem:s7+$0x18040];
	v11 =	vand.u32 $0x7FFFFFFF, v11;
	v12 =	vsub.f32 v23, v12  }
0xe5: {  	v23 =	vshll.u32 v24, $0x4;
	v17 =	vadd.f32 v11, v17;
	v24 =	vld [tilespmem:s7+$0x18050]  }
0xe6: {  	v25 =	vor.u32 v0, v23;
	v11 =	vshll.u32 v21, $0x4;
	v12 =	vand.u32 $0x7FFFFFFF, v12;
	v21 =	vld [tilespmem:s7+$0x18060]  }
0xe7: {  	v23 =	vadd.s32 v2, v23;
	v13 =	vshll.u32 v13, $0x4;
	v15 =	vadd.f32 v12, v15;
	[tilespmem:v9+s1+$0x0] =	vst.idx.add.f32.msk $0xffff, v5  }
0xe8: {  	v26 =	vor.u32 v0, v11;
	v27 =	vadd.s32 v2, v11;
	v5 =	vshll.u32 v20, $0x4;
	[tilespmem:v8+s1+$0x0] =	vst.idx.add.f32.msk $0xffff, v3  }
0xe9: {  	v20 =	vor.u32 v0, v13;
	v28 =	vadd.s32 v2, v13;
	v8 =	vshll.u32 v14, $0x4;
	[tilespmem:v7+s1+$0x0] =	vst.idx.add.f32.msk $0xffff, v4  }
0xea: {  	v14 =	vor.u32 v0, v5;
	v11 =	vadd.s32 v2, v5;
	v4 =	vshll.u32 v24, $0x4;
	[tilespmem:v6+s1+$0x0] =	vst.idx.add.f32.msk $0xffff, v3  }
0xeb: {  	v13 =	vor.u32 v0, v8;
	v12 =	vadd.s32 v2, v8;
	[tilespmem:v25+s1+$0x0] =	vst.idx.add.f32.msk $0xffff, v16;
	v6 =	vshll.u32 v21, $0x4  }
0xec: {  	v9 =	vor.u32 v0, v4;
	v8 =	vadd.s32 v2, v4;
	v5 =	vmovc v17;
	v7 =	vor.u32 v0, v6  }
0xed: {  	v6 =	vadd.s32 v2, v6;
	[tilespmem:v23+s1+$0x0] =	vst.idx.add.f32.msk $0xffff, v3;
	v4 =	vmov v15  }
.Ltmp0:
0xee: {  	[tilespmem:v26+s1+$0x0] =	vst.idx.add.f32.msk $0xffff, v19;
	(pc) =	sbr.rel @p0 .LBB2_2-.Ltmp0, $4  }
0xef: {  	[tilespmem:v27+s1+$0x0] =	vst.idx.add.f32.msk $0xffff, v3  }
0xf0: {  	[tilespmem:v20+s1+$0x0] =	vst.idx.add.f32.msk $0xffff, v18  }
0xf1: {  	[tilespmem:v28+s1+$0x0] =	vst.idx.add.f32.msk $0xffff, v3  }
0xf2: {  	s4 =	sadd.s32 $0x400, s4;
	s5 =	sadd.s32 $0x80, s5;
	[tilespmem:v14+s1+$0x0] =	vst.idx.add.f32.msk $0xffff, v22  }
0xf3: {  	_ =	sdelay $0x3  }
0xf4: {  	[tilespmem:v11+s1+$0x0] =	vst.idx.add.f32.msk $0xffff, v3  }
0xf5: {  	[tilespmem:v13+s1+$0x0] =	vst.idx.add.f32.msk $0xffff, v10  }
0xf6: {  	[tilespmem:v9+s1+$0x0] =	vst.idx.add.f32.msk $0xffff, v5  }
0xf7: {  	[tilespmem:v7+s1+$0x0] =	vst.idx.add.f32.msk $0xffff, v4  }
0xf8: {  	[tilespmem:v12+s1+$0x0] =	vst.idx.add.f32.msk $0xffff, v3  }
0xf9: {  	[tilespmem:v8+s1+$0x0] =	vst.idx.add.f32.msk $0xffff, v3  }
0xfa: {  	[tilespmem:v6+s1+$0x0] =	vst.idx.add.f32.msk $0xffff, v3  }
0xfb: {  	s3 =	simm.s32 $0x0;
	s4 =	rddreg [dreg:$0x9]  }
0xfc: {  	[tilespmem:s3], [sflag:$0x1] =	stream.strided.gather [hbm4b:s4+s24], $0x6000, s25, s24, $0x38;
	[tilespmem:$0x1C300] =	vst v63  }
0xfd: {  	s6 =	rddreg [dreg:$0xa]  }
0xfe: {  	[tilespmem:s26], [sflag:$0x1] =	stream.strided.gather [hbm4b:s6+s24], $0x6000, s25, s24, $0x38;
	[tilespmem:$0x1C300] =	vst v63  }
0xff: {  	_ = 	snop  }
0x100: {  	[tilespmem:s28], [sflag:$0x1] =	stream.linear.gather [hbm4b:s18+s3], $0x2000, $0x38;
	[tilespmem:$0x1C300] =	vst v63  }
0x101: {  	_ =	swait.ge [sflag:s15], $0x6000  }
0x102: {  	[sflag:s15] =	ssyncset.done $0x0  }
0x103: {  	[sflag:s15] =	ssyncadd.s32 $0xFFFFA000  }
0x104: {  	_ =	swait.ge [sflag:s15], $0x6000  }
0x105: {  	[sflag:s15] =	ssyncset.done $0x0  }
0x106: {  	[sflag:s15] =	ssyncadd.s32 $0xFFFFA000  }
0x107: {  	s7 =	sand.u32 $0x1000, s3;
	s5 =	sand.u32 $0xC00, s3;
	_ =	swait.ge [sflag:s15], $0x2000  }
0x108: {  	s8 =	sand.u32 $0x380, s3;
	s4 =	sor.u32 s5, s7;
	[sflag:s15] =	ssyncset.done $0x0  }
0x109: {  	s4 =	sor.u32 s8, s4;
	[sflag:s15] =	ssyncadd.s32 $0xFFFFE000  }
0x10a: {  	v4 =	vld [tilespmem:s4+$0xA070]  }
0x10b: {  	v5 =	vld [tilespmem:s4+$0x16070]  }
0x10c: {  	v6 =	vld [tilespmem:s4+$0x6070]  }
0x10d: {  	v7 =	vld [tilespmem:s4+$0x12070]  }
0x10e: {  	v8 =	vld [tilespmem:s4+$0x8070]  }
0x10f: {  	v9 =	vld [tilespmem:s4+$0x14070]  }
0x110: {  	v10 =	vld [tilespmem:s4+$0x1A070]  }
0x111: {  	v11 =	vld [tilespmem:s4+$0x6000]  }
0x112: {  	v12 =	vld [tilespmem:s4+$0x12000]  }
0x113: {  	v13 =	vld [tilespmem:s4+$0x8000]  }
0x114: {  	v14 =	vld [tilespmem:s4+$0x14000]  }
0x115: {  	v15 =	vld [tilespmem:s4+$0x8010]  }
0x116: {  	v16 =	vld [tilespmem:s4+$0x6020]  }
0x117: {  	v17 =	vld [tilespmem:s4+$0x6030]  }
0x118: {  	v18 =	vld [tilespmem:s4+$0x12030]  }
0x119: {  	v19 =	vld [tilespmem:s4+$0x8030]  }
0x11a: {  	v20 =	vld [tilespmem:s4+$0x14030]  }
0x11b: {  	v21 =	vld [tilespmem:s4+$0x6040]  }
0x11c: {  	v22 =	vld [tilespmem:s4+$0x12040]  }
0x11d: {  	v23 =	vld [tilespmem:s4+$0x8040]  }
0x11e: {  	v24 =	vld [tilespmem:s4+$0x14040]  }
0x11f: {  	v25 =	vld [tilespmem:s4+$0x6050]  }
0x120: {  	v26 =	vld [tilespmem:s4+$0x12050]  }
0x121: {  	v27 =	vld [tilespmem:s4+$0x8050]  }
0x122: {  	v28 =	vld [tilespmem:s4+$0x14050]  }
0x123: {  	v29 =	vld [tilespmem:s4+$0x6060]  }
0x124: {  	v30 =	vld [tilespmem:s4+$0x12060]  }
0x125: {  	v31 =	vld [tilespmem:s4+$0x8060]  }
0x126: {  	v38 =	vld [tilespmem:s4+$0xA020]  }
0x127: {  	v40 =	vld [tilespmem:s4+$0x16020]  }
0x128: {  	v42 =	vld [tilespmem:s4+$0x16030]  }
0x129: {  	v43 =	vld [tilespmem:s4+$0xA040]  }
0x12a: {  	v46 =	vld [tilespmem:s4+$0x16040]  }
0x12b: {  	v48 =	vld [tilespmem:s4+$0x1A000];
	v6 =	vsub.f32 v6, v7;
	v7 =	vsub.f32 v8, v9  }
0x12c: {  	v49 =	vld [tilespmem:s4+$0xA050];
	v4 =	vsub.f32 v4, v5;
	v5 =	vshll.u32 v10, $0x4  }
0x12d: {  	v8 =	vld [tilespmem:s4+$0x6010];
	v10 =	vor.u32 v0, v5;
	v6 =	vand.u32 $0x7FFFFFFF, v6;
	v7 =	vand.u32 $0x7FFFFFFF, v7  }
0x12e: {  	v9 =	vld [tilespmem:s4+$0x12010];
	v6 =	vadd.f32 v7, v6  }
0x12f: {  	v11 =	vsub.f32 v11, v12;
	v12 =	vsub.f32 v13, v14;
	v13 =	vld [tilespmem:s4+$0x14060];
	v4 =	vand.u32 $0x7FFFFFFF, v4  }
0x130: {  	v14 =	vld [tilespmem:s4+$0xA000];
	v4 =	vadd.f32 v4, v6  }
0x131: {  	v6 =	vld [tilespmem:s4+$0x12020]  }
0x132: {  	[tilespmem:v10+s1+$0x0] =	vst.idx.add.f32.msk $0xffff, v4  }
0x133: {  	v39 =	vsub.f32 v19, v20;
	v41 =	vsub.f32 v21, v22;
	v4 =	vld [tilespmem:s4+$0x8020]  }
0x134: {  	v44 =	vsub.f32 v25, v26;
	v45 =	vsub.f32 v27, v28;
	v54 =	vshll.u32 v48, $0x4;
	v10 =	vld [tilespmem:s4+$0x14020]  }
0x135: {  	v47 =	vsub.f32 v29, v30;
	v5 =	vadd.s32 v2, v5;
	v55 =	vor.u32 v0, v54;
	v7 =	vld [tilespmem:s4+$0x14010]  }
0x136: {  	v11 =	vand.u32 $0x7FFFFFFF, v11;
	v12 =	vand.u32 $0x7FFFFFFF, v12;
	v8 =	vsub.f32 v8, v9;
	v9 =	vld [tilespmem:s4+$0x16000]  }
0x137: {  	v51 =	vld [tilespmem:s4+$0x16050];
	v21 =	vand.u32 $0x7FFFFFFF, v44;
	v22 =	vand.u32 $0x7FFFFFFF, v45;
	v11 =	vadd.f32 v12, v11  }
0x138: {  	v52 =	vand.u32 $0x7FFFFFFF, v47;
	v12 =	vld [tilespmem:s4+$0xA010];
	v50 =	vadd.f32 v22, v21;
	v13 =	vsub.f32 v31, v13  }
0x139: {  	v8 =	vand.u32 $0x7FFFFFFF, v8;
	v6 =	vsub.f32 v16, v6;
	v4 =	vsub.f32 v4, v10;
	v10 =	vld [tilespmem:s4+$0x16010]  }
0x13a: {  	v53 =	vld [tilespmem:s4+$0x1A020];
	v13 =	vand.u32 $0x7FFFFFFF, v13;
	v7 =	vsub.f32 v15, v7;
	v15 =	vsub.f32 v17, v18  }
0x13b: {  	[tilespmem:v5+s1+$0x0] =	vst.idx.add.f32.msk $0xffff, v3;
	v9 =	vsub.f32 v14, v9;
	v6 =	vand.u32 $0x7FFFFFFF, v6;
	v4 =	vand.u32 $0x7FFFFFFF, v4  }
0x13c: {  	v17 =	vand.u32 $0x7FFFFFFF, v41;
	v13 =	vadd.f32 v13, v52;
	v4 =	vadd.f32 v4, v6;
	v6 =	vld [tilespmem:s4+$0xA030]  }
0x13d: {  	v5 =	vadd.s32 v2, v54;
	v14 =	vld [tilespmem:s4+$0x1A010];
	v16 =	vsub.f32 v38, v40;
	v9 =	vand.u32 $0x7FFFFFFF, v9  }
0x13e: {  	v7 =	vand.u32 $0x7FFFFFFF, v7;
	v9 =	vadd.f32 v9, v11;
	v11 =	vld [tilespmem:s4+$0x16060];
	v10 =	vsub.f32 v12, v10  }
0x13f: {  	v7 =	vadd.f32 v7, v8;
	v8 =	vand.u32 $0x7FFFFFFF, v15;
	v15 =	vand.u32 $0x7FFFFFFF, v39;
	v12 =	vld [tilespmem:s4+$0xA060]  }
0x140: {  	v56 =	vld [tilespmem:s4+$0x1A030];
	v8 =	vadd.f32 v15, v8;
	v15 =	vsub.f32 v23, v24;
	v10 =	vand.u32 $0x7FFFFFFF, v10  }
0x141: {  	v7 =	vadd.f32 v10, v7;
	v10 =	vand.u32 $0x7FFFFFFF, v16;
	v6 =	vsub.f32 v6, v42  }
0x142: {  	v15 =	vand.u32 $0x7FFFFFFF, v15;
	v57 =	vadd.f32 v10, v4;
	v4 =	vshll.u32 v14, $0x4  }
0x143: {  	v61 =	vld [tilespmem:s4+$0x1A060];
	v10 =	vsub.f32 v43, v46;
	v6 =	vand.u32 $0x7FFFFFFF, v6;
	v58 =	vor.u32 v0, v4  }
0x144: {  	v14 =	vld [tilespmem:s4+$0x1A040];
	v60 =	vadd.s32 v2, v4;
	v4 =	vsub.f32 v49, v51;
	v11 =	vsub.f32 v12, v11  }
0x145: {  	[tilespmem:v55+s1+$0x0] =	vst.idx.add.f32.msk $0xffff, v9;
	v12 =	vshll.u32 v56, $0x4;
	v59 =	vadd.f32 v6, v8;
	v8 =	vshll.u32 v53, $0x4  }
0x146: {  	v15 =	vadd.f32 v15, v17;
	v6 =	vld [tilespmem:s4+$0x1A050];
	v63 =	vor.u32 v0, v12;
	v9 =	vor.u32 v0, v8  }
0x147: {  	v62 =	vadd.s32 v2, v8;
	v8 =	vand.u32 $0x7FFFFFFF, v10;
	v4 =	vand.u32 $0x7FFFFFFF, v4  }
0x148: {  	[tilespmem:v5+s1+$0x0] =	vst.idx.add.f32.msk $0xffff, v3;
	v10 =	vadd.f32 v8, v15;
	v5 =	vadd.f32 v4, v50  }
0x149: {  	v4 =	vand.u32 $0x7FFFFFFF, v11;
	v11 =	vadd.s32 v2, v12;
	[tilespmem:v58+s1+$0x0] =	vst.idx.add.f32.msk $0xffff, v7;
	v7 =	vshll.u32 v14, $0x4  }
0x14a: {  	v4 =	vadd.f32 v4, v13;
	[tilespmem:v60+s1+$0x0] =	vst.idx.add.f32.msk $0xffff, v3;
	v13 =	vor.u32 v0, v7  }
0x14b: {  	v14 =	vshll.u32 v61, $0x4;
	v6 =	vshll.u32 v6, $0x4;
	v12 =	vadd.s32 v2, v7;
	[tilespmem:v63+s1+$0x0] =	vst.idx.add.f32.msk $0xffff, v59  }
0x14c: {  	v7 =	vor.u32 v0, v14;
	[tilespmem:v9+s1+$0x0] =	vst.idx.add.f32.msk $0xffff, v57;
	v9 =	vor.u32 v0, v6  }
0x14d: {  	s5 =	simm.s32 $0x400;
	s6 =	simm.s32 $0x80;
	s4 =	simm.s32 $0x0;
	v8 =	vadd.s32 v2, v6;
	v6 =	vadd.s32 v2, v14;
	[tilespmem:v62+s1+$0x0] =	vst.idx.add.f32.msk $0xffff, v3  }
.LBB2_4:
0x14e: {  	s7 =	sand.u32 $0x1000, s6;
	s8 =	sand.u32 $0xC00, s5;
	[tilespmem:v11+s1+$0x0] =	vst.idx.add.f32.msk $0xffff, v3;
	s3 =	sadd.s32 $0x20, s3  }
0x14f: {  	s7 =	sor.u32 s8, s7;
	s8 =	sand.u32 $0x380, s3;
	[tilespmem:v13+s1+$0x0] =	vst.idx.add.f32.msk $0xffff, v10  }
0x150: {  	s7 =	sor.u32 s8, s7;
	[tilespmem:v12+s1+$0x0] =	vst.idx.add.f32.msk $0xffff, v3  }
0x151: {  	v10 =	vld [tilespmem:s7+$0xA070]  }
0x152: {  	v11 =	vld [tilespmem:s7+$0x16070]  }
0x153: {  	v12 =	vld [tilespmem:s7+$0x6070]  }
0x154: {  	s4 =	sadd.s32 $0x8, s4;
	v13 =	vld [tilespmem:s7+$0x12070]  }
0x155: {  	p0 =	slt.u32 s4, $0x1F8;
	v14 =	vld [tilespmem:s7+$0x8070]  }
0x156: {  	v15 =	vld [tilespmem:s7+$0x14070]  }
0x157: {  	v16 =	vld [tilespmem:s7+$0x1A070]  }
0x158: {  	v17 =	vld [tilespmem:s7+$0x6000]  }
0x159: {  	v18 =	vld [tilespmem:s7+$0x12000]  }
0x15a: {  	v19 =	vld [tilespmem:s7+$0x8000]  }
0x15b: {  	v12 =	vsub.f32 v12, v13;
	v20 =	vld [tilespmem:s7+$0x14000];
	v13 =	vsub.f32 v14, v15  }
0x15c: {  	v10 =	vsub.f32 v10, v11;
	v14 =	vld [tilespmem:s7+$0x6010];
	v11 =	vshll.u32 v16, $0x4  }
0x15d: {  	v12 =	vand.u32 $0x7FFFFFFF, v12;
	v15 =	vld [tilespmem:s7+$0x12010];
	v13 =	vand.u32 $0x7FFFFFFF, v13;
	v16 =	vor.u32 v0, v11  }
0x15e: {  	v11 =	vadd.s32 v2, v11;
	v17 =	vsub.f32 v17, v18;
	v18 =	vld [tilespmem:s7+$0x8010];
	v12 =	vadd.f32 v13, v12  }
0x15f: {  	v10 =	vand.u32 $0x7FFFFFFF, v10;
	v13 =	vld [tilespmem:s7+$0x14010]  }
0x160: {  	v17 =	vand.u32 $0x7FFFFFFF, v17;
	v19 =	vsub.f32 v19, v20;
	v20 =	vld [tilespmem:s7+$0x6020];
	v10 =	vadd.f32 v10, v12  }
0x161: {  	v12 =	vld [tilespmem:s7+$0x12020]  }
0x162: {  	v19 =	vand.u32 $0x7FFFFFFF, v19;
	v14 =	vsub.f32 v14, v15;
	[tilespmem:v16+s1+$0x0] =	vst.idx.add.f32.msk $0xffff, v10  }
0x163: {  	v10 =	vadd.f32 v19, v17;
	[tilespmem:v11+s1+$0x0] =	vst.idx.add.f32.msk $0xffff, v3  }
0x164: {  	v11 =	vand.u32 $0x7FFFFFFF, v14;
	v13 =	vsub.f32 v18, v13;
	v14 =	vld [tilespmem:s7+$0x8020]  }
0x165: {  	v15 =	vld [tilespmem:s7+$0x14020]  }
0x166: {  	v13 =	vand.u32 $0x7FFFFFFF, v13;
	v12 =	vsub.f32 v20, v12;
	v16 =	vld [tilespmem:s7+$0x6030]  }
0x167: {  	v11 =	vadd.f32 v13, v11;
	v13 =	vld [tilespmem:s7+$0x12030]  }
0x168: {  	v12 =	vand.u32 $0x7FFFFFFF, v12;
	v17 =	vld [tilespmem:s7+$0x8030]  }
0x169: {  	v18 =	vld [tilespmem:s7+$0x14030]  }
0x16a: {  	v14 =	vsub.f32 v14, v15;
	v15 =	vld [tilespmem:s7+$0x6040]  }
0x16b: {  	v19 =	vld [tilespmem:s7+$0x12040]  }
0x16c: {  	v14 =	vand.u32 $0x7FFFFFFF, v14;
	v13 =	vsub.f32 v16, v13;
	v16 =	vld [tilespmem:s7+$0x8040]  }
0x16d: {  	v12 =	vadd.f32 v14, v12;
	v14 =	vld [tilespmem:s7+$0x14040]  }
0x16e: {  	v13 =	vand.u32 $0x7FFFFFFF, v13;
	v17 =	vsub.f32 v17, v18;
	v18 =	vld [tilespmem:s7+$0x6050]  }
0x16f: {  	v20 =	vld [tilespmem:s7+$0x12050]  }
0x170: {  	v17 =	vand.u32 $0x7FFFFFFF, v17;
	v15 =	vsub.f32 v15, v19;
	v19 =	vld [tilespmem:s7+$0x8050]  }
0x171: {  	v13 =	vadd.f32 v17, v13;
	v17 =	vld [tilespmem:s7+$0x14050]  }
0x172: {  	v15 =	vand.u32 $0x7FFFFFFF, v15;
	v14 =	vsub.f32 v16, v14;
	v16 =	vld [tilespmem:s7+$0x6060]  }
0x173: {  	v21 =	vld [tilespmem:s7+$0x12060]  }
0x174: {  	v14 =	vand.u32 $0x7FFFFFFF, v14;
	v18 =	vsub.f32 v18, v20;
	v20 =	vld [tilespmem:s7+$0x8060]  }
0x175: {  	v14 =	vadd.f32 v14, v15;
	v15 =	vld [tilespmem:s7+$0x14060]  }
0x176: {  	v22 =	vld [tilespmem:s7+$0xA000];
	v18 =	vand.u32 $0x7FFFFFFF, v18;
	v17 =	vsub.f32 v19, v17  }
0x177: {  	v19 =	vld [tilespmem:s7+$0x16000]  }
0x178: {  	v23 =	vld [tilespmem:s7+$0xA010];
	v17 =	vand.u32 $0x7FFFFFFF, v17;
	v16 =	vsub.f32 v16, v21  }
0x179: {  	v21 =	vld [tilespmem:s7+$0x16010];
	v17 =	vadd.f32 v17, v18  }
0x17a: {  	v18 =	vld [tilespmem:s7+$0xA020];
	v16 =	vand.u32 $0x7FFFFFFF, v16;
	v15 =	vsub.f32 v20, v15  }
0x17b: {  	v20 =	vld [tilespmem:s7+$0x16020]  }
0x17c: {  	v19 =	vsub.f32 v22, v19;
	v22 =	vld [tilespmem:s7+$0xA030];
	v15 =	vand.u32 $0x7FFFFFFF, v15  }
0x17d: {  	v24 =	vld [tilespmem:s7+$0x16030];
	v15 =	vadd.f32 v15, v16  }
0x17e: {  	v16 =	vand.u32 $0x7FFFFFFF, v19;
	v19 =	vsub.f32 v23, v21;
	v21 =	vld [tilespmem:s7+$0xA040]  }
0x17f: {  	v16 =	vadd.f32 v16, v10;
	v10 =	vld [tilespmem:s7+$0x16040]  }
0x180: {  	v19 =	vand.u32 $0x7FFFFFFF, v19;
	v18 =	vsub.f32 v18, v20;
	v20 =	vld [tilespmem:s7+$0xA050]  }
0x181: {  	v19 =	vadd.f32 v19, v11;
	v11 =	vld [tilespmem:s7+$0x16050]  }
0x182: {  	v18 =	vand.u32 $0x7FFFFFFF, v18;
	v22 =	vsub.f32 v22, v24;
	v23 =	vld [tilespmem:s7+$0xA060]  }
0x183: {  	v18 =	vadd.f32 v18, v12;
	v12 =	vld [tilespmem:s7+$0x16060]  }
0x184: {  	v24 =	vld [tilespmem:s7+$0x1A000];
	v22 =	vand.u32 $0x7FFFFFFF, v22;
	v10 =	vsub.f32 v21, v10  }
0x185: {  	v21 =	vld [tilespmem:s7+$0x1A010];
	v22 =	vadd.f32 v22, v13  }
0x186: {  	v13 =	vld [tilespmem:s7+$0x1A020];
	v10 =	vand.u32 $0x7FFFFFFF, v10;
	v11 =	vsub.f32 v20, v11  }
0x187: {  	v20 =	vld [tilespmem:s7+$0x1A030];
	v10 =	vadd.f32 v10, v14  }
0x188: {  	v14 =	vld [tilespmem:s7+$0x1A040];
	v11 =	vand.u32 $0x7FFFFFFF, v11;
	v12 =	vsub.f32 v23, v12  }
0x189: {  	v23 =	vshll.u32 v24, $0x4;
	v17 =	vadd.f32 v11, v17;
	v24 =	vld [tilespmem:s7+$0x1A050]  }
0x18a: {  	v25 =	vor.u32 v0, v23;
	v11 =	vshll.u32 v21, $0x4;
	v12 =	vand.u32 $0x7FFFFFFF, v12;
	v21 =	vld [tilespmem:s7+$0x1A060]  }
0x18b: {  	v23 =	vadd.s32 v2, v23;
	v13 =	vshll.u32 v13, $0x4;
	v15 =	vadd.f32 v12, v15;
	[tilespmem:v9+s1+$0x0] =	vst.idx.add.f32.msk $0xffff, v5  }
0x18c: {  	v26 =	vor.u32 v0, v11;
	v27 =	vadd.s32 v2, v11;
	v5 =	vshll.u32 v20, $0x4;
	[tilespmem:v8+s1+$0x0] =	vst.idx.add.f32.msk $0xffff, v3  }
0x18d: {  	v20 =	vor.u32 v0, v13;
	v28 =	vadd.s32 v2, v13;
	v8 =	vshll.u32 v14, $0x4;
	[tilespmem:v7+s1+$0x0] =	vst.idx.add.f32.msk $0xffff, v4  }
0x18e: {  	v14 =	vor.u32 v0, v5;
	v11 =	vadd.s32 v2, v5;
	v4 =	vshll.u32 v24, $0x4;
	[tilespmem:v6+s1+$0x0] =	vst.idx.add.f32.msk $0xffff, v3  }
0x18f: {  	v13 =	vor.u32 v0, v8;
	v12 =	vadd.s32 v2, v8;
	[tilespmem:v25+s1+$0x0] =	vst.idx.add.f32.msk $0xffff, v16;
	v6 =	vshll.u32 v21, $0x4  }
0x190: {  	v9 =	vor.u32 v0, v4;
	v8 =	vadd.s32 v2, v4;
	v5 =	vmovc v17;
	v7 =	vor.u32 v0, v6  }
0x191: {  	v6 =	vadd.s32 v2, v6;
	[tilespmem:v23+s1+$0x0] =	vst.idx.add.f32.msk $0xffff, v3;
	v4 =	vmov v15  }
.Ltmp1:
0x192: {  	[tilespmem:v26+s1+$0x0] =	vst.idx.add.f32.msk $0xffff, v19;
	(pc) =	sbr.rel @p0 .LBB2_4-.Ltmp1, $4  }
0x193: {  	[tilespmem:v27+s1+$0x0] =	vst.idx.add.f32.msk $0xffff, v3  }
0x194: {  	[tilespmem:v20+s1+$0x0] =	vst.idx.add.f32.msk $0xffff, v18  }
0x195: {  	[tilespmem:v28+s1+$0x0] =	vst.idx.add.f32.msk $0xffff, v3  }
0x196: {  	s5 =	sadd.s32 $0x400, s5;
	s6 =	sadd.s32 $0x80, s6;
	[tilespmem:v14+s1+$0x0] =	vst.idx.add.f32.msk $0xffff, v22  }
0x197: {  	_ =	sdelay $0x3  }
0x198: {  	[tilespmem:v11+s1+$0x0] =	vst.idx.add.f32.msk $0xffff, v3  }
0x199: {  	[tilespmem:v13+s1+$0x0] =	vst.idx.add.f32.msk $0xffff, v10  }
0x19a: {  	[tilespmem:v9+s1+$0x0] =	vst.idx.add.f32.msk $0xffff, v5  }
0x19b: {  	[tilespmem:v7+s1+$0x0] =	vst.idx.add.f32.msk $0xffff, v4  }
0x19c: {  	[tilespmem:v12+s1+$0x0] =	vst.idx.add.f32.msk $0xffff, v3  }
0x19d: {  	[tilespmem:v8+s1+$0x0] =	vst.idx.add.f32.msk $0xffff, v3  }
0x19e: {  	[tilespmem:v6+s1+$0x0] =	vst.idx.add.f32.msk $0xffff, v3  }
0x19f: {  	s3 =	rddreg [dreg:$0xb]  }
0x1a0: {  	[tilespmem:s29], [sflag:$0x1] =	stream.strided.gather [hbm4b:s3+s24], $0x6000, s25, s24, $0x38;
	[tilespmem:$0x1C300] =	vst v63  }
0x1a1: {  	_ = 	snop  }
0x1a2: {  	[tilespmem:s30], [sflag:$0x1] =	stream.strided.gather [hbm4b:s9+s24], $0x6000, s25, s24, $0x38;
	[tilespmem:$0x1C300] =	vst v63  }
0x1a3: {  	s3 =	simm.s32 $0x0  }
0x1a4: {  	[tilespmem:s31], [sflag:$0x1] =	stream.linear.gather [hbm4b:s19+s3], $0x2000, $0x38;
	[tilespmem:$0x1C300] =	vst v63  }
0x1a5: {  	_ =	swait.ge [sflag:s15], $0x6000  }
0x1a6: {  	[sflag:s15] =	ssyncset.done $0x0  }
0x1a7: {  	[sflag:s15] =	ssyncadd.s32 $0xFFFFA000  }
0x1a8: {  	_ =	swait.ge [sflag:s15], $0x6000  }
0x1a9: {  	[sflag:s15] =	ssyncset.done $0x0  }
0x1aa: {  	[sflag:s15] =	ssyncadd.s32 $0xFFFFA000  }
0x1ab: {  	s4 =	sand.u32 $0x1000, s3;
	s5 =	sand.u32 $0xC00, s3;
	_ =	swait.ge [sflag:s15], $0x2000  }
0x1ac: {  	s8 =	sand.u32 $0x380, s3;
	s4 =	sor.u32 s5, s4;
	[sflag:s15] =	ssyncset.done $0x0  }
0x1ad: {  	s4 =	sor.u32 s8, s4;
	[sflag:s15] =	ssyncadd.s32 $0xFFFFE000  }
0x1ae: {  	v4 =	vld [tilespmem:s4+$0x4070]  }
0x1af: {  	v5 =	vld [tilespmem:s4+$0x10070]  }
0x1b0: {  	v6 =	vld [tilespmem:s4+$0x70]  }
0x1b1: {  	v7 =	vld [tilespmem:s4+$0xC070]  }
0x1b2: {  	v8 =	vld [tilespmem:s4+$0x2070]  }
0x1b3: {  	v9 =	vld [tilespmem:s4+$0xE070]  }
0x1b4: {  	v10 =	vld [tilespmem:s4+$0x18070]  }
0x1b5: {  	v11 =	vld [tilespmem:s4+$0x0]  }
0x1b6: {  	v12 =	vld [tilespmem:s4+$0xC000]  }
0x1b7: {  	v13 =	vld [tilespmem:s4+$0x2000]  }
0x1b8: {  	v14 =	vld [tilespmem:s4+$0xE000]  }
0x1b9: {  	v15 =	vld [tilespmem:s4+$0x2010]  }
0x1ba: {  	v16 =	vld [tilespmem:s4+$0x20]  }
0x1bb: {  	v17 =	vld [tilespmem:s4+$0x30]  }
0x1bc: {  	v18 =	vld [tilespmem:s4+$0xC030]  }
0x1bd: {  	v19 =	vld [tilespmem:s4+$0x2030]  }
0x1be: {  	v20 =	vld [tilespmem:s4+$0xE030]  }
0x1bf: {  	v21 =	vld [tilespmem:s4+$0x40]  }
0x1c0: {  	v22 =	vld [tilespmem:s4+$0xC040]  }
0x1c1: {  	v23 =	vld [tilespmem:s4+$0x2040]  }
0x1c2: {  	v24 =	vld [tilespmem:s4+$0xE040]  }
0x1c3: {  	v25 =	vld [tilespmem:s4+$0x50]  }
0x1c4: {  	v26 =	vld [tilespmem:s4+$0xC050]  }
0x1c5: {  	v27 =	vld [tilespmem:s4+$0x2050]  }
0x1c6: {  	v28 =	vld [tilespmem:s4+$0xE050]  }
0x1c7: {  	v29 =	vld [tilespmem:s4+$0x60]  }
0x1c8: {  	v30 =	vld [tilespmem:s4+$0xC060]  }
0x1c9: {  	v31 =	vld [tilespmem:s4+$0x2060]  }
0x1ca: {  	v38 =	vld [tilespmem:s4+$0x4020]  }
0x1cb: {  	v40 =	vld [tilespmem:s4+$0x10020]  }
0x1cc: {  	v42 =	vld [tilespmem:s4+$0x10030]  }
0x1cd: {  	v43 =	vld [tilespmem:s4+$0x4040]  }
0x1ce: {  	v46 =	vld [tilespmem:s4+$0x10040]  }
0x1cf: {  	v48 =	vld [tilespmem:s4+$0x18000];
	v6 =	vsub.f32 v6, v7;
	v7 =	vsub.f32 v8, v9  }
0x1d0: {  	v49 =	vld [tilespmem:s4+$0x4050];
	v4 =	vsub.f32 v4, v5;
	v5 =	vshll.u32 v10, $0x4  }
0x1d1: {  	v8 =	vld [tilespmem:s4+$0x10];
	v10 =	vor.u32 v0, v5;
	v6 =	vand.u32 $0x7FFFFFFF, v6;
	v7 =	vand.u32 $0x7FFFFFFF, v7  }
0x1d2: {  	v9 =	vld [tilespmem:s4+$0xC010];
	v6 =	vadd.f32 v7, v6  }
0x1d3: {  	v11 =	vsub.f32 v11, v12;
	v12 =	vsub.f32 v13, v14;
	v13 =	vld [tilespmem:s4+$0xE060];
	v4 =	vand.u32 $0x7FFFFFFF, v4  }
0x1d4: {  	v14 =	vld [tilespmem:s4+$0x4000];
	v4 =	vadd.f32 v4, v6  }
0x1d5: {  	v6 =	vld [tilespmem:s4+$0xC020]  }
0x1d6: {  	[tilespmem:v10+s1+$0x0] =	vst.idx.add.f32.msk $0xffff, v4  }
0x1d7: {  	v39 =	vsub.f32 v19, v20;
	v41 =	vsub.f32 v21, v22;
	v4 =	vld [tilespmem:s4+$0x2020]  }
0x1d8: {  	v44 =	vsub.f32 v25, v26;
	v45 =	vsub.f32 v27, v28;
	v54 =	vshll.u32 v48, $0x4;
	v10 =	vld [tilespmem:s4+$0xE020]  }
0x1d9: {  	v47 =	vsub.f32 v29, v30;
	v5 =	vadd.s32 v2, v5;
	v55 =	vor.u32 v0, v54;
	v7 =	vld [tilespmem:s4+$0xE010]  }
0x1da: {  	v11 =	vand.u32 $0x7FFFFFFF, v11;
	v12 =	vand.u32 $0x7FFFFFFF, v12;
	v8 =	vsub.f32 v8, v9;
	v9 =	vld [tilespmem:s4+$0x10000]  }
0x1db: {  	v51 =	vld [tilespmem:s4+$0x10050];
	v21 =	vand.u32 $0x7FFFFFFF, v44;
	v22 =	vand.u32 $0x7FFFFFFF, v45;
	v11 =	vadd.f32 v12, v11  }
0x1dc: {  	v52 =	vand.u32 $0x7FFFFFFF, v47;
	v12 =	vld [tilespmem:s4+$0x4010];
	v50 =	vadd.f32 v22, v21;
	v13 =	vsub.f32 v31, v13  }
0x1dd: {  	v8 =	vand.u32 $0x7FFFFFFF, v8;
	v6 =	vsub.f32 v16, v6;
	v4 =	vsub.f32 v4, v10;
	v10 =	vld [tilespmem:s4+$0x10010]  }
0x1de: {  	v53 =	vld [tilespmem:s4+$0x18020];
	v13 =	vand.u32 $0x7FFFFFFF, v13;
	v7 =	vsub.f32 v15, v7;
	v15 =	vsub.f32 v17, v18  }
0x1df: {  	[tilespmem:v5+s1+$0x0] =	vst.idx.add.f32.msk $0xffff, v3;
	v9 =	vsub.f32 v14, v9;
	v6 =	vand.u32 $0x7FFFFFFF, v6;
	v4 =	vand.u32 $0x7FFFFFFF, v4  }
0x1e0: {  	v17 =	vand.u32 $0x7FFFFFFF, v41;
	v13 =	vadd.f32 v13, v52;
	v4 =	vadd.f32 v4, v6;
	v6 =	vld [tilespmem:s4+$0x4030]  }
0x1e1: {  	v5 =	vadd.s32 v2, v54;
	v14 =	vld [tilespmem:s4+$0x18010];
	v16 =	vsub.f32 v38, v40;
	v9 =	vand.u32 $0x7FFFFFFF, v9  }
0x1e2: {  	v7 =	vand.u32 $0x7FFFFFFF, v7;
	v9 =	vadd.f32 v9, v11;
	v11 =	vld [tilespmem:s4+$0x10060];
	v10 =	vsub.f32 v12, v10  }
0x1e3: {  	v7 =	vadd.f32 v7, v8;
	v8 =	vand.u32 $0x7FFFFFFF, v15;
	v15 =	vand.u32 $0x7FFFFFFF, v39;
	v12 =	vld [tilespmem:s4+$0x4060]  }
0x1e4: {  	v56 =	vld [tilespmem:s4+$0x18030];
	v8 =	vadd.f32 v15, v8;
	v15 =	vsub.f32 v23, v24;
	v10 =	vand.u32 $0x7FFFFFFF, v10  }
0x1e5: {  	v7 =	vadd.f32 v10, v7;
	v10 =	vand.u32 $0x7FFFFFFF, v16;
	v6 =	vsub.f32 v6, v42  }
0x1e6: {  	v15 =	vand.u32 $0x7FFFFFFF, v15;
	v57 =	vadd.f32 v10, v4;
	v4 =	vshll.u32 v14, $0x4  }
0x1e7: {  	v61 =	vld [tilespmem:s4+$0x18060];
	v10 =	vsub.f32 v43, v46;
	v6 =	vand.u32 $0x7FFFFFFF, v6;
	v58 =	vor.u32 v0, v4  }
0x1e8: {  	v14 =	vld [tilespmem:s4+$0x18040];
	v60 =	vadd.s32 v2, v4;
	v4 =	vsub.f32 v49, v51;
	v11 =	vsub.f32 v12, v11  }
0x1e9: {  	[tilespmem:v55+s1+$0x0] =	vst.idx.add.f32.msk $0xffff, v9;
	v12 =	vshll.u32 v56, $0x4;
	v59 =	vadd.f32 v6, v8;
	v8 =	vshll.u32 v53, $0x4  }
0x1ea: {  	v15 =	vadd.f32 v15, v17;
	v6 =	vld [tilespmem:s4+$0x18050];
	v63 =	vor.u32 v0, v12;
	v9 =	vor.u32 v0, v8  }
0x1eb: {  	v62 =	vadd.s32 v2, v8;
	v8 =	vand.u32 $0x7FFFFFFF, v10;
	v4 =	vand.u32 $0x7FFFFFFF, v4  }
0x1ec: {  	[tilespmem:v5+s1+$0x0] =	vst.idx.add.f32.msk $0xffff, v3;
	v10 =	vadd.f32 v8, v15;
	v5 =	vadd.f32 v4, v50  }
0x1ed: {  	v4 =	vand.u32 $0x7FFFFFFF, v11;
	v11 =	vadd.s32 v2, v12;
	[tilespmem:v58+s1+$0x0] =	vst.idx.add.f32.msk $0xffff, v7;
	v7 =	vshll.u32 v14, $0x4  }
0x1ee: {  	v4 =	vadd.f32 v4, v13;
	[tilespmem:v60+s1+$0x0] =	vst.idx.add.f32.msk $0xffff, v3;
	v13 =	vor.u32 v0, v7  }
0x1ef: {  	v14 =	vshll.u32 v61, $0x4;
	v6 =	vshll.u32 v6, $0x4;
	v12 =	vadd.s32 v2, v7;
	[tilespmem:v63+s1+$0x0] =	vst.idx.add.f32.msk $0xffff, v59  }
0x1f0: {  	v7 =	vor.u32 v0, v14;
	[tilespmem:v9+s1+$0x0] =	vst.idx.add.f32.msk $0xffff, v57;
	v9 =	vor.u32 v0, v6  }
0x1f1: {  	s6 =	simm.s32 $0x80;
	s5 =	simm.s32 $0x400;
	s4 =	simm.s32 $0x0;
	v8 =	vadd.s32 v2, v6;
	v6 =	vadd.s32 v2, v14;
	[tilespmem:v62+s1+$0x0] =	vst.idx.add.f32.msk $0xffff, v3  }
.LBB2_6:
0x1f2: {  	s7 =	sand.u32 $0x1000, s6;
	s8 =	sand.u32 $0xC00, s5;
	[tilespmem:v11+s1+$0x0] =	vst.idx.add.f32.msk $0xffff, v3;
	s3 =	sadd.s32 $0x20, s3  }
0x1f3: {  	s7 =	sor.u32 s8, s7;
	s8 =	sand.u32 $0x380, s3;
	[tilespmem:v13+s1+$0x0] =	vst.idx.add.f32.msk $0xffff, v10  }
0x1f4: {  	s7 =	sor.u32 s8, s7;
	[tilespmem:v12+s1+$0x0] =	vst.idx.add.f32.msk $0xffff, v3  }
0x1f5: {  	v10 =	vld [tilespmem:s7+$0x4070]  }
0x1f6: {  	v11 =	vld [tilespmem:s7+$0x10070]  }
0x1f7: {  	v12 =	vld [tilespmem:s7+$0x70]  }
0x1f8: {  	s4 =	sadd.s32 $0x8, s4;
	v13 =	vld [tilespmem:s7+$0xC070]  }
0x1f9: {  	p0 =	slt.u32 s4, $0x1F8;
	v14 =	vld [tilespmem:s7+$0x2070]  }
0x1fa: {  	v15 =	vld [tilespmem:s7+$0xE070]  }
0x1fb: {  	v16 =	vld [tilespmem:s7+$0x18070]  }
0x1fc: {  	v17 =	vld [tilespmem:s7+$0x0]  }
0x1fd: {  	v18 =	vld [tilespmem:s7+$0xC000]  }
0x1fe: {  	v19 =	vld [tilespmem:s7+$0x2000]  }
0x1ff: {  	v12 =	vsub.f32 v12, v13;
	v20 =	vld [tilespmem:s7+$0xE000];
	v13 =	vsub.f32 v14, v15  }
0x200: {  	v10 =	vsub.f32 v10, v11;
	v14 =	vld [tilespmem:s7+$0x10];
	v11 =	vshll.u32 v16, $0x4  }
0x201: {  	v12 =	vand.u32 $0x7FFFFFFF, v12;
	v15 =	vld [tilespmem:s7+$0xC010];
	v13 =	vand.u32 $0x7FFFFFFF, v13;
	v16 =	vor.u32 v0, v11  }
0x202: {  	v11 =	vadd.s32 v2, v11;
	v17 =	vsub.f32 v17, v18;
	v18 =	vld [tilespmem:s7+$0x2010];
	v12 =	vadd.f32 v13, v12  }
0x203: {  	v10 =	vand.u32 $0x7FFFFFFF, v10;
	v13 =	vld [tilespmem:s7+$0xE010]  }
0x204: {  	v17 =	vand.u32 $0x7FFFFFFF, v17;
	v19 =	vsub.f32 v19, v20;
	v20 =	vld [tilespmem:s7+$0x20];
	v10 =	vadd.f32 v10, v12  }
0x205: {  	v12 =	vld [tilespmem:s7+$0xC020]  }
0x206: {  	v19 =	vand.u32 $0x7FFFFFFF, v19;
	v14 =	vsub.f32 v14, v15;
	[tilespmem:v16+s1+$0x0] =	vst.idx.add.f32.msk $0xffff, v10  }
0x207: {  	v10 =	vadd.f32 v19, v17;
	[tilespmem:v11+s1+$0x0] =	vst.idx.add.f32.msk $0xffff, v3  }
0x208: {  	v11 =	vand.u32 $0x7FFFFFFF, v14;
	v13 =	vsub.f32 v18, v13;
	v14 =	vld [tilespmem:s7+$0x2020]  }
0x209: {  	v15 =	vld [tilespmem:s7+$0xE020]  }
0x20a: {  	v13 =	vand.u32 $0x7FFFFFFF, v13;
	v12 =	vsub.f32 v20, v12;
	v16 =	vld [tilespmem:s7+$0x30]  }
0x20b: {  	v11 =	vadd.f32 v13, v11;
	v13 =	vld [tilespmem:s7+$0xC030]  }
0x20c: {  	v12 =	vand.u32 $0x7FFFFFFF, v12;
	v17 =	vld [tilespmem:s7+$0x2030]  }
0x20d: {  	v18 =	vld [tilespmem:s7+$0xE030]  }
0x20e: {  	v14 =	vsub.f32 v14, v15;
	v15 =	vld [tilespmem:s7+$0x40]  }
0x20f: {  	v19 =	vld [tilespmem:s7+$0xC040]  }
0x210: {  	v14 =	vand.u32 $0x7FFFFFFF, v14;
	v13 =	vsub.f32 v16, v13;
	v16 =	vld [tilespmem:s7+$0x2040]  }
0x211: {  	v12 =	vadd.f32 v14, v12;
	v14 =	vld [tilespmem:s7+$0xE040]  }
0x212: {  	v13 =	vand.u32 $0x7FFFFFFF, v13;
	v17 =	vsub.f32 v17, v18;
	v18 =	vld [tilespmem:s7+$0x50]  }
0x213: {  	v20 =	vld [tilespmem:s7+$0xC050]  }
0x214: {  	v17 =	vand.u32 $0x7FFFFFFF, v17;
	v15 =	vsub.f32 v15, v19;
	v19 =	vld [tilespmem:s7+$0x2050]  }
0x215: {  	v13 =	vadd.f32 v17, v13;
	v17 =	vld [tilespmem:s7+$0xE050]  }
0x216: {  	v15 =	vand.u32 $0x7FFFFFFF, v15;
	v14 =	vsub.f32 v16, v14;
	v16 =	vld [tilespmem:s7+$0x60]  }
0x217: {  	v21 =	vld [tilespmem:s7+$0xC060]  }
0x218: {  	v14 =	vand.u32 $0x7FFFFFFF, v14;
	v18 =	vsub.f32 v18, v20;
	v20 =	vld [tilespmem:s7+$0x2060]  }
0x219: {  	v14 =	vadd.f32 v14, v15;
	v15 =	vld [tilespmem:s7+$0xE060]  }
0x21a: {  	v22 =	vld [tilespmem:s7+$0x4000];
	v18 =	vand.u32 $0x7FFFFFFF, v18;
	v17 =	vsub.f32 v19, v17  }
0x21b: {  	v19 =	vld [tilespmem:s7+$0x10000]  }
0x21c: {  	v23 =	vld [tilespmem:s7+$0x4010];
	v17 =	vand.u32 $0x7FFFFFFF, v17;
	v16 =	vsub.f32 v16, v21  }
0x21d: {  	v21 =	vld [tilespmem:s7+$0x10010];
	v17 =	vadd.f32 v17, v18  }
0x21e: {  	v18 =	vld [tilespmem:s7+$0x4020];
	v16 =	vand.u32 $0x7FFFFFFF, v16;
	v15 =	vsub.f32 v20, v15  }
0x21f: {  	v20 =	vld [tilespmem:s7+$0x10020]  }
0x220: {  	v19 =	vsub.f32 v22, v19;
	v22 =	vld [tilespmem:s7+$0x4030];
	v15 =	vand.u32 $0x7FFFFFFF, v15  }
0x221: {  	v24 =	vld [tilespmem:s7+$0x10030];
	v15 =	vadd.f32 v15, v16  }
0x222: {  	v16 =	vand.u32 $0x7FFFFFFF, v19;
	v19 =	vsub.f32 v23, v21;
	v21 =	vld [tilespmem:s7+$0x4040]  }
0x223: {  	v16 =	vadd.f32 v16, v10;
	v10 =	vld [tilespmem:s7+$0x10040]  }
0x224: {  	v19 =	vand.u32 $0x7FFFFFFF, v19;
	v18 =	vsub.f32 v18, v20;
	v20 =	vld [tilespmem:s7+$0x4050]  }
0x225: {  	v19 =	vadd.f32 v19, v11;
	v11 =	vld [tilespmem:s7+$0x10050]  }
0x226: {  	v18 =	vand.u32 $0x7FFFFFFF, v18;
	v22 =	vsub.f32 v22, v24;
	v23 =	vld [tilespmem:s7+$0x4060]  }
0x227: {  	v18 =	vadd.f32 v18, v12;
	v12 =	vld [tilespmem:s7+$0x10060]  }
0x228: {  	v24 =	vld [tilespmem:s7+$0x18000];
	v22 =	vand.u32 $0x7FFFFFFF, v22;
	v10 =	vsub.f32 v21, v10  }
0x229: {  	v21 =	vld [tilespmem:s7+$0x18010];
	v22 =	vadd.f32 v22, v13  }
0x22a: {  	v13 =	vld [tilespmem:s7+$0x18020];
	v10 =	vand.u32 $0x7FFFFFFF, v10;
	v11 =	vsub.f32 v20, v11  }
0x22b: {  	v20 =	vld [tilespmem:s7+$0x18030];
	v10 =	vadd.f32 v10, v14  }
0x22c: {  	v14 =	vld [tilespmem:s7+$0x18040];
	v11 =	vand.u32 $0x7FFFFFFF, v11;
	v12 =	vsub.f32 v23, v12  }
0x22d: {  	v23 =	vshll.u32 v24, $0x4;
	v17 =	vadd.f32 v11, v17;
	v24 =	vld [tilespmem:s7+$0x18050]  }
0x22e: {  	v25 =	vor.u32 v0, v23;
	v11 =	vshll.u32 v21, $0x4;
	v12 =	vand.u32 $0x7FFFFFFF, v12;
	v21 =	vld [tilespmem:s7+$0x18060]  }
0x22f: {  	v23 =	vadd.s32 v2, v23;
	v13 =	vshll.u32 v13, $0x4;
	v15 =	vadd.f32 v12, v15;
	[tilespmem:v9+s1+$0x0] =	vst.idx.add.f32.msk $0xffff, v5  }
0x230: {  	v26 =	vor.u32 v0, v11;
	v27 =	vadd.s32 v2, v11;
	v5 =	vshll.u32 v20, $0x4;
	[tilespmem:v8+s1+$0x0] =	vst.idx.add.f32.msk $0xffff, v3  }
0x231: {  	v20 =	vor.u32 v0, v13;
	v28 =	vadd.s32 v2, v13;
	v8 =	vshll.u32 v14, $0x4;
	[tilespmem:v7+s1+$0x0] =	vst.idx.add.f32.msk $0xffff, v4  }
0x232: {  	v14 =	vor.u32 v0, v5;
	v11 =	vadd.s32 v2, v5;
	v4 =	vshll.u32 v24, $0x4;
	[tilespmem:v6+s1+$0x0] =	vst.idx.add.f32.msk $0xffff, v3  }
0x233: {  	v13 =	vor.u32 v0, v8;
	v12 =	vadd.s32 v2, v8;
	[tilespmem:v25+s1+$0x0] =	vst.idx.add.f32.msk $0xffff, v16;
	v6 =	vshll.u32 v21, $0x4  }
0x234: {  	v9 =	vor.u32 v0, v4;
	v8 =	vadd.s32 v2, v4;
	v5 =	vmovc v17;
	v7 =	vor.u32 v0, v6  }
0x235: {  	v6 =	vadd.s32 v2, v6;
	[tilespmem:v23+s1+$0x0] =	vst.idx.add.f32.msk $0xffff, v3;
	v4 =	vmov v15  }
.Ltmp2:
0x236: {  	[tilespmem:v26+s1+$0x0] =	vst.idx.add.f32.msk $0xffff, v19;
	(pc) =	sbr.rel @p0 .LBB2_6-.Ltmp2, $4  }
0x237: {  	[tilespmem:v27+s1+$0x0] =	vst.idx.add.f32.msk $0xffff, v3  }
0x238: {  	[tilespmem:v20+s1+$0x0] =	vst.idx.add.f32.msk $0xffff, v18  }
0x239: {  	[tilespmem:v28+s1+$0x0] =	vst.idx.add.f32.msk $0xffff, v3  }
0x23a: {  	s5 =	sadd.s32 $0x400, s5;
	s6 =	sadd.s32 $0x80, s6;
	[tilespmem:v14+s1+$0x0] =	vst.idx.add.f32.msk $0xffff, v22  }
0x23b: {  	_ =	sdelay $0x3  }
0x23c: {  	[tilespmem:v11+s1+$0x0] =	vst.idx.add.f32.msk $0xffff, v3  }
0x23d: {  	[tilespmem:v13+s1+$0x0] =	vst.idx.add.f32.msk $0xffff, v10  }
0x23e: {  	[tilespmem:v9+s1+$0x0] =	vst.idx.add.f32.msk $0xffff, v5  }
0x23f: {  	[tilespmem:v7+s1+$0x0] =	vst.idx.add.f32.msk $0xffff, v4  }
0x240: {  	[tilespmem:v12+s1+$0x0] =	vst.idx.add.f32.msk $0xffff, v3  }
0x241: {  	[tilespmem:v8+s1+$0x0] =	vst.idx.add.f32.msk $0xffff, v3  }
0x242: {  	s3 =	simm.s32 $0x0;
	[tilespmem:v6+s1+$0x0] =	vst.idx.add.f32.msk $0xffff, v3  }
0x243: {  	[tilespmem:s3], [sflag:$0x1] =	stream.strided.gather [hbm4b:s10+s24], $0x6000, s25, s24, $0x38;
	[tilespmem:$0x1C300] =	vst v63  }
0x244: {  	_ = 	snop  }
0x245: {  	[tilespmem:s26], [sflag:$0x1] =	stream.strided.gather [hbm4b:s11+s24], $0x6000, s25, s24, $0x38;
	[tilespmem:$0x1C300] =	vst v63  }
0x246: {  	_ = 	snop  }
0x247: {  	[tilespmem:s28], [sflag:$0x1] =	stream.linear.gather [hbm4b:s20+s3], $0x2000, $0x38;
	[tilespmem:$0x1C300] =	vst v63  }
0x248: {  	_ =	swait.ge [sflag:s15], $0x6000  }
0x249: {  	[sflag:s15] =	ssyncset.done $0x0  }
0x24a: {  	[sflag:s15] =	ssyncadd.s32 $0xFFFFA000  }
0x24b: {  	_ =	swait.ge [sflag:s15], $0x6000  }
0x24c: {  	[sflag:s15] =	ssyncset.done $0x0  }
0x24d: {  	[sflag:s15] =	ssyncadd.s32 $0xFFFFA000  }
0x24e: {  	s4 =	sand.u32 $0x1000, s3;
	s5 =	sand.u32 $0xC00, s3;
	_ =	swait.ge [sflag:s15], $0x2000  }
0x24f: {  	s8 =	sand.u32 $0x380, s3;
	s4 =	sor.u32 s5, s4;
	[sflag:s15] =	ssyncset.done $0x0  }
0x250: {  	s4 =	sor.u32 s8, s4;
	[sflag:s15] =	ssyncadd.s32 $0xFFFFE000  }
0x251: {  	v4 =	vld [tilespmem:s4+$0xA070]  }
0x252: {  	v5 =	vld [tilespmem:s4+$0x16070]  }
0x253: {  	v6 =	vld [tilespmem:s4+$0x6070]  }
0x254: {  	v7 =	vld [tilespmem:s4+$0x12070]  }
0x255: {  	v8 =	vld [tilespmem:s4+$0x8070]  }
0x256: {  	v9 =	vld [tilespmem:s4+$0x14070]  }
0x257: {  	v10 =	vld [tilespmem:s4+$0x1A070]  }
0x258: {  	v11 =	vld [tilespmem:s4+$0x6000]  }
0x259: {  	v12 =	vld [tilespmem:s4+$0x12000]  }
0x25a: {  	v13 =	vld [tilespmem:s4+$0x8000]  }
0x25b: {  	v14 =	vld [tilespmem:s4+$0x14000]  }
0x25c: {  	v15 =	vld [tilespmem:s4+$0x8010]  }
0x25d: {  	v16 =	vld [tilespmem:s4+$0x6020]  }
0x25e: {  	v17 =	vld [tilespmem:s4+$0x6030]  }
0x25f: {  	v18 =	vld [tilespmem:s4+$0x12030]  }
0x260: {  	v19 =	vld [tilespmem:s4+$0x8030]  }
0x261: {  	v20 =	vld [tilespmem:s4+$0x14030]  }
0x262: {  	v21 =	vld [tilespmem:s4+$0x6040]  }
0x263: {  	v22 =	vld [tilespmem:s4+$0x12040]  }
0x264: {  	v23 =	vld [tilespmem:s4+$0x8040]  }
0x265: {  	v24 =	vld [tilespmem:s4+$0x14040]  }
0x266: {  	v25 =	vld [tilespmem:s4+$0x6050]  }
0x267: {  	v26 =	vld [tilespmem:s4+$0x12050]  }
0x268: {  	v27 =	vld [tilespmem:s4+$0x8050]  }
0x269: {  	v28 =	vld [tilespmem:s4+$0x14050]  }
0x26a: {  	v29 =	vld [tilespmem:s4+$0x6060]  }
0x26b: {  	v30 =	vld [tilespmem:s4+$0x12060]  }
0x26c: {  	v31 =	vld [tilespmem:s4+$0x8060]  }
0x26d: {  	v38 =	vld [tilespmem:s4+$0xA020]  }
0x26e: {  	v40 =	vld [tilespmem:s4+$0x16020]  }
0x26f: {  	v42 =	vld [tilespmem:s4+$0x16030]  }
0x270: {  	v43 =	vld [tilespmem:s4+$0xA040]  }
0x271: {  	v46 =	vld [tilespmem:s4+$0x16040]  }
0x272: {  	v48 =	vld [tilespmem:s4+$0x1A000];
	v6 =	vsub.f32 v6, v7;
	v7 =	vsub.f32 v8, v9  }
0x273: {  	v49 =	vld [tilespmem:s4+$0xA050];
	v4 =	vsub.f32 v4, v5;
	v5 =	vshll.u32 v10, $0x4  }
0x274: {  	v8 =	vld [tilespmem:s4+$0x6010];
	v10 =	vor.u32 v0, v5;
	v6 =	vand.u32 $0x7FFFFFFF, v6;
	v7 =	vand.u32 $0x7FFFFFFF, v7  }
0x275: {  	v9 =	vld [tilespmem:s4+$0x12010];
	v6 =	vadd.f32 v7, v6  }
0x276: {  	v11 =	vsub.f32 v11, v12;
	v12 =	vsub.f32 v13, v14;
	v13 =	vld [tilespmem:s4+$0x14060];
	v4 =	vand.u32 $0x7FFFFFFF, v4  }
0x277: {  	v14 =	vld [tilespmem:s4+$0xA000];
	v4 =	vadd.f32 v4, v6  }
0x278: {  	v6 =	vld [tilespmem:s4+$0x12020]  }
0x279: {  	[tilespmem:v10+s1+$0x0] =	vst.idx.add.f32.msk $0xffff, v4  }
0x27a: {  	v39 =	vsub.f32 v19, v20;
	v41 =	vsub.f32 v21, v22;
	v4 =	vld [tilespmem:s4+$0x8020]  }
0x27b: {  	v44 =	vsub.f32 v25, v26;
	v45 =	vsub.f32 v27, v28;
	v54 =	vshll.u32 v48, $0x4;
	v10 =	vld [tilespmem:s4+$0x14020]  }
0x27c: {  	v47 =	vsub.f32 v29, v30;
	v5 =	vadd.s32 v2, v5;
	v55 =	vor.u32 v0, v54;
	v7 =	vld [tilespmem:s4+$0x14010]  }
0x27d: {  	v11 =	vand.u32 $0x7FFFFFFF, v11;
	v12 =	vand.u32 $0x7FFFFFFF, v12;
	v8 =	vsub.f32 v8, v9;
	v9 =	vld [tilespmem:s4+$0x16000]  }
0x27e: {  	v51 =	vld [tilespmem:s4+$0x16050];
	v21 =	vand.u32 $0x7FFFFFFF, v44;
	v22 =	vand.u32 $0x7FFFFFFF, v45;
	v11 =	vadd.f32 v12, v11  }
0x27f: {  	v52 =	vand.u32 $0x7FFFFFFF, v47;
	v12 =	vld [tilespmem:s4+$0xA010];
	v50 =	vadd.f32 v22, v21;
	v13 =	vsub.f32 v31, v13  }
0x280: {  	v8 =	vand.u32 $0x7FFFFFFF, v8;
	v6 =	vsub.f32 v16, v6;
	v4 =	vsub.f32 v4, v10;
	v10 =	vld [tilespmem:s4+$0x16010]  }
0x281: {  	v53 =	vld [tilespmem:s4+$0x1A020];
	v13 =	vand.u32 $0x7FFFFFFF, v13;
	v7 =	vsub.f32 v15, v7;
	v15 =	vsub.f32 v17, v18  }
0x282: {  	[tilespmem:v5+s1+$0x0] =	vst.idx.add.f32.msk $0xffff, v3;
	v9 =	vsub.f32 v14, v9;
	v6 =	vand.u32 $0x7FFFFFFF, v6;
	v4 =	vand.u32 $0x7FFFFFFF, v4  }
0x283: {  	v17 =	vand.u32 $0x7FFFFFFF, v41;
	v13 =	vadd.f32 v13, v52;
	v4 =	vadd.f32 v4, v6;
	v6 =	vld [tilespmem:s4+$0xA030]  }
0x284: {  	v5 =	vadd.s32 v2, v54;
	v14 =	vld [tilespmem:s4+$0x1A010];
	v16 =	vsub.f32 v38, v40;
	v9 =	vand.u32 $0x7FFFFFFF, v9  }
0x285: {  	v7 =	vand.u32 $0x7FFFFFFF, v7;
	v9 =	vadd.f32 v9, v11;
	v11 =	vld [tilespmem:s4+$0x16060];
	v10 =	vsub.f32 v12, v10  }
0x286: {  	v7 =	vadd.f32 v7, v8;
	v8 =	vand.u32 $0x7FFFFFFF, v15;
	v15 =	vand.u32 $0x7FFFFFFF, v39;
	v12 =	vld [tilespmem:s4+$0xA060]  }
0x287: {  	v56 =	vld [tilespmem:s4+$0x1A030];
	v8 =	vadd.f32 v15, v8;
	v15 =	vsub.f32 v23, v24;
	v10 =	vand.u32 $0x7FFFFFFF, v10  }
0x288: {  	v7 =	vadd.f32 v10, v7;
	v10 =	vand.u32 $0x7FFFFFFF, v16;
	v6 =	vsub.f32 v6, v42  }
0x289: {  	v15 =	vand.u32 $0x7FFFFFFF, v15;
	v57 =	vadd.f32 v10, v4;
	v4 =	vshll.u32 v14, $0x4  }
0x28a: {  	v61 =	vld [tilespmem:s4+$0x1A060];
	v10 =	vsub.f32 v43, v46;
	v6 =	vand.u32 $0x7FFFFFFF, v6;
	v58 =	vor.u32 v0, v4  }
0x28b: {  	v14 =	vld [tilespmem:s4+$0x1A040];
	v60 =	vadd.s32 v2, v4;
	v4 =	vsub.f32 v49, v51;
	v11 =	vsub.f32 v12, v11  }
0x28c: {  	[tilespmem:v55+s1+$0x0] =	vst.idx.add.f32.msk $0xffff, v9;
	v12 =	vshll.u32 v56, $0x4;
	v59 =	vadd.f32 v6, v8;
	v8 =	vshll.u32 v53, $0x4  }
0x28d: {  	v15 =	vadd.f32 v15, v17;
	v6 =	vld [tilespmem:s4+$0x1A050];
	v63 =	vor.u32 v0, v12;
	v9 =	vor.u32 v0, v8  }
0x28e: {  	v62 =	vadd.s32 v2, v8;
	v8 =	vand.u32 $0x7FFFFFFF, v10;
	v4 =	vand.u32 $0x7FFFFFFF, v4  }
0x28f: {  	[tilespmem:v5+s1+$0x0] =	vst.idx.add.f32.msk $0xffff, v3;
	v10 =	vadd.f32 v8, v15;
	v5 =	vadd.f32 v4, v50  }
0x290: {  	v4 =	vand.u32 $0x7FFFFFFF, v11;
	v11 =	vadd.s32 v2, v12;
	[tilespmem:v58+s1+$0x0] =	vst.idx.add.f32.msk $0xffff, v7;
	v7 =	vshll.u32 v14, $0x4  }
0x291: {  	v4 =	vadd.f32 v4, v13;
	[tilespmem:v60+s1+$0x0] =	vst.idx.add.f32.msk $0xffff, v3;
	v13 =	vor.u32 v0, v7  }
0x292: {  	v14 =	vshll.u32 v61, $0x4;
	v6 =	vshll.u32 v6, $0x4;
	v12 =	vadd.s32 v2, v7;
	[tilespmem:v63+s1+$0x0] =	vst.idx.add.f32.msk $0xffff, v59  }
0x293: {  	v7 =	vor.u32 v0, v14;
	[tilespmem:v9+s1+$0x0] =	vst.idx.add.f32.msk $0xffff, v57;
	v9 =	vor.u32 v0, v6  }
0x294: {  	s6 =	simm.s32 $0x80;
	s5 =	simm.s32 $0x400;
	s4 =	simm.s32 $0x0;
	v8 =	vadd.s32 v2, v6;
	v6 =	vadd.s32 v2, v14;
	[tilespmem:v62+s1+$0x0] =	vst.idx.add.f32.msk $0xffff, v3  }
.LBB2_8:
0x295: {  	s7 =	sand.u32 $0x1000, s6;
	s8 =	sand.u32 $0xC00, s5;
	[tilespmem:v11+s1+$0x0] =	vst.idx.add.f32.msk $0xffff, v3;
	s3 =	sadd.s32 $0x20, s3  }
0x296: {  	s7 =	sor.u32 s8, s7;
	s8 =	sand.u32 $0x380, s3;
	[tilespmem:v13+s1+$0x0] =	vst.idx.add.f32.msk $0xffff, v10  }
0x297: {  	s7 =	sor.u32 s8, s7;
	[tilespmem:v12+s1+$0x0] =	vst.idx.add.f32.msk $0xffff, v3  }
0x298: {  	v10 =	vld [tilespmem:s7+$0xA070]  }
0x299: {  	v11 =	vld [tilespmem:s7+$0x16070]  }
0x29a: {  	v12 =	vld [tilespmem:s7+$0x6070]  }
0x29b: {  	s4 =	sadd.s32 $0x8, s4;
	v13 =	vld [tilespmem:s7+$0x12070]  }
0x29c: {  	p0 =	slt.u32 s4, $0x1F8;
	v14 =	vld [tilespmem:s7+$0x8070]  }
0x29d: {  	v15 =	vld [tilespmem:s7+$0x14070]  }
0x29e: {  	v16 =	vld [tilespmem:s7+$0x1A070]  }
0x29f: {  	v17 =	vld [tilespmem:s7+$0x6000]  }
0x2a0: {  	v18 =	vld [tilespmem:s7+$0x12000]  }
0x2a1: {  	v19 =	vld [tilespmem:s7+$0x8000]  }
0x2a2: {  	v12 =	vsub.f32 v12, v13;
	v20 =	vld [tilespmem:s7+$0x14000];
	v13 =	vsub.f32 v14, v15  }
0x2a3: {  	v10 =	vsub.f32 v10, v11;
	v14 =	vld [tilespmem:s7+$0x6010];
	v11 =	vshll.u32 v16, $0x4  }
0x2a4: {  	v12 =	vand.u32 $0x7FFFFFFF, v12;
	v15 =	vld [tilespmem:s7+$0x12010];
	v13 =	vand.u32 $0x7FFFFFFF, v13;
	v16 =	vor.u32 v0, v11  }
0x2a5: {  	v11 =	vadd.s32 v2, v11;
	v17 =	vsub.f32 v17, v18;
	v18 =	vld [tilespmem:s7+$0x8010];
	v12 =	vadd.f32 v13, v12  }
0x2a6: {  	v10 =	vand.u32 $0x7FFFFFFF, v10;
	v13 =	vld [tilespmem:s7+$0x14010]  }
0x2a7: {  	v17 =	vand.u32 $0x7FFFFFFF, v17;
	v19 =	vsub.f32 v19, v20;
	v20 =	vld [tilespmem:s7+$0x6020];
	v10 =	vadd.f32 v10, v12  }
0x2a8: {  	v12 =	vld [tilespmem:s7+$0x12020]  }
0x2a9: {  	v19 =	vand.u32 $0x7FFFFFFF, v19;
	v14 =	vsub.f32 v14, v15;
	[tilespmem:v16+s1+$0x0] =	vst.idx.add.f32.msk $0xffff, v10  }
0x2aa: {  	v10 =	vadd.f32 v19, v17;
	[tilespmem:v11+s1+$0x0] =	vst.idx.add.f32.msk $0xffff, v3  }
0x2ab: {  	v11 =	vand.u32 $0x7FFFFFFF, v14;
	v13 =	vsub.f32 v18, v13;
	v14 =	vld [tilespmem:s7+$0x8020]  }
0x2ac: {  	v15 =	vld [tilespmem:s7+$0x14020]  }
0x2ad: {  	v13 =	vand.u32 $0x7FFFFFFF, v13;
	v12 =	vsub.f32 v20, v12;
	v16 =	vld [tilespmem:s7+$0x6030]  }
0x2ae: {  	v11 =	vadd.f32 v13, v11;
	v13 =	vld [tilespmem:s7+$0x12030]  }
0x2af: {  	v12 =	vand.u32 $0x7FFFFFFF, v12;
	v17 =	vld [tilespmem:s7+$0x8030]  }
0x2b0: {  	v18 =	vld [tilespmem:s7+$0x14030]  }
0x2b1: {  	v14 =	vsub.f32 v14, v15;
	v15 =	vld [tilespmem:s7+$0x6040]  }
0x2b2: {  	v19 =	vld [tilespmem:s7+$0x12040]  }
0x2b3: {  	v14 =	vand.u32 $0x7FFFFFFF, v14;
	v13 =	vsub.f32 v16, v13;
	v16 =	vld [tilespmem:s7+$0x8040]  }
0x2b4: {  	v12 =	vadd.f32 v14, v12;
	v14 =	vld [tilespmem:s7+$0x14040]  }
0x2b5: {  	v13 =	vand.u32 $0x7FFFFFFF, v13;
	v17 =	vsub.f32 v17, v18;
	v18 =	vld [tilespmem:s7+$0x6050]  }
0x2b6: {  	v20 =	vld [tilespmem:s7+$0x12050]  }
0x2b7: {  	v17 =	vand.u32 $0x7FFFFFFF, v17;
	v15 =	vsub.f32 v15, v19;
	v19 =	vld [tilespmem:s7+$0x8050]  }
0x2b8: {  	v13 =	vadd.f32 v17, v13;
	v17 =	vld [tilespmem:s7+$0x14050]  }
0x2b9: {  	v15 =	vand.u32 $0x7FFFFFFF, v15;
	v14 =	vsub.f32 v16, v14;
	v16 =	vld [tilespmem:s7+$0x6060]  }
0x2ba: {  	v21 =	vld [tilespmem:s7+$0x12060]  }
0x2bb: {  	v14 =	vand.u32 $0x7FFFFFFF, v14;
	v18 =	vsub.f32 v18, v20;
	v20 =	vld [tilespmem:s7+$0x8060]  }
0x2bc: {  	v14 =	vadd.f32 v14, v15;
	v15 =	vld [tilespmem:s7+$0x14060]  }
0x2bd: {  	v22 =	vld [tilespmem:s7+$0xA000];
	v18 =	vand.u32 $0x7FFFFFFF, v18;
	v17 =	vsub.f32 v19, v17  }
0x2be: {  	v19 =	vld [tilespmem:s7+$0x16000]  }
0x2bf: {  	v23 =	vld [tilespmem:s7+$0xA010];
	v17 =	vand.u32 $0x7FFFFFFF, v17;
	v16 =	vsub.f32 v16, v21  }
0x2c0: {  	v21 =	vld [tilespmem:s7+$0x16010];
	v17 =	vadd.f32 v17, v18  }
0x2c1: {  	v18 =	vld [tilespmem:s7+$0xA020];
	v16 =	vand.u32 $0x7FFFFFFF, v16;
	v15 =	vsub.f32 v20, v15  }
0x2c2: {  	v20 =	vld [tilespmem:s7+$0x16020]  }
0x2c3: {  	v19 =	vsub.f32 v22, v19;
	v22 =	vld [tilespmem:s7+$0xA030];
	v15 =	vand.u32 $0x7FFFFFFF, v15  }
0x2c4: {  	v24 =	vld [tilespmem:s7+$0x16030];
	v15 =	vadd.f32 v15, v16  }
0x2c5: {  	v16 =	vand.u32 $0x7FFFFFFF, v19;
	v19 =	vsub.f32 v23, v21;
	v21 =	vld [tilespmem:s7+$0xA040]  }
0x2c6: {  	v16 =	vadd.f32 v16, v10;
	v10 =	vld [tilespmem:s7+$0x16040]  }
0x2c7: {  	v19 =	vand.u32 $0x7FFFFFFF, v19;
	v18 =	vsub.f32 v18, v20;
	v20 =	vld [tilespmem:s7+$0xA050]  }
0x2c8: {  	v19 =	vadd.f32 v19, v11;
	v11 =	vld [tilespmem:s7+$0x16050]  }
0x2c9: {  	v18 =	vand.u32 $0x7FFFFFFF, v18;
	v22 =	vsub.f32 v22, v24;
	v23 =	vld [tilespmem:s7+$0xA060]  }
0x2ca: {  	v18 =	vadd.f32 v18, v12;
	v12 =	vld [tilespmem:s7+$0x16060]  }
0x2cb: {  	v24 =	vld [tilespmem:s7+$0x1A000];
	v22 =	vand.u32 $0x7FFFFFFF, v22;
	v10 =	vsub.f32 v21, v10  }
0x2cc: {  	v21 =	vld [tilespmem:s7+$0x1A010];
	v22 =	vadd.f32 v22, v13  }
0x2cd: {  	v13 =	vld [tilespmem:s7+$0x1A020];
	v10 =	vand.u32 $0x7FFFFFFF, v10;
	v11 =	vsub.f32 v20, v11  }
0x2ce: {  	v20 =	vld [tilespmem:s7+$0x1A030];
	v10 =	vadd.f32 v10, v14  }
0x2cf: {  	v14 =	vld [tilespmem:s7+$0x1A040];
	v11 =	vand.u32 $0x7FFFFFFF, v11;
	v12 =	vsub.f32 v23, v12  }
0x2d0: {  	v23 =	vshll.u32 v24, $0x4;
	v17 =	vadd.f32 v11, v17;
	v24 =	vld [tilespmem:s7+$0x1A050]  }
0x2d1: {  	v25 =	vor.u32 v0, v23;
	v11 =	vshll.u32 v21, $0x4;
	v12 =	vand.u32 $0x7FFFFFFF, v12;
	v21 =	vld [tilespmem:s7+$0x1A060]  }
0x2d2: {  	v23 =	vadd.s32 v2, v23;
	v13 =	vshll.u32 v13, $0x4;
	v15 =	vadd.f32 v12, v15;
	[tilespmem:v9+s1+$0x0] =	vst.idx.add.f32.msk $0xffff, v5  }
0x2d3: {  	v26 =	vor.u32 v0, v11;
	v27 =	vadd.s32 v2, v11;
	v5 =	vshll.u32 v20, $0x4;
	[tilespmem:v8+s1+$0x0] =	vst.idx.add.f32.msk $0xffff, v3  }
0x2d4: {  	v20 =	vor.u32 v0, v13;
	v28 =	vadd.s32 v2, v13;
	v8 =	vshll.u32 v14, $0x4;
	[tilespmem:v7+s1+$0x0] =	vst.idx.add.f32.msk $0xffff, v4  }
0x2d5: {  	v14 =	vor.u32 v0, v5;
	v11 =	vadd.s32 v2, v5;
	v4 =	vshll.u32 v24, $0x4;
	[tilespmem:v6+s1+$0x0] =	vst.idx.add.f32.msk $0xffff, v3  }
0x2d6: {  	v13 =	vor.u32 v0, v8;
	v12 =	vadd.s32 v2, v8;
	[tilespmem:v25+s1+$0x0] =	vst.idx.add.f32.msk $0xffff, v16;
	v6 =	vshll.u32 v21, $0x4  }
0x2d7: {  	v9 =	vor.u32 v0, v4;
	v8 =	vadd.s32 v2, v4;
	v5 =	vmovc v17;
	v7 =	vor.u32 v0, v6  }
0x2d8: {  	v6 =	vadd.s32 v2, v6;
	[tilespmem:v23+s1+$0x0] =	vst.idx.add.f32.msk $0xffff, v3;
	v4 =	vmov v15  }
.Ltmp3:
0x2d9: {  	[tilespmem:v26+s1+$0x0] =	vst.idx.add.f32.msk $0xffff, v19;
	(pc) =	sbr.rel @p0 .LBB2_8-.Ltmp3, $4  }
0x2da: {  	[tilespmem:v27+s1+$0x0] =	vst.idx.add.f32.msk $0xffff, v3  }
0x2db: {  	[tilespmem:v20+s1+$0x0] =	vst.idx.add.f32.msk $0xffff, v18  }
0x2dc: {  	[tilespmem:v28+s1+$0x0] =	vst.idx.add.f32.msk $0xffff, v3  }
0x2dd: {  	s5 =	sadd.s32 $0x400, s5;
	s6 =	sadd.s32 $0x80, s6;
	[tilespmem:v14+s1+$0x0] =	vst.idx.add.f32.msk $0xffff, v22  }
0x2de: {  	_ =	sdelay $0x3  }
0x2df: {  	[tilespmem:v11+s1+$0x0] =	vst.idx.add.f32.msk $0xffff, v3  }
0x2e0: {  	[tilespmem:v13+s1+$0x0] =	vst.idx.add.f32.msk $0xffff, v10  }
0x2e1: {  	[tilespmem:v9+s1+$0x0] =	vst.idx.add.f32.msk $0xffff, v5  }
0x2e2: {  	[tilespmem:v7+s1+$0x0] =	vst.idx.add.f32.msk $0xffff, v4  }
0x2e3: {  	[tilespmem:v12+s1+$0x0] =	vst.idx.add.f32.msk $0xffff, v3  }
0x2e4: {  	[tilespmem:v8+s1+$0x0] =	vst.idx.add.f32.msk $0xffff, v3  }
0x2e5: {  	[tilespmem:v6+s1+$0x0] =	vst.idx.add.f32.msk $0xffff, v3  }
0x2e6: {  	[tilespmem:s29], [sflag:$0x1] =	stream.strided.gather [hbm4b:s12+s24], $0x6000, s25, s24, $0x38;
	[tilespmem:$0x1C300] =	vst v63  }
0x2e7: {  	_ = 	snop  }
0x2e8: {  	[tilespmem:s30], [sflag:$0x1] =	stream.strided.gather [hbm4b:s14+s24], $0x6000, s25, s24, $0x38;
	[tilespmem:$0x1C300] =	vst v63  }
0x2e9: {  	s3 =	simm.s32 $0x0  }
0x2ea: {  	[tilespmem:s31], [sflag:$0x1] =	stream.linear.gather [hbm4b:s21+s3], $0x2000, $0x38;
	[tilespmem:$0x1C300] =	vst v63  }
0x2eb: {  	_ =	swait.ge [sflag:s15], $0x6000  }
0x2ec: {  	[sflag:s15] =	ssyncset.done $0x0  }
0x2ed: {  	[sflag:s15] =	ssyncadd.s32 $0xFFFFA000  }
0x2ee: {  	_ =	swait.ge [sflag:s15], $0x6000  }
0x2ef: {  	[sflag:s15] =	ssyncset.done $0x0  }
0x2f0: {  	[sflag:s15] =	ssyncadd.s32 $0xFFFFA000  }
0x2f1: {  	s4 =	sand.u32 $0x1000, s3;
	s5 =	sand.u32 $0xC00, s3;
	_ =	swait.ge [sflag:s15], $0x2000  }
0x2f2: {  	s8 =	sand.u32 $0x380, s3;
	s4 =	sor.u32 s5, s4;
	[sflag:s15] =	ssyncset.done $0x0  }
0x2f3: {  	s4 =	sor.u32 s8, s4;
	[sflag:s15] =	ssyncadd.s32 $0xFFFFE000  }
0x2f4: {  	v4 =	vld [tilespmem:s4+$0x4070]  }
0x2f5: {  	v5 =	vld [tilespmem:s4+$0x10070]  }
0x2f6: {  	v6 =	vld [tilespmem:s4+$0x70]  }
0x2f7: {  	v7 =	vld [tilespmem:s4+$0xC070]  }
0x2f8: {  	v8 =	vld [tilespmem:s4+$0x2070]  }
0x2f9: {  	v9 =	vld [tilespmem:s4+$0xE070]  }
0x2fa: {  	v10 =	vld [tilespmem:s4+$0x18070]  }
0x2fb: {  	v11 =	vld [tilespmem:s4+$0x0]  }
0x2fc: {  	v12 =	vld [tilespmem:s4+$0xC000]  }
0x2fd: {  	v13 =	vld [tilespmem:s4+$0x2000]  }
0x2fe: {  	v14 =	vld [tilespmem:s4+$0xE000]  }
0x2ff: {  	v15 =	vld [tilespmem:s4+$0x2010]  }
0x300: {  	v16 =	vld [tilespmem:s4+$0x20]  }
0x301: {  	v17 =	vld [tilespmem:s4+$0x30]  }
0x302: {  	v18 =	vld [tilespmem:s4+$0xC030]  }
0x303: {  	v19 =	vld [tilespmem:s4+$0x2030]  }
0x304: {  	v20 =	vld [tilespmem:s4+$0xE030]  }
0x305: {  	v21 =	vld [tilespmem:s4+$0x40]  }
0x306: {  	v22 =	vld [tilespmem:s4+$0xC040]  }
0x307: {  	v23 =	vld [tilespmem:s4+$0x2040]  }
0x308: {  	v24 =	vld [tilespmem:s4+$0xE040]  }
0x309: {  	v25 =	vld [tilespmem:s4+$0x50]  }
0x30a: {  	v26 =	vld [tilespmem:s4+$0xC050]  }
0x30b: {  	v27 =	vld [tilespmem:s4+$0x2050]  }
0x30c: {  	v28 =	vld [tilespmem:s4+$0xE050]  }
0x30d: {  	v29 =	vld [tilespmem:s4+$0x60]  }
0x30e: {  	v30 =	vld [tilespmem:s4+$0xC060]  }
0x30f: {  	v31 =	vld [tilespmem:s4+$0x2060]  }
0x310: {  	v38 =	vld [tilespmem:s4+$0x4020]  }
0x311: {  	v40 =	vld [tilespmem:s4+$0x10020]  }
0x312: {  	v42 =	vld [tilespmem:s4+$0x10030]  }
0x313: {  	v43 =	vld [tilespmem:s4+$0x4040]  }
0x314: {  	v46 =	vld [tilespmem:s4+$0x10040]  }
0x315: {  	v48 =	vld [tilespmem:s4+$0x18000];
	v6 =	vsub.f32 v6, v7;
	v7 =	vsub.f32 v8, v9  }
0x316: {  	v49 =	vld [tilespmem:s4+$0x4050];
	v4 =	vsub.f32 v4, v5;
	v5 =	vshll.u32 v10, $0x4  }
0x317: {  	v8 =	vld [tilespmem:s4+$0x10];
	v10 =	vor.u32 v0, v5;
	v6 =	vand.u32 $0x7FFFFFFF, v6;
	v7 =	vand.u32 $0x7FFFFFFF, v7  }
0x318: {  	v9 =	vld [tilespmem:s4+$0xC010];
	v6 =	vadd.f32 v7, v6  }
0x319: {  	v11 =	vsub.f32 v11, v12;
	v12 =	vsub.f32 v13, v14;
	v13 =	vld [tilespmem:s4+$0xE060];
	v4 =	vand.u32 $0x7FFFFFFF, v4  }
0x31a: {  	v14 =	vld [tilespmem:s4+$0x4000];
	v4 =	vadd.f32 v4, v6  }
0x31b: {  	v6 =	vld [tilespmem:s4+$0xC020]  }
0x31c: {  	[tilespmem:v10+s1+$0x0] =	vst.idx.add.f32.msk $0xffff, v4  }
0x31d: {  	v39 =	vsub.f32 v19, v20;
	v41 =	vsub.f32 v21, v22;
	v4 =	vld [tilespmem:s4+$0x2020]  }
0x31e: {  	v44 =	vsub.f32 v25, v26;
	v45 =	vsub.f32 v27, v28;
	v54 =	vshll.u32 v48, $0x4;
	v10 =	vld [tilespmem:s4+$0xE020]  }
0x31f: {  	v47 =	vsub.f32 v29, v30;
	v5 =	vadd.s32 v2, v5;
	v55 =	vor.u32 v0, v54;
	v7 =	vld [tilespmem:s4+$0xE010]  }
0x320: {  	v11 =	vand.u32 $0x7FFFFFFF, v11;
	v12 =	vand.u32 $0x7FFFFFFF, v12;
	v8 =	vsub.f32 v8, v9;
	v9 =	vld [tilespmem:s4+$0x10000]  }
0x321: {  	v51 =	vld [tilespmem:s4+$0x10050];
	v21 =	vand.u32 $0x7FFFFFFF, v44;
	v22 =	vand.u32 $0x7FFFFFFF, v45;
	v11 =	vadd.f32 v12, v11  }
0x322: {  	v52 =	vand.u32 $0x7FFFFFFF, v47;
	v12 =	vld [tilespmem:s4+$0x4010];
	v50 =	vadd.f32 v22, v21;
	v13 =	vsub.f32 v31, v13  }
0x323: {  	v8 =	vand.u32 $0x7FFFFFFF, v8;
	v6 =	vsub.f32 v16, v6;
	v4 =	vsub.f32 v4, v10;
	v10 =	vld [tilespmem:s4+$0x10010]  }
0x324: {  	v53 =	vld [tilespmem:s4+$0x18020];
	v13 =	vand.u32 $0x7FFFFFFF, v13;
	v7 =	vsub.f32 v15, v7;
	v15 =	vsub.f32 v17, v18  }
0x325: {  	[tilespmem:v5+s1+$0x0] =	vst.idx.add.f32.msk $0xffff, v3;
	v9 =	vsub.f32 v14, v9;
	v6 =	vand.u32 $0x7FFFFFFF, v6;
	v4 =	vand.u32 $0x7FFFFFFF, v4  }
0x326: {  	v17 =	vand.u32 $0x7FFFFFFF, v41;
	v13 =	vadd.f32 v13, v52;
	v4 =	vadd.f32 v4, v6;
	v6 =	vld [tilespmem:s4+$0x4030]  }
0x327: {  	v5 =	vadd.s32 v2, v54;
	v14 =	vld [tilespmem:s4+$0x18010];
	v16 =	vsub.f32 v38, v40;
	v9 =	vand.u32 $0x7FFFFFFF, v9  }
0x328: {  	v7 =	vand.u32 $0x7FFFFFFF, v7;
	v9 =	vadd.f32 v9, v11;
	v11 =	vld [tilespmem:s4+$0x10060];
	v10 =	vsub.f32 v12, v10  }
0x329: {  	v7 =	vadd.f32 v7, v8;
	v8 =	vand.u32 $0x7FFFFFFF, v15;
	v15 =	vand.u32 $0x7FFFFFFF, v39;
	v12 =	vld [tilespmem:s4+$0x4060]  }
0x32a: {  	v56 =	vld [tilespmem:s4+$0x18030];
	v8 =	vadd.f32 v15, v8;
	v15 =	vsub.f32 v23, v24;
	v10 =	vand.u32 $0x7FFFFFFF, v10  }
0x32b: {  	v7 =	vadd.f32 v10, v7;
	v10 =	vand.u32 $0x7FFFFFFF, v16;
	v6 =	vsub.f32 v6, v42  }
0x32c: {  	v15 =	vand.u32 $0x7FFFFFFF, v15;
	v57 =	vadd.f32 v10, v4;
	v4 =	vshll.u32 v14, $0x4  }
0x32d: {  	v61 =	vld [tilespmem:s4+$0x18060];
	v10 =	vsub.f32 v43, v46;
	v6 =	vand.u32 $0x7FFFFFFF, v6;
	v58 =	vor.u32 v0, v4  }
0x32e: {  	v14 =	vld [tilespmem:s4+$0x18040];
	v60 =	vadd.s32 v2, v4;
	v4 =	vsub.f32 v49, v51;
	v11 =	vsub.f32 v12, v11  }
0x32f: {  	[tilespmem:v55+s1+$0x0] =	vst.idx.add.f32.msk $0xffff, v9;
	v12 =	vshll.u32 v56, $0x4;
	v59 =	vadd.f32 v6, v8;
	v8 =	vshll.u32 v53, $0x4  }
0x330: {  	v15 =	vadd.f32 v15, v17;
	v6 =	vld [tilespmem:s4+$0x18050];
	v63 =	vor.u32 v0, v12;
	v9 =	vor.u32 v0, v8  }
0x331: {  	v62 =	vadd.s32 v2, v8;
	v8 =	vand.u32 $0x7FFFFFFF, v10;
	v4 =	vand.u32 $0x7FFFFFFF, v4  }
0x332: {  	[tilespmem:v5+s1+$0x0] =	vst.idx.add.f32.msk $0xffff, v3;
	v10 =	vadd.f32 v8, v15;
	v5 =	vadd.f32 v4, v50  }
0x333: {  	v4 =	vand.u32 $0x7FFFFFFF, v11;
	v11 =	vadd.s32 v2, v12;
	[tilespmem:v58+s1+$0x0] =	vst.idx.add.f32.msk $0xffff, v7;
	v7 =	vshll.u32 v14, $0x4  }
0x334: {  	v4 =	vadd.f32 v4, v13;
	[tilespmem:v60+s1+$0x0] =	vst.idx.add.f32.msk $0xffff, v3;
	v13 =	vor.u32 v0, v7  }
0x335: {  	v14 =	vshll.u32 v61, $0x4;
	v6 =	vshll.u32 v6, $0x4;
	v12 =	vadd.s32 v2, v7;
	[tilespmem:v63+s1+$0x0] =	vst.idx.add.f32.msk $0xffff, v59  }
0x336: {  	v7 =	vor.u32 v0, v14;
	[tilespmem:v9+s1+$0x0] =	vst.idx.add.f32.msk $0xffff, v57;
	v9 =	vor.u32 v0, v6  }
0x337: {  	s6 =	simm.s32 $0x80;
	s5 =	simm.s32 $0x400;
	s4 =	simm.s32 $0x0;
	v8 =	vadd.s32 v2, v6;
	v6 =	vadd.s32 v2, v14;
	[tilespmem:v62+s1+$0x0] =	vst.idx.add.f32.msk $0xffff, v3  }
.LBB2_10:
0x338: {  	s7 =	sand.u32 $0x1000, s6;
	s8 =	sand.u32 $0xC00, s5;
	[tilespmem:v11+s1+$0x0] =	vst.idx.add.f32.msk $0xffff, v3;
	s3 =	sadd.s32 $0x20, s3  }
0x339: {  	s7 =	sor.u32 s8, s7;
	s8 =	sand.u32 $0x380, s3;
	[tilespmem:v13+s1+$0x0] =	vst.idx.add.f32.msk $0xffff, v10  }
0x33a: {  	s7 =	sor.u32 s8, s7;
	[tilespmem:v12+s1+$0x0] =	vst.idx.add.f32.msk $0xffff, v3  }
0x33b: {  	v10 =	vld [tilespmem:s7+$0x4070]  }
0x33c: {  	v11 =	vld [tilespmem:s7+$0x10070]  }
0x33d: {  	v12 =	vld [tilespmem:s7+$0x70]  }
0x33e: {  	s4 =	sadd.s32 $0x8, s4;
	v13 =	vld [tilespmem:s7+$0xC070]  }
0x33f: {  	p0 =	slt.u32 s4, $0x1F8;
	v14 =	vld [tilespmem:s7+$0x2070]  }
0x340: {  	v15 =	vld [tilespmem:s7+$0xE070]  }
0x341: {  	v16 =	vld [tilespmem:s7+$0x18070]  }
0x342: {  	v17 =	vld [tilespmem:s7+$0x0]  }
0x343: {  	v18 =	vld [tilespmem:s7+$0xC000]  }
0x344: {  	v19 =	vld [tilespmem:s7+$0x2000]  }
0x345: {  	v12 =	vsub.f32 v12, v13;
	v20 =	vld [tilespmem:s7+$0xE000];
	v13 =	vsub.f32 v14, v15  }
0x346: {  	v10 =	vsub.f32 v10, v11;
	v14 =	vld [tilespmem:s7+$0x10];
	v11 =	vshll.u32 v16, $0x4  }
0x347: {  	v12 =	vand.u32 $0x7FFFFFFF, v12;
	v15 =	vld [tilespmem:s7+$0xC010];
	v13 =	vand.u32 $0x7FFFFFFF, v13;
	v16 =	vor.u32 v0, v11  }
0x348: {  	v11 =	vadd.s32 v2, v11;
	v17 =	vsub.f32 v17, v18;
	v18 =	vld [tilespmem:s7+$0x2010];
	v12 =	vadd.f32 v13, v12  }
0x349: {  	v10 =	vand.u32 $0x7FFFFFFF, v10;
	v13 =	vld [tilespmem:s7+$0xE010]  }
0x34a: {  	v17 =	vand.u32 $0x7FFFFFFF, v17;
	v19 =	vsub.f32 v19, v20;
	v20 =	vld [tilespmem:s7+$0x20];
	v10 =	vadd.f32 v10, v12  }
0x34b: {  	v12 =	vld [tilespmem:s7+$0xC020]  }
0x34c: {  	v19 =	vand.u32 $0x7FFFFFFF, v19;
	v14 =	vsub.f32 v14, v15;
	[tilespmem:v16+s1+$0x0] =	vst.idx.add.f32.msk $0xffff, v10  }
0x34d: {  	v10 =	vadd.f32 v19, v17;
	[tilespmem:v11+s1+$0x0] =	vst.idx.add.f32.msk $0xffff, v3  }
0x34e: {  	v11 =	vand.u32 $0x7FFFFFFF, v14;
	v13 =	vsub.f32 v18, v13;
	v14 =	vld [tilespmem:s7+$0x2020]  }
0x34f: {  	v15 =	vld [tilespmem:s7+$0xE020]  }
0x350: {  	v13 =	vand.u32 $0x7FFFFFFF, v13;
	v12 =	vsub.f32 v20, v12;
	v16 =	vld [tilespmem:s7+$0x30]  }
0x351: {  	v11 =	vadd.f32 v13, v11;
	v13 =	vld [tilespmem:s7+$0xC030]  }
0x352: {  	v12 =	vand.u32 $0x7FFFFFFF, v12;
	v17 =	vld [tilespmem:s7+$0x2030]  }
0x353: {  	v18 =	vld [tilespmem:s7+$0xE030]  }
0x354: {  	v14 =	vsub.f32 v14, v15;
	v15 =	vld [tilespmem:s7+$0x40]  }
0x355: {  	v19 =	vld [tilespmem:s7+$0xC040]  }
0x356: {  	v14 =	vand.u32 $0x7FFFFFFF, v14;
	v13 =	vsub.f32 v16, v13;
	v16 =	vld [tilespmem:s7+$0x2040]  }
0x357: {  	v12 =	vadd.f32 v14, v12;
	v14 =	vld [tilespmem:s7+$0xE040]  }
0x358: {  	v13 =	vand.u32 $0x7FFFFFFF, v13;
	v17 =	vsub.f32 v17, v18;
	v18 =	vld [tilespmem:s7+$0x50]  }
0x359: {  	v20 =	vld [tilespmem:s7+$0xC050]  }
0x35a: {  	v17 =	vand.u32 $0x7FFFFFFF, v17;
	v15 =	vsub.f32 v15, v19;
	v19 =	vld [tilespmem:s7+$0x2050]  }
0x35b: {  	v13 =	vadd.f32 v17, v13;
	v17 =	vld [tilespmem:s7+$0xE050]  }
0x35c: {  	v15 =	vand.u32 $0x7FFFFFFF, v15;
	v14 =	vsub.f32 v16, v14;
	v16 =	vld [tilespmem:s7+$0x60]  }
0x35d: {  	v21 =	vld [tilespmem:s7+$0xC060]  }
0x35e: {  	v14 =	vand.u32 $0x7FFFFFFF, v14;
	v18 =	vsub.f32 v18, v20;
	v20 =	vld [tilespmem:s7+$0x2060]  }
0x35f: {  	v14 =	vadd.f32 v14, v15;
	v15 =	vld [tilespmem:s7+$0xE060]  }
0x360: {  	v22 =	vld [tilespmem:s7+$0x4000];
	v18 =	vand.u32 $0x7FFFFFFF, v18;
	v17 =	vsub.f32 v19, v17  }
0x361: {  	v19 =	vld [tilespmem:s7+$0x10000]  }
0x362: {  	v23 =	vld [tilespmem:s7+$0x4010];
	v17 =	vand.u32 $0x7FFFFFFF, v17;
	v16 =	vsub.f32 v16, v21  }
0x363: {  	v21 =	vld [tilespmem:s7+$0x10010];
	v17 =	vadd.f32 v17, v18  }
0x364: {  	v18 =	vld [tilespmem:s7+$0x4020];
	v16 =	vand.u32 $0x7FFFFFFF, v16;
	v15 =	vsub.f32 v20, v15  }
0x365: {  	v20 =	vld [tilespmem:s7+$0x10020]  }
0x366: {  	v19 =	vsub.f32 v22, v19;
	v22 =	vld [tilespmem:s7+$0x4030];
	v15 =	vand.u32 $0x7FFFFFFF, v15  }
0x367: {  	v24 =	vld [tilespmem:s7+$0x10030];
	v15 =	vadd.f32 v15, v16  }
0x368: {  	v16 =	vand.u32 $0x7FFFFFFF, v19;
	v19 =	vsub.f32 v23, v21;
	v21 =	vld [tilespmem:s7+$0x4040]  }
0x369: {  	v16 =	vadd.f32 v16, v10;
	v10 =	vld [tilespmem:s7+$0x10040]  }
0x36a: {  	v19 =	vand.u32 $0x7FFFFFFF, v19;
	v18 =	vsub.f32 v18, v20;
	v20 =	vld [tilespmem:s7+$0x4050]  }
0x36b: {  	v19 =	vadd.f32 v19, v11;
	v11 =	vld [tilespmem:s7+$0x10050]  }
0x36c: {  	v18 =	vand.u32 $0x7FFFFFFF, v18;
	v22 =	vsub.f32 v22, v24;
	v23 =	vld [tilespmem:s7+$0x4060]  }
0x36d: {  	v18 =	vadd.f32 v18, v12;
	v12 =	vld [tilespmem:s7+$0x10060]  }
0x36e: {  	v24 =	vld [tilespmem:s7+$0x18000];
	v22 =	vand.u32 $0x7FFFFFFF, v22;
	v10 =	vsub.f32 v21, v10  }
0x36f: {  	v21 =	vld [tilespmem:s7+$0x18010];
	v22 =	vadd.f32 v22, v13  }
0x370: {  	v13 =	vld [tilespmem:s7+$0x18020];
	v10 =	vand.u32 $0x7FFFFFFF, v10;
	v11 =	vsub.f32 v20, v11  }
0x371: {  	v20 =	vld [tilespmem:s7+$0x18030];
	v10 =	vadd.f32 v10, v14  }
0x372: {  	v14 =	vld [tilespmem:s7+$0x18040];
	v11 =	vand.u32 $0x7FFFFFFF, v11;
	v12 =	vsub.f32 v23, v12  }
0x373: {  	v23 =	vshll.u32 v24, $0x4;
	v17 =	vadd.f32 v11, v17;
	v24 =	vld [tilespmem:s7+$0x18050]  }
0x374: {  	v25 =	vor.u32 v0, v23;
	v11 =	vshll.u32 v21, $0x4;
	v12 =	vand.u32 $0x7FFFFFFF, v12;
	v21 =	vld [tilespmem:s7+$0x18060]  }
0x375: {  	v23 =	vadd.s32 v2, v23;
	v13 =	vshll.u32 v13, $0x4;
	v15 =	vadd.f32 v12, v15;
	[tilespmem:v9+s1+$0x0] =	vst.idx.add.f32.msk $0xffff, v5  }
0x376: {  	v26 =	vor.u32 v0, v11;
	v27 =	vadd.s32 v2, v11;
	v5 =	vshll.u32 v20, $0x4;
	[tilespmem:v8+s1+$0x0] =	vst.idx.add.f32.msk $0xffff, v3  }
0x377: {  	v20 =	vor.u32 v0, v13;
	v28 =	vadd.s32 v2, v13;
	v8 =	vshll.u32 v14, $0x4;
	[tilespmem:v7+s1+$0x0] =	vst.idx.add.f32.msk $0xffff, v4  }
0x378: {  	v14 =	vor.u32 v0, v5;
	v11 =	vadd.s32 v2, v5;
	v4 =	vshll.u32 v24, $0x4;
	[tilespmem:v6+s1+$0x0] =	vst.idx.add.f32.msk $0xffff, v3  }
0x379: {  	v13 =	vor.u32 v0, v8;
	v12 =	vadd.s32 v2, v8;
	[tilespmem:v25+s1+$0x0] =	vst.idx.add.f32.msk $0xffff, v16;
	v6 =	vshll.u32 v21, $0x4  }
0x37a: {  	v9 =	vor.u32 v0, v4;
	v8 =	vadd.s32 v2, v4;
	v5 =	vmovc v17;
	v7 =	vor.u32 v0, v6  }
0x37b: {  	v6 =	vadd.s32 v2, v6;
	[tilespmem:v23+s1+$0x0] =	vst.idx.add.f32.msk $0xffff, v3;
	v4 =	vmov v15  }
.Ltmp4:
0x37c: {  	[tilespmem:v26+s1+$0x0] =	vst.idx.add.f32.msk $0xffff, v19;
	(pc) =	sbr.rel @p0 .LBB2_10-.Ltmp4, $4  }
0x37d: {  	[tilespmem:v27+s1+$0x0] =	vst.idx.add.f32.msk $0xffff, v3  }
0x37e: {  	[tilespmem:v20+s1+$0x0] =	vst.idx.add.f32.msk $0xffff, v18  }
0x37f: {  	[tilespmem:v28+s1+$0x0] =	vst.idx.add.f32.msk $0xffff, v3  }
0x380: {  	s5 =	sadd.s32 $0x400, s5;
	s6 =	sadd.s32 $0x80, s6;
	[tilespmem:v14+s1+$0x0] =	vst.idx.add.f32.msk $0xffff, v22  }
0x381: {  	_ =	sdelay $0x3  }
0x382: {  	[tilespmem:v11+s1+$0x0] =	vst.idx.add.f32.msk $0xffff, v3  }
0x383: {  	[tilespmem:v13+s1+$0x0] =	vst.idx.add.f32.msk $0xffff, v10  }
0x384: {  	[tilespmem:v9+s1+$0x0] =	vst.idx.add.f32.msk $0xffff, v5  }
0x385: {  	[tilespmem:v7+s1+$0x0] =	vst.idx.add.f32.msk $0xffff, v4  }
0x386: {  	[tilespmem:v12+s1+$0x0] =	vst.idx.add.f32.msk $0xffff, v3  }
0x387: {  	[tilespmem:v8+s1+$0x0] =	vst.idx.add.f32.msk $0xffff, v3  }
0x388: {  	[tilespmem:v6+s1+$0x0] =	vst.idx.add.f32.msk $0xffff, v3  }
0x389: {  	_ =	swait.ge [sflag:s15], $0x6000  }
0x38a: {  	[sflag:s15] =	ssyncset.done $0x0  }
0x38b: {  	[sflag:s15] =	ssyncadd.s32 $0xFFFFA000  }
0x38c: {  	_ =	swait.ge [sflag:s15], $0x6000  }
0x38d: {  	[sflag:s15] =	ssyncset.done $0x0  }
0x38e: {  	s3 =	simm.s32 $0x0;
	[sflag:s15] =	ssyncadd.s32 $0xFFFFA000  }
0x38f: {  	s4 =	sand.u32 $0x1000, s3;
	s5 =	sand.u32 $0xC00, s3;
	_ =	swait.ge [sflag:s15], $0x2000  }
0x390: {  	s8 =	sand.u32 $0x380, s3;
	s4 =	sor.u32 s5, s4;
	[sflag:s15] =	ssyncset.done $0x0  }
0x391: {  	s4 =	sor.u32 s8, s4;
	[sflag:s15] =	ssyncadd.s32 $0xFFFFE000  }
0x392: {  	v4 =	vld [tilespmem:s4+$0xA070]  }
0x393: {  	v5 =	vld [tilespmem:s4+$0x16070]  }
0x394: {  	v6 =	vld [tilespmem:s4+$0x6070]  }
0x395: {  	v7 =	vld [tilespmem:s4+$0x12070]  }
0x396: {  	v8 =	vld [tilespmem:s4+$0x8070]  }
0x397: {  	v9 =	vld [tilespmem:s4+$0x14070]  }
0x398: {  	v10 =	vld [tilespmem:s4+$0x1A070]  }
0x399: {  	v11 =	vld [tilespmem:s4+$0x6000]  }
0x39a: {  	v12 =	vld [tilespmem:s4+$0x12000]  }
0x39b: {  	v13 =	vld [tilespmem:s4+$0x8000]  }
0x39c: {  	v14 =	vld [tilespmem:s4+$0x14000]  }
0x39d: {  	v15 =	vld [tilespmem:s4+$0x8010]  }
0x39e: {  	v16 =	vld [tilespmem:s4+$0x6020]  }
0x39f: {  	v17 =	vld [tilespmem:s4+$0x6030]  }
0x3a0: {  	v18 =	vld [tilespmem:s4+$0x12030]  }
0x3a1: {  	v19 =	vld [tilespmem:s4+$0x8030]  }
0x3a2: {  	v20 =	vld [tilespmem:s4+$0x14030]  }
0x3a3: {  	v21 =	vld [tilespmem:s4+$0x6040]  }
0x3a4: {  	v22 =	vld [tilespmem:s4+$0x12040]  }
0x3a5: {  	v23 =	vld [tilespmem:s4+$0x8040]  }
0x3a6: {  	v24 =	vld [tilespmem:s4+$0x14040]  }
0x3a7: {  	v25 =	vld [tilespmem:s4+$0x6050]  }
0x3a8: {  	v26 =	vld [tilespmem:s4+$0x12050]  }
0x3a9: {  	v27 =	vld [tilespmem:s4+$0x8050]  }
0x3aa: {  	v28 =	vld [tilespmem:s4+$0x14050]  }
0x3ab: {  	v29 =	vld [tilespmem:s4+$0x6060]  }
0x3ac: {  	v30 =	vld [tilespmem:s4+$0x12060]  }
0x3ad: {  	v31 =	vld [tilespmem:s4+$0x8060]  }
0x3ae: {  	v38 =	vld [tilespmem:s4+$0xA020]  }
0x3af: {  	v40 =	vld [tilespmem:s4+$0x16020]  }
0x3b0: {  	v42 =	vld [tilespmem:s4+$0x16030]  }
0x3b1: {  	v43 =	vld [tilespmem:s4+$0xA040]  }
0x3b2: {  	v46 =	vld [tilespmem:s4+$0x16040]  }
0x3b3: {  	v48 =	vld [tilespmem:s4+$0x1A000];
	v6 =	vsub.f32 v6, v7;
	v7 =	vsub.f32 v8, v9  }
0x3b4: {  	v49 =	vld [tilespmem:s4+$0xA050];
	v4 =	vsub.f32 v4, v5;
	v5 =	vshll.u32 v10, $0x4  }
0x3b5: {  	v8 =	vld [tilespmem:s4+$0x6010];
	v10 =	vor.u32 v0, v5;
	v6 =	vand.u32 $0x7FFFFFFF, v6;
	v7 =	vand.u32 $0x7FFFFFFF, v7  }
0x3b6: {  	v9 =	vld [tilespmem:s4+$0x12010];
	v6 =	vadd.f32 v7, v6  }
0x3b7: {  	v11 =	vsub.f32 v11, v12;
	v12 =	vsub.f32 v13, v14;
	v13 =	vld [tilespmem:s4+$0x14060];
	v4 =	vand.u32 $0x7FFFFFFF, v4  }
0x3b8: {  	v14 =	vld [tilespmem:s4+$0xA000];
	v4 =	vadd.f32 v4, v6  }
0x3b9: {  	v6 =	vld [tilespmem:s4+$0x12020]  }
0x3ba: {  	[tilespmem:v10+s1+$0x0] =	vst.idx.add.f32.msk $0xffff, v4  }
0x3bb: {  	v39 =	vsub.f32 v19, v20;
	v41 =	vsub.f32 v21, v22;
	v4 =	vld [tilespmem:s4+$0x8020]  }
0x3bc: {  	v44 =	vsub.f32 v25, v26;
	v45 =	vsub.f32 v27, v28;
	v54 =	vshll.u32 v48, $0x4;
	v10 =	vld [tilespmem:s4+$0x14020]  }
0x3bd: {  	v47 =	vsub.f32 v29, v30;
	v5 =	vadd.s32 v2, v5;
	v55 =	vor.u32 v0, v54;
	v7 =	vld [tilespmem:s4+$0x14010]  }
0x3be: {  	v11 =	vand.u32 $0x7FFFFFFF, v11;
	v12 =	vand.u32 $0x7FFFFFFF, v12;
	v8 =	vsub.f32 v8, v9;
	v9 =	vld [tilespmem:s4+$0x16000]  }
0x3bf: {  	v51 =	vld [tilespmem:s4+$0x16050];
	v21 =	vand.u32 $0x7FFFFFFF, v44;
	v22 =	vand.u32 $0x7FFFFFFF, v45;
	v11 =	vadd.f32 v12, v11  }
0x3c0: {  	v52 =	vand.u32 $0x7FFFFFFF, v47;
	v12 =	vld [tilespmem:s4+$0xA010];
	v50 =	vadd.f32 v22, v21;
	v13 =	vsub.f32 v31, v13  }
0x3c1: {  	v8 =	vand.u32 $0x7FFFFFFF, v8;
	v6 =	vsub.f32 v16, v6;
	v4 =	vsub.f32 v4, v10;
	v10 =	vld [tilespmem:s4+$0x16010]  }
0x3c2: {  	v53 =	vld [tilespmem:s4+$0x1A020];
	v13 =	vand.u32 $0x7FFFFFFF, v13;
	v7 =	vsub.f32 v15, v7;
	v15 =	vsub.f32 v17, v18  }
0x3c3: {  	[tilespmem:v5+s1+$0x0] =	vst.idx.add.f32.msk $0xffff, v3;
	v9 =	vsub.f32 v14, v9;
	v6 =	vand.u32 $0x7FFFFFFF, v6;
	v4 =	vand.u32 $0x7FFFFFFF, v4  }
0x3c4: {  	v17 =	vand.u32 $0x7FFFFFFF, v41;
	v13 =	vadd.f32 v13, v52;
	v4 =	vadd.f32 v4, v6;
	v6 =	vld [tilespmem:s4+$0xA030]  }
0x3c5: {  	v5 =	vadd.s32 v2, v54;
	v14 =	vld [tilespmem:s4+$0x1A010];
	v16 =	vsub.f32 v38, v40;
	v9 =	vand.u32 $0x7FFFFFFF, v9  }
0x3c6: {  	v7 =	vand.u32 $0x7FFFFFFF, v7;
	v9 =	vadd.f32 v9, v11;
	v11 =	vld [tilespmem:s4+$0x16060];
	v10 =	vsub.f32 v12, v10  }
0x3c7: {  	v7 =	vadd.f32 v7, v8;
	v8 =	vand.u32 $0x7FFFFFFF, v15;
	v15 =	vand.u32 $0x7FFFFFFF, v39;
	v12 =	vld [tilespmem:s4+$0xA060]  }
0x3c8: {  	v56 =	vld [tilespmem:s4+$0x1A030];
	v8 =	vadd.f32 v15, v8;
	v15 =	vsub.f32 v23, v24;
	v10 =	vand.u32 $0x7FFFFFFF, v10  }
0x3c9: {  	v7 =	vadd.f32 v10, v7;
	v10 =	vand.u32 $0x7FFFFFFF, v16;
	v6 =	vsub.f32 v6, v42  }
0x3ca: {  	v15 =	vand.u32 $0x7FFFFFFF, v15;
	v57 =	vadd.f32 v10, v4;
	v4 =	vshll.u32 v14, $0x4  }
0x3cb: {  	v61 =	vld [tilespmem:s4+$0x1A060];
	v10 =	vsub.f32 v43, v46;
	v6 =	vand.u32 $0x7FFFFFFF, v6;
	v58 =	vor.u32 v0, v4  }
0x3cc: {  	v14 =	vld [tilespmem:s4+$0x1A040];
	v60 =	vadd.s32 v2, v4;
	v4 =	vsub.f32 v49, v51;
	v11 =	vsub.f32 v12, v11  }
0x3cd: {  	[tilespmem:v55+s1+$0x0] =	vst.idx.add.f32.msk $0xffff, v9;
	v12 =	vshll.u32 v56, $0x4;
	v59 =	vadd.f32 v6, v8;
	v8 =	vshll.u32 v53, $0x4  }
0x3ce: {  	v15 =	vadd.f32 v15, v17;
	v6 =	vld [tilespmem:s4+$0x1A050];
	v63 =	vor.u32 v0, v12;
	v9 =	vor.u32 v0, v8  }
0x3cf: {  	v62 =	vadd.s32 v2, v8;
	v8 =	vand.u32 $0x7FFFFFFF, v10;
	v4 =	vand.u32 $0x7FFFFFFF, v4  }
0x3d0: {  	[tilespmem:v5+s1+$0x0] =	vst.idx.add.f32.msk $0xffff, v3;
	v10 =	vadd.f32 v8, v15;
	v5 =	vadd.f32 v4, v50  }
0x3d1: {  	v4 =	vand.u32 $0x7FFFFFFF, v11;
	v11 =	vadd.s32 v2, v12;
	[tilespmem:v58+s1+$0x0] =	vst.idx.add.f32.msk $0xffff, v7;
	v7 =	vshll.u32 v14, $0x4  }
0x3d2: {  	v4 =	vadd.f32 v4, v13;
	[tilespmem:v60+s1+$0x0] =	vst.idx.add.f32.msk $0xffff, v3;
	v13 =	vor.u32 v0, v7  }
0x3d3: {  	v14 =	vshll.u32 v61, $0x4;
	v6 =	vshll.u32 v6, $0x4;
	v12 =	vadd.s32 v2, v7;
	[tilespmem:v63+s1+$0x0] =	vst.idx.add.f32.msk $0xffff, v59  }
0x3d4: {  	v7 =	vor.u32 v0, v14;
	[tilespmem:v9+s1+$0x0] =	vst.idx.add.f32.msk $0xffff, v57;
	v9 =	vor.u32 v0, v6  }
0x3d5: {  	s6 =	simm.s32 $0x80;
	s5 =	simm.s32 $0x400;
	s4 =	simm.s32 $0x0;
	v8 =	vadd.s32 v2, v6;
	v6 =	vadd.s32 v2, v14;
	[tilespmem:v62+s1+$0x0] =	vst.idx.add.f32.msk $0xffff, v3  }
.LBB2_12:
0x3d6: {  	s7 =	sand.u32 $0x1000, s6;
	s8 =	sand.u32 $0xC00, s5;
	[tilespmem:v11+s1+$0x0] =	vst.idx.add.f32.msk $0xffff, v3;
	s3 =	sadd.s32 $0x20, s3  }
0x3d7: {  	s7 =	sor.u32 s8, s7;
	s8 =	sand.u32 $0x380, s3;
	[tilespmem:v13+s1+$0x0] =	vst.idx.add.f32.msk $0xffff, v10  }
0x3d8: {  	s7 =	sor.u32 s8, s7;
	[tilespmem:v12+s1+$0x0] =	vst.idx.add.f32.msk $0xffff, v3  }
0x3d9: {  	v10 =	vld [tilespmem:s7+$0xA070]  }
0x3da: {  	v11 =	vld [tilespmem:s7+$0x16070]  }
0x3db: {  	v12 =	vld [tilespmem:s7+$0x6070]  }
0x3dc: {  	s4 =	sadd.s32 $0x8, s4;
	v13 =	vld [tilespmem:s7+$0x12070]  }
0x3dd: {  	p0 =	slt.u32 s4, $0x1F8;
	v14 =	vld [tilespmem:s7+$0x8070]  }
0x3de: {  	v15 =	vld [tilespmem:s7+$0x14070]  }
0x3df: {  	v16 =	vld [tilespmem:s7+$0x1A070]  }
0x3e0: {  	v17 =	vld [tilespmem:s7+$0x6000]  }
0x3e1: {  	v18 =	vld [tilespmem:s7+$0x12000]  }
0x3e2: {  	v19 =	vld [tilespmem:s7+$0x8000]  }
0x3e3: {  	v12 =	vsub.f32 v12, v13;
	v20 =	vld [tilespmem:s7+$0x14000];
	v13 =	vsub.f32 v14, v15  }
0x3e4: {  	v10 =	vsub.f32 v10, v11;
	v14 =	vld [tilespmem:s7+$0x6010];
	v11 =	vshll.u32 v16, $0x4  }
0x3e5: {  	v12 =	vand.u32 $0x7FFFFFFF, v12;
	v15 =	vld [tilespmem:s7+$0x12010];
	v13 =	vand.u32 $0x7FFFFFFF, v13;
	v16 =	vor.u32 v0, v11  }
0x3e6: {  	v11 =	vadd.s32 v2, v11;
	v17 =	vsub.f32 v17, v18;
	v18 =	vld [tilespmem:s7+$0x8010];
	v12 =	vadd.f32 v13, v12  }
0x3e7: {  	v10 =	vand.u32 $0x7FFFFFFF, v10;
	v13 =	vld [tilespmem:s7+$0x14010]  }
0x3e8: {  	v17 =	vand.u32 $0x7FFFFFFF, v17;
	v19 =	vsub.f32 v19, v20;
	v20 =	vld [tilespmem:s7+$0x6020];
	v10 =	vadd.f32 v10, v12  }
0x3e9: {  	v12 =	vld [tilespmem:s7+$0x12020]  }
0x3ea: {  	v19 =	vand.u32 $0x7FFFFFFF, v19;
	v14 =	vsub.f32 v14, v15;
	[tilespmem:v16+s1+$0x0] =	vst.idx.add.f32.msk $0xffff, v10  }
0x3eb: {  	v10 =	vadd.f32 v19, v17;
	[tilespmem:v11+s1+$0x0] =	vst.idx.add.f32.msk $0xffff, v3  }
0x3ec: {  	v11 =	vand.u32 $0x7FFFFFFF, v14;
	v13 =	vsub.f32 v18, v13;
	v14 =	vld [tilespmem:s7+$0x8020]  }
0x3ed: {  	v15 =	vld [tilespmem:s7+$0x14020]  }
0x3ee: {  	v13 =	vand.u32 $0x7FFFFFFF, v13;
	v12 =	vsub.f32 v20, v12;
	v16 =	vld [tilespmem:s7+$0x6030]  }
0x3ef: {  	v11 =	vadd.f32 v13, v11;
	v13 =	vld [tilespmem:s7+$0x12030]  }
0x3f0: {  	v12 =	vand.u32 $0x7FFFFFFF, v12;
	v17 =	vld [tilespmem:s7+$0x8030]  }
0x3f1: {  	v18 =	vld [tilespmem:s7+$0x14030]  }
0x3f2: {  	v14 =	vsub.f32 v14, v15;
	v15 =	vld [tilespmem:s7+$0x6040]  }
0x3f3: {  	v19 =	vld [tilespmem:s7+$0x12040]  }
0x3f4: {  	v14 =	vand.u32 $0x7FFFFFFF, v14;
	v13 =	vsub.f32 v16, v13;
	v16 =	vld [tilespmem:s7+$0x8040]  }
0x3f5: {  	v12 =	vadd.f32 v14, v12;
	v14 =	vld [tilespmem:s7+$0x14040]  }
0x3f6: {  	v13 =	vand.u32 $0x7FFFFFFF, v13;
	v17 =	vsub.f32 v17, v18;
	v18 =	vld [tilespmem:s7+$0x6050]  }
0x3f7: {  	v20 =	vld [tilespmem:s7+$0x12050]  }
0x3f8: {  	v17 =	vand.u32 $0x7FFFFFFF, v17;
	v15 =	vsub.f32 v15, v19;
	v19 =	vld [tilespmem:s7+$0x8050]  }
0x3f9: {  	v13 =	vadd.f32 v17, v13;
	v17 =	vld [tilespmem:s7+$0x14050]  }
0x3fa: {  	v15 =	vand.u32 $0x7FFFFFFF, v15;
	v14 =	vsub.f32 v16, v14;
	v16 =	vld [tilespmem:s7+$0x6060]  }
0x3fb: {  	v21 =	vld [tilespmem:s7+$0x12060]  }
0x3fc: {  	v14 =	vand.u32 $0x7FFFFFFF, v14;
	v18 =	vsub.f32 v18, v20;
	v20 =	vld [tilespmem:s7+$0x8060]  }
0x3fd: {  	v14 =	vadd.f32 v14, v15;
	v15 =	vld [tilespmem:s7+$0x14060]  }
0x3fe: {  	v22 =	vld [tilespmem:s7+$0xA000];
	v18 =	vand.u32 $0x7FFFFFFF, v18;
	v17 =	vsub.f32 v19, v17  }
0x3ff: {  	v19 =	vld [tilespmem:s7+$0x16000]  }
0x400: {  	v23 =	vld [tilespmem:s7+$0xA010];
	v17 =	vand.u32 $0x7FFFFFFF, v17;
	v16 =	vsub.f32 v16, v21  }
0x401: {  	v21 =	vld [tilespmem:s7+$0x16010];
	v17 =	vadd.f32 v17, v18  }
0x402: {  	v18 =	vld [tilespmem:s7+$0xA020];
	v16 =	vand.u32 $0x7FFFFFFF, v16;
	v15 =	vsub.f32 v20, v15  }
0x403: {  	v20 =	vld [tilespmem:s7+$0x16020]  }
0x404: {  	v19 =	vsub.f32 v22, v19;
	v22 =	vld [tilespmem:s7+$0xA030];
	v15 =	vand.u32 $0x7FFFFFFF, v15  }
0x405: {  	v24 =	vld [tilespmem:s7+$0x16030];
	v15 =	vadd.f32 v15, v16  }
0x406: {  	v16 =	vand.u32 $0x7FFFFFFF, v19;
	v19 =	vsub.f32 v23, v21;
	v21 =	vld [tilespmem:s7+$0xA040]  }
0x407: {  	v16 =	vadd.f32 v16, v10;
	v10 =	vld [tilespmem:s7+$0x16040]  }
0x408: {  	v19 =	vand.u32 $0x7FFFFFFF, v19;
	v18 =	vsub.f32 v18, v20;
	v20 =	vld [tilespmem:s7+$0xA050]  }
0x409: {  	v19 =	vadd.f32 v19, v11;
	v11 =	vld [tilespmem:s7+$0x16050]  }
0x40a: {  	v18 =	vand.u32 $0x7FFFFFFF, v18;
	v22 =	vsub.f32 v22, v24;
	v23 =	vld [tilespmem:s7+$0xA060]  }
0x40b: {  	v18 =	vadd.f32 v18, v12;
	v12 =	vld [tilespmem:s7+$0x16060]  }
0x40c: {  	v24 =	vld [tilespmem:s7+$0x1A000];
	v22 =	vand.u32 $0x7FFFFFFF, v22;
	v10 =	vsub.f32 v21, v10  }
0x40d: {  	v21 =	vld [tilespmem:s7+$0x1A010];
	v22 =	vadd.f32 v22, v13  }
0x40e: {  	v13 =	vld [tilespmem:s7+$0x1A020];
	v10 =	vand.u32 $0x7FFFFFFF, v10;
	v11 =	vsub.f32 v20, v11  }
0x40f: {  	v20 =	vld [tilespmem:s7+$0x1A030];
	v10 =	vadd.f32 v10, v14  }
0x410: {  	v14 =	vld [tilespmem:s7+$0x1A040];
	v11 =	vand.u32 $0x7FFFFFFF, v11;
	v12 =	vsub.f32 v23, v12  }
0x411: {  	v23 =	vshll.u32 v24, $0x4;
	v17 =	vadd.f32 v11, v17;
	v24 =	vld [tilespmem:s7+$0x1A050]  }
0x412: {  	v25 =	vor.u32 v0, v23;
	v11 =	vshll.u32 v21, $0x4;
	v12 =	vand.u32 $0x7FFFFFFF, v12;
	v21 =	vld [tilespmem:s7+$0x1A060]  }
0x413: {  	v23 =	vadd.s32 v2, v23;
	v13 =	vshll.u32 v13, $0x4;
	v15 =	vadd.f32 v12, v15;
	[tilespmem:v9+s1+$0x0] =	vst.idx.add.f32.msk $0xffff, v5  }
0x414: {  	v26 =	vor.u32 v0, v11;
	v27 =	vadd.s32 v2, v11;
	v5 =	vshll.u32 v20, $0x4;
	[tilespmem:v8+s1+$0x0] =	vst.idx.add.f32.msk $0xffff, v3  }
0x415: {  	v20 =	vor.u32 v0, v13;
	v28 =	vadd.s32 v2, v13;
	v8 =	vshll.u32 v14, $0x4;
	[tilespmem:v7+s1+$0x0] =	vst.idx.add.f32.msk $0xffff, v4  }
0x416: {  	v14 =	vor.u32 v0, v5;
	v11 =	vadd.s32 v2, v5;
	v4 =	vshll.u32 v24, $0x4;
	[tilespmem:v6+s1+$0x0] =	vst.idx.add.f32.msk $0xffff, v3  }
0x417: {  	v13 =	vor.u32 v0, v8;
	v12 =	vadd.s32 v2, v8;
	[tilespmem:v25+s1+$0x0] =	vst.idx.add.f32.msk $0xffff, v16;
	v6 =	vshll.u32 v21, $0x4  }
0x418: {  	v9 =	vor.u32 v0, v4;
	v8 =	vadd.s32 v2, v4;
	v5 =	vmovc v17;
	v7 =	vor.u32 v0, v6  }
0x419: {  	v6 =	vadd.s32 v2, v6;
	[tilespmem:v23+s1+$0x0] =	vst.idx.add.f32.msk $0xffff, v3;
	v4 =	vmov v15  }
.Ltmp5:
0x41a: {  	[tilespmem:v26+s1+$0x0] =	vst.idx.add.f32.msk $0xffff, v19;
	(pc) =	sbr.rel @p0 .LBB2_12-.Ltmp5, $4  }
0x41b: {  	[tilespmem:v27+s1+$0x0] =	vst.idx.add.f32.msk $0xffff, v3  }
0x41c: {  	[tilespmem:v20+s1+$0x0] =	vst.idx.add.f32.msk $0xffff, v18  }
0x41d: {  	[tilespmem:v28+s1+$0x0] =	vst.idx.add.f32.msk $0xffff, v3  }
0x41e: {  	s5 =	sadd.s32 $0x400, s5;
	s6 =	sadd.s32 $0x80, s6;
	[tilespmem:v14+s1+$0x0] =	vst.idx.add.f32.msk $0xffff, v22  }
0x41f: {  	_ =	sdelay $0x3  }
0x420: {  	[tilespmem:v11+s1+$0x0] =	vst.idx.add.f32.msk $0xffff, v3  }
0x421: {  	[tilespmem:v13+s1+$0x0] =	vst.idx.add.f32.msk $0xffff, v10  }
0x422: {  	[tilespmem:v9+s1+$0x0] =	vst.idx.add.f32.msk $0xffff, v5  }
0x423: {  	[tilespmem:v7+s1+$0x0] =	vst.idx.add.f32.msk $0xffff, v4  }
0x424: {  	s2 =	sadd.s32 $0x1, s2;
	[tilespmem:v12+s1+$0x0] =	vst.idx.add.f32.msk $0xffff, v3  }
0x425: {  	[tilespmem:v8+s1+$0x0] =	vst.idx.add.f32.msk $0xffff, v3;
	p0 =	sne.s32 s2, s23  }
.Ltmp6:
0x426: {  	[tilespmem:v6+s1+$0x0] =	vst.idx.add.f32.msk $0xffff, v3;
	(pc) =	sbr.rel @p0 .LBB2_1-.Ltmp6, $4  }
0x427: {  	[hbm4b:s22+s13] =	stream.linear.scatter [tilespmem:s1], [sflag:$0x2], $0x300, $0x38;
	[tilespmem:$0x1C300] =	vst v63  }
0x428: {  	_ =	swait.ge [sflag:s0], $0x300  }
0x429: {  	[sflag:s0] =	ssyncset.done $0x0  }
0x42a: {  	[sflag:s0] =	ssyncadd.s32 $0xFFFFFD00  }
0x42b: {  	_ =	sfence.sel $0x180000  }
0x42c: {  	[bflag:$0x0] =	sbarrier.arrive $0xFFFF  }
0x42d: {  	_ =	strace $0x90000047  }
0x42e: {  	s0 =	stileid.u32;
	[bflag:$0x2] =	sbarrier.arrive $0xFFFF  }
0x42f: {  	p0 =	sne.s32 s0, $0x0;
	s0 =	rddreg [dreg:$0x4]  }
0x430: {  	s0 =	sadd.s32 @!p0 $0x100000, s0  }
0x431: {  	[sflag:s0] =	ssyncadd.tile.s32 @!p0 $0x1;
	_ =	shalt  }
.Lfunc_end2:
_tile_overlayer_lowered:
.L_overlay_start_2:
0x432: {  	(tag) =	ssettag $0x2  }
0x433: {  	s0 =	rddreg [dreg:$0x0];
	s2 =	stileid.u32  }
0x434: {  	s1 =	rddreg [dreg:$0x1];
	p0 =	sne.s32 s2, $0x0  }
0x435: {  	s3 =	rddreg [dreg:$0x2];
	[bflag:$0x3] =	sbarrier.arrive $0xFFFF;
	s2 =	simm.s32 @!p0 $0x1C02  }
0x436: {  	[timem:s3], [sflag:s2] =	dma.local @!p0 [hbm:s0], s1  }
0x437: {  	s0 =	simm.s32 @!p0 $0x2  }
0x438: {  	_ =	swait.ge @!p0 [sflag:s0], s1  }
0x439: {  	s1 =	ssub.s32 @!p0 $0x0, s1;
	[sflag:s0] =	ssyncset.done @!p0 $0x0  }
0x43a: {  	[sflag:s0] =	ssyncadd.s32 @!p0 s1  }
0x43b: {  	[bflag:$0x3] =	sbarrier.arrive $0xFFFF  }
0x43c: {  	_ =	shalt  }

</sc_bundles>
